<compile_context>
chip_gen: v7x
topology: tpu7x:2x2x1
jax: 0.10.2.dev20260603
libtpu: 0.0.44.dev20260713+nightly
codegen_flags: <defaults>
</compile_context>

<pallas_src>
import functools

import numpy as np
import jax
import jax.numpy as jnp
from jax import lax
from jax.experimental import pallas as pl
from jax.experimental.pallas import tpu as pltpu
from jax.experimental.pallas import tpu_sc as plsc

_SPATIAL = [(64, 64), (32, 32), (16, 16), (8, 8)]
_NHEADS = 8
_NLEVELS = 4
_NPOINTS = 4
_DMODEL = 256
_HDIM = 32
_NCHAN = _NHEADS * _NLEVELS * _NPOINTS
_OFFS = [0]
for _h, _w in _SPATIAL:
    _OFFS.append(_OFFS[-1] + _h * _w)
_LEN_V = _OFFS[-1]

_c = np.arange(_NCHAN)
_hh = _c // (_NLEVELS * _NPOINTS)
_ll = (_c // _NPOINTS) % _NLEVELS
_Hl = np.array([s[0] for s in _SPATIAL], np.int64)[_ll]
_Wl = np.array([s[1] for s in _SPATIAL], np.int64)[_ll]
_CF = np.stack([
    (1.0 / _Hl.astype(np.float64)).astype(np.float32),
    (1.0 / _Wl.astype(np.float64)).astype(np.float32),
    (_Wl - 2).astype(np.float32),
    (_Hl - 2).astype(np.float32),
])
_CI = np.stack([
    (np.array(_OFFS[:-1], np.int64)[_ll] * _NHEADS).astype(np.int32),
    (_Wl * _NHEADS).astype(np.int32),
    _hh.astype(np.int32),
])
_GMAT = (_c.reshape(_NCHAN, 1) // (_NLEVELS * _NPOINTS) ==
         np.arange(_NHEADS).reshape(1, _NHEADS)).astype(np.float32)
_GMATT = np.ascontiguousarray(_GMAT.T)

_QBLK = 680


def _ab_body(q_ref, val_ref, rpx_ref, rpy_ref, Wv_ref, bv_ref, Wox_ref,
             box_ref, Woy_ref, boy_ref, Wa_ref, ba_ref, cf_ref, ci_ref,
             g_ref, gt_ref, v_ref, idx_ref, w_ref):
    b = pl.program_id(0)
    q = q_ref[0]
    v_ref[0] = jnp.dot(val_ref[0], Wv_ref[...]) + bv_ref[...]
    sox = jnp.dot(q, Wox_ref[...]) + box_ref[...]
    soy = jnp.dot(q, Woy_ref[...]) + boy_ref[...]
    logits = jnp.dot(q, Wa_ref[...]) + ba_ref[...]
    m = jnp.max(logits, axis=-1, keepdims=True)
    e = jnp.exp(logits - m)
    aw1 = e / jnp.sum(e, axis=-1, keepdims=True)
    e2 = jnp.exp(aw1)
    den = jnp.dot(jnp.dot(e2, g_ref[...], precision=lax.Precision.HIGHEST),
                  gt_ref[...], precision=lax.Precision.HIGHEST)
    aw2 = e2 / den
    wm2f = cf_ref[2:3]
    hm2f = cf_ref[3:4]
    cx = rpx_ref[0] + sox * cf_ref[0:1]
    cy = rpy_ref[0] + soy * cf_ref[1:2]
    x = 0.5 * ((cx + 1.0) * wm2f)
    y = 0.5 * ((cy + 1.0) * hm2f)
    x0f = jnp.floor(x)
    y0f = jnp.floor(y)
    fx = x - x0f
    fy = y - y0f
    valid = ((x0f >= 0.0) & (x0f <= wm2f) & (y0f >= 0.0) & (y0f <= hm2f))
    awv = jnp.where(valid, aw2, 0.0)
    x0 = jnp.clip(x0f, 0.0, wm2f).astype(jnp.int32)
    y0 = jnp.clip(y0f, 0.0, hm2f).astype(jnp.int32)
    w8 = ci_ref[1:2]
    base = (b * (_LEN_V * _NHEADS) + ci_ref[0:1]
            + y0 * w8 + x0 * _NHEADS + ci_ref[2:3])
    idx_ref[0, :, 0:128] = base
    idx_ref[0, :, 128:256] = base + _NHEADS
    idx_ref[0, :, 256:384] = base + w8
    idx_ref[0, :, 384:512] = base + w8 + _NHEADS
    gx = 1.0 - fx
    gy = 1.0 - fy
    w_ref[0, :, 0:128] = gx * gy * awv
    w_ref[0, :, 128:256] = fx * gy * awv
    w_ref[0, :, 256:384] = gx * fy * awv
    w_ref[0, :, 384:512] = fx * fy * awv


def _tc_precompute(query, value, rpx, rpy, Wv, bv2, Wox, box, Woy, boy,
                   Watt, batt2, cf, ci, g, gt):
    bs, len_q, _ = query.shape
    len_v = value.shape[1]
    nqb = len_q // _QBLK
    d = _DMODEL
    c = _NCHAN
    return pl.pallas_call(
        _ab_body,
        grid=(bs, nqb),
        in_specs=[
            pl.BlockSpec((1, _QBLK, d), lambda b, i: (b, i, 0)),
            pl.BlockSpec((1, _QBLK, d), lambda b, i: (b, i, 0)),
            pl.BlockSpec((1, _QBLK, c), lambda b, i: (b, i, 0)),
            pl.BlockSpec((1, _QBLK, c), lambda b, i: (b, i, 0)),
            pl.BlockSpec((d, d), lambda b, i: (0, 0)),
            pl.BlockSpec((1, d), lambda b, i: (0, 0)),
            pl.BlockSpec((d, c), lambda b, i: (0, 0)),
            pl.BlockSpec((1, c), lambda b, i: (0, 0)),
            pl.BlockSpec((d, c), lambda b, i: (0, 0)),
            pl.BlockSpec((1, c), lambda b, i: (0, 0)),
            pl.BlockSpec((d, c), lambda b, i: (0, 0)),
            pl.BlockSpec((1, c), lambda b, i: (0, 0)),
            pl.BlockSpec((4, c), lambda b, i: (0, 0)),
            pl.BlockSpec((3, c), lambda b, i: (0, 0)),
            pl.BlockSpec((c, _NHEADS), lambda b, i: (0, 0)),
            pl.BlockSpec((_NHEADS, c), lambda b, i: (0, 0)),
        ],
        out_specs=[
            pl.BlockSpec((1, _QBLK, d), lambda b, i: (b, i, 0)),
            pl.BlockSpec((1, _QBLK, 4 * c), lambda b, i: (b, i, 0)),
            pl.BlockSpec((1, _QBLK, 4 * c), lambda b, i: (b, i, 0)),
        ],
        out_shape=[
            jax.ShapeDtypeStruct((bs, len_v, d), jnp.float32),
            jax.ShapeDtypeStruct((bs, len_q, 4 * c), jnp.int32),
            jax.ShapeDtypeStruct((bs, len_q, 4 * c), jnp.float32),
        ],
    )(query, value, rpx, rpy, Wv, bv2, Wox, box, Woy, boy, Watt, batt2,
      cf, ci, g, gt)


def _out_body(x_ref, W_ref, b_ref, o_ref):
    o_ref[...] = jnp.dot(x_ref[...], W_ref[...]) + b_ref[...]


def _tc_out(x, Wout, bout2):
    n = x.shape[0]
    d = _DMODEL
    return pl.pallas_call(
        _out_body,
        grid=(n // _QBLK,),
        in_specs=[
            pl.BlockSpec((_QBLK, d), lambda i: (i, 0)),
            pl.BlockSpec((d, d), lambda i: (0, 0)),
            pl.BlockSpec((1, d), lambda i: (0, 0)),
        ],
        out_specs=pl.BlockSpec((_QBLK, d), lambda i: (i, 0)),
        out_shape=jax.ShapeDtypeStruct((n, d), jnp.float32),
    )(x, Wout, bout2)


_NW = 32
_CQ = 4
_JB = _CQ * 4


def _sc_body(table, idxh, wh, outh, idx_v, w_v, rows_v, out_v, sem):
    nq = outh.shape[0]
    per_w = nq // _NW
    wid = lax.axis_index("s") * 2 + lax.axis_index("c")
    q0 = wid * per_w

    def chunk(ci, carry):
        qbase = q0 + ci * _CQ
        r0 = qbase * 4
        pltpu.sync_copy(idxh.at[pl.ds(r0, _JB)], idx_v)
        pltpu.sync_copy(wh.at[pl.ds(r0 * 128, _JB * 128)], w_v)
        cps = [pltpu.async_copy(table.at[idx_v.at[j]], rows_v.at[j], sem)
               for j in range(_JB)]
        for cp in cps:
            cp.wait()

        def group(g, carry2):
            c = g // _NHEADS
            h = g - c * _NHEADS
            acc0 = jnp.zeros((16,), jnp.float32)
            acc1 = jnp.zeros((16,), jnp.float32)
            for corner in range(4):
                blk = c * 4 + corner
                wvec = w_v[pl.ds(blk * 128 + h * 16, 16)]
                for j in range(16):
                    lr = h * 16 + j
                    wj = jnp.full((16,), wvec[j], jnp.float32)
                    acc0 = acc0 + wj * rows_v[blk, lr, 0:16]
                    acc1 = acc1 + wj * rows_v[blk, lr, 16:32]
            out_v[c, pl.ds(h * _HDIM, 16)] = acc0
            out_v[c, pl.ds(h * _HDIM + 16, 16)] = acc1
            return carry2

        lax.fori_loop(0, _CQ * _NHEADS, group, 0)
        pltpu.sync_copy(out_v, outh.at[pl.ds(qbase, _CQ)])
        return carry

    lax.fori_loop(0, per_w // _CQ, chunk, 0)


def _sc_gather(table, idxf, wf, nq):
    mesh = plsc.VectorSubcoreMesh(core_axis_name="c", subcore_axis_name="s")
    fn = pl.kernel(
        _sc_body,
        mesh=mesh,
        compiler_params=pltpu.CompilerParams(use_tc_tiling_on_sc=False),
        out_type=jax.ShapeDtypeStruct((nq, _DMODEL), jnp.float32),
        scratch_types=[
            pltpu.VMEM((_JB, 128), jnp.int32),
            pltpu.VMEM((_JB * 128,), jnp.float32),
            pltpu.VMEM((_JB, 128, _HDIM), jnp.float32),
            pltpu.VMEM((_CQ, _DMODEL), jnp.float32),
            pltpu.SemaphoreType.DMA,
        ],
    )
    return fn(table, idxf, wf)


def kernel(query, value, reference_points, Wv, bv, Woff, boff, Watt, batt,
           Wout, bout):
    bs, len_q, d = query.shape
    len_v = value.shape[1]
    Wo3 = Woff.reshape(d, _NCHAN, 2)
    Wox, Woy = Wo3[:, :, 0], Wo3[:, :, 1]
    bo2 = boff.reshape(_NCHAN, 2)
    box, boy = bo2[:, 0].reshape(1, _NCHAN), bo2[:, 1].reshape(1, _NCHAN)
    bv2 = bv.reshape(1, d)
    batt2 = batt.reshape(1, _NCHAN)
    bout2 = bout.reshape(1, d)
    rp_x = reference_points[..., 0]
    rp_y = reference_points[..., 1]
    rpx = jnp.tile(jnp.repeat(rp_x, _NPOINTS, axis=-1), (1, 1, _NHEADS))
    rpy = jnp.tile(jnp.repeat(rp_y, _NPOINTS, axis=-1), (1, 1, _NHEADS))

    v, idx, wts = _tc_precompute(query, value, rpx, rpy, Wv, bv2, Wox, box,
                                 Woy, boy, Watt, batt2, jnp.asarray(_CF),
                                 jnp.asarray(_CI), jnp.asarray(_GMAT),
                                 jnp.asarray(_GMATT))
    table = v.reshape(bs * len_v * _NHEADS, _HDIM)
    nq = bs * len_q
    idxf = idx.reshape(nq * 4, 128)
    wf = wts.reshape(nq * 4 * 128)
    sampled = _sc_gather(table, idxf, wf, nq)
    out = _tc_out(sampled, Wout, bout2)
    return out.reshape(bs, len_q, d)

# --- scband reference (transcript-rebuilt; emitter-appended) ---
"""Pipeline reference for scband-msdeform-attention-43593918054475 (READ-ONLY COPY).

The authoritative reference and input builder live on the scoring server;
editing this copy changes nothing except your own understanding.
"""

import jax, jax.numpy as jnp
import numpy as np

SPATIAL_SHAPES = [(64, 64), (32, 32), (16, 16), (8, 8)]
MODEL_DIM = 256
N_HEADS = 8
N_LEVELS = 4
N_POINTS = 4


def bilinear_sampler(img, grids):
    # img: (B, H, W, C); grids: (B, h, w, 2) with coords nominally in [-1, 1]
    H, W = img.shape[1], img.shape[2]
    max_x = W - 1
    max_y = H - 1
    x = grids[..., 0]
    y = grids[..., 1]
    x = 0.5 * ((x + 1.0) * float(max_x - 1))
    y = 0.5 * ((y + 1.0) * float(max_y - 1))
    x0 = jnp.clip(jnp.floor(x).astype(jnp.int32), 0, max_x)
    x1 = jnp.clip(jnp.floor(x).astype(jnp.int32) + 1, 0, max_x)
    y0 = jnp.clip(jnp.floor(y).astype(jnp.int32), 0, max_y)
    y1 = jnp.clip(jnp.floor(y).astype(jnp.int32) + 1, 0, max_y)
    b = jnp.broadcast_to(jnp.arange(img.shape[0]).reshape(-1, 1, 1), x0.shape)
    Ia = img[b, y0, x0]
    Ib = img[b, y1, x0]
    Ic = img[b, y0, x1]
    Id = img[b, y1, x1]
    x0f = x0.astype(jnp.float32)
    x1f = x1.astype(jnp.float32)
    y0f = y0.astype(jnp.float32)
    y1f = y1.astype(jnp.float32)
    wa = ((x1f - x) * (y1f - y))[..., None]
    wb = ((x1f - x) * (y - y0f))[..., None]
    wc = ((x - x0f) * (y1f - y))[..., None]
    wd = ((x - x0f) * (y - y0f))[..., None]
    return wa * Ia + wb * Ib + wc * Ic + wd * Id


def setup_inputs(seed: int = 0):
    key = jax.random.key(seed)
    ks = jax.random.split(key, 8)
    bs, len_q, len_v = 4, 5440, 5440
    s = 0.02
    query = jax.random.normal(ks[0], (bs, len_q, MODEL_DIM), jnp.float32)
    value = jax.random.normal(ks[1], (bs, len_v, MODEL_DIM), jnp.float32)
    reference_points = jax.random.uniform(ks[2], (bs, len_q, N_LEVELS, 2), jnp.float32)
    Wv = jax.random.normal(ks[3], (MODEL_DIM, MODEL_DIM), jnp.float32) * s
    bv = jnp.zeros((MODEL_DIM,), jnp.float32)
    Woff = jax.random.normal(ks[4], (MODEL_DIM, N_HEADS * N_LEVELS * N_POINTS * 2), jnp.float32) * s
    boff = jnp.zeros((N_HEADS * N_LEVELS * N_POINTS * 2,), jnp.float32)
    Watt = jax.random.normal(ks[5], (MODEL_DIM, N_HEADS * N_LEVELS * N_POINTS), jnp.float32) * s
    batt = jnp.zeros((N_HEADS * N_LEVELS * N_POINTS,), jnp.float32)
    Wout = jax.random.normal(ks[6], (MODEL_DIM, MODEL_DIM), jnp.float32) * s
    bout = jnp.zeros((MODEL_DIM,), jnp.float32)
    return {"query": query, "value": value, "reference_points": reference_points,
            "Wv": Wv, "bv": bv, "Woff": Woff, "boff": boff,
            "Watt": Watt, "batt": batt, "Wout": Wout, "bout": bout}


def reference(query, value, reference_points, Wv, bv, Woff, boff, Watt, batt, Wout, bout):
    bs, len_q, _ = query.shape
    len_v = value.shape[1]
    hd = MODEL_DIM // N_HEADS
    v = value @ Wv + bv
    v = v.reshape(bs, len_v, N_HEADS, hd)
    so = (query @ Woff + boff).reshape(bs, len_q, N_HEADS, N_LEVELS, N_POINTS, 2)
    norm = jnp.asarray(SPATIAL_SHAPES, jnp.float32).reshape(1, 1, 1, N_LEVELS, 1, 2)
    rp = reference_points.reshape(bs, len_q, 1, N_LEVELS, 1, 2)
    coords = rp + so / norm
    # Dense layer has softmax activation, then softmax is applied again after reshape (faithful to original)
    aw = jax.nn.softmax(query @ Watt + batt, axis=-1)
    aw = aw.reshape(bs, len_q, N_HEADS, N_LEVELS * N_POINTS)
    aw = jax.nn.softmax(aw, axis=-1)
    aw = aw.reshape(bs, len_q, N_HEADS, N_LEVELS, N_POINTS)
    offs = np.cumsum([0] + [h * w for h, w in SPATIAL_SHAPES])
    samples = []
    for lvl, (H_, W_) in enumerate(SPATIAL_SHAPES):
        v_l = v[:, offs[lvl]:offs[lvl + 1]]
        v_l = jnp.transpose(v_l, (0, 2, 1, 3)).reshape(bs * N_HEADS, H_, W_, hd)
        c_l = coords[:, :, :, lvl]
        c_l = jnp.transpose(c_l, (0, 2, 1, 3, 4)).reshape(bs * N_HEADS, len_q, N_POINTS, 2)
        samples.append(bilinear_sampler(v_l, c_l))
    samp = jnp.stack(samples, axis=2).reshape(bs * N_HEADS, len_q, N_LEVELS * N_POINTS, hd)
    awt = jnp.transpose(aw, (0, 2, 1, 3, 4)).reshape(bs * N_HEADS, len_q, N_LEVELS * N_POINTS, 1)
    out = jnp.matmul(jnp.swapaxes(awt, -1, -2), samp)
    out = out.reshape(bs, N_HEADS, len_q, hd)
    out = jnp.transpose(out, (0, 2, 1, 3)).reshape(bs, len_q, MODEL_DIM)
    return out @ Wout + bout

if __name__ == "__main__":
    import jax
    _d = setup_inputs()
    print(jax.jit(kernel)(*tuple(_d.values())))

</pallas_src>

<mosaic_0001>
#map = affine_map<(d0, d1) -> (0, 0)>
#map1 = affine_map<(d0, d1) -> (0)>
module attributes {stable_mosaic.version = 14 : i64} {
  func.func @_sc_body(%arg0: i32, %arg1: i32, %arg2: memref<174080x32xf32, #tpu.memory_space<hbm>>, %arg3: memref<87040x128xi32, #tpu.memory_space<hbm>>, %arg4: memref<11141120xf32, #tpu.memory_space<hbm>>, %arg5: memref<21760x256xf32, #tpu.memory_space<hbm>>, %arg6: memref<16x128xi32, #tpu.memory_space<vmem>>, %arg7: memref<2048xf32, #tpu.memory_space<vmem>>, %arg8: memref<16x128x32xf32, #tpu.memory_space<vmem>>, %arg9: memref<4x256xf32, #tpu.memory_space<vmem>>, %arg10: memref<!tpu.dma_semaphore, #tpu.memory_space<semaphore_mem>>) attributes {dimension_semantics = [#tpu.dimension_semantics<core_parallel>, #tpu.dimension_semantics<subcore_parallel>], iteration_bounds = array<i64: 2, 16>, scalar_prefetch = 0 : i64, scratch_operands = 5 : i64, tpu.core_type = #tpu.core_type<sc_vector_subcore>, window_params = [{transform_indices = #map}, {transform_indices = #map}, {transform_indices = #map1}, {transform_indices = #map}]} {
    %mul3A = arith.constant 2 : i32
    %mul3A_0 = arith.muli %arg1, %mul3A : i32
    %add3A = arith.addi %mul3A_0, %arg0 : i32
    %mul3A_1 = arith.constant 680 : i32
    %mul3A_2 = arith.muli %add3A, %mul3A_1 : i32
    %scan3A = arith.constant 0 : i32
    %scan3A_3 = arith.constant 0 : i32
    %scan3A_4 = arith.constant 170 : i32
    %scan3A_5 = arith.addi %scan3A_3, %scan3A_4 : i32
    %scan3A_6 = arith.constant 1 : i32
    scf.for %scan3A_8 = %scan3A_3 to %scan3A_5 step %scan3A_6  : i32 {
      %mul3A_9 = arith.constant 4 : i32
      %mul3A_10 = arith.muli %scan3A_8, %mul3A_9 : i32
      %add3A_11 = arith.addi %mul3A_2, %mul3A_10 : i32
      %mul3A_12 = arith.constant 4 : i32
      %mul3A_13 = arith.muli %add3A_11, %mul3A_12 : i32
      "tpu.region"() ({
        %run_scoped3A = tpu.sem_alloc : memref<!tpu.dma_semaphore, #tpu.memory_space<semaphore_mem>>
        %dma_start3A_404 = arith.constant 0 : i32
        %dma_start3A_405 = tpu.memref_slice %arg3[%mul3A_13, %dma_start3A_404] : memref<87040x128xi32, #tpu.memory_space<hbm>> -> memref<16x128xi32, #tpu.memory_space<hbm>>
        %dma_start3A_406 = arith.constant 0 : i32
        %dma_start3A_407 = tpu.memref_slice %arg3[%mul3A_13, %dma_start3A_406] : memref<87040x128xi32, #tpu.memory_space<hbm>> -> memref<16x128xi32, #tpu.memory_space<hbm>>
        tpu.enqueue_dma source(%dma_start3A_407 : memref<16x128xi32, #tpu.memory_space<hbm>>) target(%arg6 : memref<16x128xi32, #tpu.memory_space<vmem>>) target_semaphore(%run_scoped3A : memref<!tpu.dma_semaphore, #tpu.memory_space<semaphore_mem>>)
        %dma_wait3A_408 = arith.constant 0 : i32
        %dma_wait3A_409 = tpu.memref_slice %arg3[%mul3A_13, %dma_wait3A_408] : memref<87040x128xi32, #tpu.memory_space<hbm>> -> memref<16x128xi32, #tpu.memory_space<hbm>>
        %dma_wait3A_410 = arith.constant 0 : i32
        %dma_wait3A_411 = tpu.memref_slice %arg3[%mul3A_13, %dma_wait3A_410] : memref<87040x128xi32, #tpu.memory_space<hbm>> -> memref<16x128xi32, #tpu.memory_space<hbm>>
        tpu.wait_dma2 semaphore(%run_scoped3A : memref<!tpu.dma_semaphore, #tpu.memory_space<semaphore_mem>>) src(%dma_wait3A_411 : memref<16x128xi32, #tpu.memory_space<hbm>>) dst(%arg6 : memref<16x128xi32, #tpu.memory_space<vmem>>)
        tpu.yield
      }) : () -> ()
      %mul3A_14 = arith.constant 128 : i32
      %mul3A_15 = arith.muli %mul3A_13, %mul3A_14 : i32
      "tpu.region"() ({
        %run_scoped3A = tpu.sem_alloc : memref<!tpu.dma_semaphore, #tpu.memory_space<semaphore_mem>>
        %dma_start3A_404 = tpu.memref_slice %arg4[%mul3A_15] : memref<11141120xf32, #tpu.memory_space<hbm>> -> memref<2048xf32, #tpu.memory_space<hbm>>
        %dma_start3A_405 = tpu.memref_slice %arg4[%mul3A_15] : memref<11141120xf32, #tpu.memory_space<hbm>> -> memref<2048xf32, #tpu.memory_space<hbm>>
        tpu.enqueue_dma source(%dma_start3A_405 : memref<2048xf32, #tpu.memory_space<hbm>>) target(%arg7 : memref<2048xf32, #tpu.memory_space<vmem>>) target_semaphore(%run_scoped3A : memref<!tpu.dma_semaphore, #tpu.memory_space<semaphore_mem>>)
        %dma_wait3A_406 = tpu.memref_slice %arg4[%mul3A_15] : memref<11141120xf32, #tpu.memory_space<hbm>> -> memref<2048xf32, #tpu.memory_space<hbm>>
        %dma_wait3A_407 = tpu.memref_slice %arg4[%mul3A_15] : memref<11141120xf32, #tpu.memory_space<hbm>> -> memref<2048xf32, #tpu.memory_space<hbm>>
        tpu.wait_dma2 semaphore(%run_scoped3A : memref<!tpu.dma_semaphore, #tpu.memory_space<semaphore_mem>>) src(%dma_wait3A_407 : memref<2048xf32, #tpu.memory_space<hbm>>) dst(%arg7 : memref<2048xf32, #tpu.memory_space<vmem>>)
        tpu.yield
      }) : () -> ()
      %dma_start3A = arith.constant 0 : i32
      %dma_start3A_16 = arith.constant 0 : i32
      %dma_start3A_17 = arith.constant 0 : i32
      %dma_start3A_18 = arith.constant 0 : i32
      %dma_start3A_19 = tpu.memref_slice %arg8[%dma_start3A_16, %dma_start3A_17, %dma_start3A_18] : memref<16x128x32xf32, #tpu.memory_space<vmem>> -> memref<1x128x32xf32, #tpu.memory_space<vmem>>
      %dma_start3A_20 = tpu.memref_squeeze %dma_start3A_19 : memref<1x128x32xf32, #tpu.memory_space<vmem>> -> memref<128x32xf32, #tpu.memory_space<vmem>>
      %dma_start3A_21 = arith.constant 0 : i32
      %dma_start3A_22 = tpu.memref_slice %arg6[%dma_start3A, %dma_start3A_21] : memref<16x128xi32, #tpu.memory_space<vmem>> -> memref<1x128xi32, #tpu.memory_space<vmem>>
      %dma_start3A_23 = tpu.memref_squeeze %dma_start3A_22 : memref<1x128xi32, #tpu.memory_space<vmem>> -> memref<128xi32, #tpu.memory_space<vmem>>
      %dma_start3A_24 = arith.constant 0 : i32
      %dma_start3A_25 = arith.constant 0 : i32
      %dma_start3A_26 = tpu.memref_slice %arg2[%dma_start3A_24, %dma_start3A_25] : memref<174080x32xf32, #tpu.memory_space<hbm>> -> memref<174080x32xf32, #tpu.memory_space<hbm>>
      tpu.enqueue_indirect_dma source(%dma_start3A_26 : memref<174080x32xf32, #tpu.memory_space<hbm>>) target(%dma_start3A_20 : memref<128x32xf32, #tpu.memory_space<vmem>>) offsets(%dma_start3A_23 : memref<128xi32, #tpu.memory_space<vmem>>) semaphore(%arg10 : memref<!tpu.dma_semaphore, #tpu.memory_space<semaphore_mem>>)
      %dma_start3A_27 = arith.constant 1 : i32
      %dma_start3A_28 = arith.constant 1 : i32
      %dma_start3A_29 = arith.constant 0 : i32
      %dma_start3A_30 = arith.constant 0 : i32
      %dma_start3A_31 = tpu.memref_slice %arg8[%dma_start3A_28, %dma_start3A_29, %dma_start3A_30] : memref<16x128x32xf32, #tpu.memory_space<vmem>> -> memref<1x128x32xf32, #tpu.memory_space<vmem>>
      %dma_start3A_32 = tpu.memref_squeeze %dma_start3A_31 : memref<1x128x32xf32, #tpu.memory_space<vmem>> -> memref<128x32xf32, #tpu.memory_space<vmem>>
      %dma_start3A_33 = arith.constant 0 : i32
      %dma_start3A_34 = tpu.memref_slice %arg6[%dma_start3A_27, %dma_start3A_33] : memref<16x128xi32, #tpu.memory_space<vmem>> -> memref<1x128xi32, #tpu.memory_space<vmem>>
      %dma_start3A_35 = tpu.memref_squeeze %dma_start3A_34 : memref<1x128xi32, #tpu.memory_space<vmem>> -> memref<128xi32, #tpu.memory_space<vmem>>
      %dma_start3A_36 = arith.constant 0 : i32
      %dma_start3A_37 = arith.constant 0 : i32
      %dma_start3A_38 = tpu.memref_slice %arg2[%dma_start3A_36, %dma_start3A_37] : memref<174080x32xf32, #tpu.memory_space<hbm>> -> memref<174080x32xf32, #tpu.memory_space<hbm>>
      tpu.enqueue_indirect_dma source(%dma_start3A_38 : memref<174080x32xf32, #tpu.memory_space<hbm>>) target(%dma_start3A_32 : memref<128x32xf32, #tpu.memory_space<vmem>>) offsets(%dma_start3A_35 : memref<128xi32, #tpu.memory_space<vmem>>) semaphore(%arg10 : memref<!tpu.dma_semaphore, #tpu.memory_space<semaphore_mem>>)
      %dma_start3A_39 = arith.constant 2 : i32
      %dma_start3A_40 = arith.constant 2 : i32
      %dma_start3A_41 = arith.constant 0 : i32
      %dma_start3A_42 = arith.constant 0 : i32
      %dma_start3A_43 = tpu.memref_slice %arg8[%dma_start3A_40, %dma_start3A_41, %dma_start3A_42] : memref<16x128x32xf32, #tpu.memory_space<vmem>> -> memref<1x128x32xf32, #tpu.memory_space<vmem>>
      %dma_start3A_44 = tpu.memref_squeeze %dma_start3A_43 : memref<1x128x32xf32, #tpu.memory_space<vmem>> -> memref<128x32xf32, #tpu.memory_space<vmem>>
      %dma_start3A_45 = arith.constant 0 : i32
      %dma_start3A_46 = tpu.memref_slice %arg6[%dma_start3A_39, %dma_start3A_45] : memref<16x128xi32, #tpu.memory_space<vmem>> -> memref<1x128xi32, #tpu.memory_space<vmem>>
      %dma_start3A_47 = tpu.memref_squeeze %dma_start3A_46 : memref<1x128xi32, #tpu.memory_space<vmem>> -> memref<128xi32, #tpu.memory_space<vmem>>
      %dma_start3A_48 = arith.constant 0 : i32
      %dma_start3A_49 = arith.constant 0 : i32
      %dma_start3A_50 = tpu.memref_slice %arg2[%dma_start3A_48, %dma_start3A_49] : memref<174080x32xf32, #tpu.memory_space<hbm>> -> memref<174080x32xf32, #tpu.memory_space<hbm>>
      tpu.enqueue_indirect_dma source(%dma_start3A_50 : memref<174080x32xf32, #tpu.memory_space<hbm>>) target(%dma_start3A_44 : memref<128x32xf32, #tpu.memory_space<vmem>>) offsets(%dma_start3A_47 : memref<128xi32, #tpu.memory_space<vmem>>) semaphore(%arg10 : memref<!tpu.dma_semaphore, #tpu.memory_space<semaphore_mem>>)
      %dma_start3A_51 = arith.constant 3 : i32
      %dma_start3A_52 = arith.constant 3 : i32
      %dma_start3A_53 = arith.constant 0 : i32
      %dma_start3A_54 = arith.constant 0 : i32
      %dma_start3A_55 = tpu.memref_slice %arg8[%dma_start3A_52, %dma_start3A_53, %dma_start3A_54] : memref<16x128x32xf32, #tpu.memory_space<vmem>> -> memref<1x128x32xf32, #tpu.memory_space<vmem>>
      %dma_start3A_56 = tpu.memref_squeeze %dma_start3A_55 : memref<1x128x32xf32, #tpu.memory_space<vmem>> -> memref<128x32xf32, #tpu.memory_space<vmem>>
      %dma_start3A_57 = arith.constant 0 : i32
      %dma_start3A_58 = tpu.memref_slice %arg6[%dma_start3A_51, %dma_start3A_57] : memref<16x128xi32, #tpu.memory_space<vmem>> -> memref<1x128xi32, #tpu.memory_space<vmem>>
      %dma_start3A_59 = tpu.memref_squeeze %dma_start3A_58 : memref<1x128xi32, #tpu.memory_space<vmem>> -> memref<128xi32, #tpu.memory_space<vmem>>
      %dma_start3A_60 = arith.constant 0 : i32
      %dma_start3A_61 = arith.constant 0 : i32
      %dma_start3A_62 = tpu.memref_slice %arg2[%dma_start3A_60, %dma_start3A_61] : memref<174080x32xf32, #tpu.memory_space<hbm>> -> memref<174080x32xf32, #tpu.memory_space<hbm>>
      tpu.enqueue_indirect_dma source(%dma_start3A_62 : memref<174080x32xf32, #tpu.memory_space<hbm>>) target(%dma_start3A_56 : memref<128x32xf32, #tpu.memory_space<vmem>>) offsets(%dma_start3A_59 : memref<128xi32, #tpu.memory_space<vmem>>) semaphore(%arg10 : memref<!tpu.dma_semaphore, #tpu.memory_space<semaphore_mem>>)
      %dma_start3A_63 = arith.constant 4 : i32
      %dma_start3A_64 = arith.constant 4 : i32
      %dma_start3A_65 = arith.constant 0 : i32
      %dma_start3A_66 = arith.constant 0 : i32
      %dma_start3A_67 = tpu.memref_slice %arg8[%dma_start3A_64, %dma_start3A_65, %dma_start3A_66] : memref<16x128x32xf32, #tpu.memory_space<vmem>> -> memref<1x128x32xf32, #tpu.memory_space<vmem>>
      %dma_start3A_68 = tpu.memref_squeeze %dma_start3A_67 : memref<1x128x32xf32, #tpu.memory_space<vmem>> -> memref<128x32xf32, #tpu.memory_space<vmem>>
      %dma_start3A_69 = arith.constant 0 : i32
      %dma_start3A_70 = tpu.memref_slice %arg6[%dma_start3A_63, %dma_start3A_69] : memref<16x128xi32, #tpu.memory_space<vmem>> -> memref<1x128xi32, #tpu.memory_space<vmem>>
      %dma_start3A_71 = tpu.memref_squeeze %dma_start3A_70 : memref<1x128xi32, #tpu.memory_space<vmem>> -> memref<128xi32, #tpu.memory_space<vmem>>
      %dma_start3A_72 = arith.constant 0 : i32
      %dma_start3A_73 = arith.constant 0 : i32
      %dma_start3A_74 = tpu.memref_slice %arg2[%dma_start3A_72, %dma_start3A_73] : memref<174080x32xf32, #tpu.memory_space<hbm>> -> memref<174080x32xf32, #tpu.memory_space<hbm>>
      tpu.enqueue_indirect_dma source(%dma_start3A_74 : memref<174080x32xf32, #tpu.memory_space<hbm>>) target(%dma_start3A_68 : memref<128x32xf32, #tpu.memory_space<vmem>>) offsets(%dma_start3A_71 : memref<128xi32, #tpu.memory_space<vmem>>) semaphore(%arg10 : memref<!tpu.dma_semaphore, #tpu.memory_space<semaphore_mem>>)
      %dma_start3A_75 = arith.constant 5 : i32
      %dma_start3A_76 = arith.constant 5 : i32
      %dma_start3A_77 = arith.constant 0 : i32
      %dma_start3A_78 = arith.constant 0 : i32
      %dma_start3A_79 = tpu.memref_slice %arg8[%dma_start3A_76, %dma_start3A_77, %dma_start3A_78] : memref<16x128x32xf32, #tpu.memory_space<vmem>> -> memref<1x128x32xf32, #tpu.memory_space<vmem>>
      %dma_start3A_80 = tpu.memref_squeeze %dma_start3A_79 : memref<1x128x32xf32, #tpu.memory_space<vmem>> -> memref<128x32xf32, #tpu.memory_space<vmem>>
      %dma_start3A_81 = arith.constant 0 : i32
      %dma_start3A_82 = tpu.memref_slice %arg6[%dma_start3A_75, %dma_start3A_81] : memref<16x128xi32, #tpu.memory_space<vmem>> -> memref<1x128xi32, #tpu.memory_space<vmem>>
      %dma_start3A_83 = tpu.memref_squeeze %dma_start3A_82 : memref<1x128xi32, #tpu.memory_space<vmem>> -> memref<128xi32, #tpu.memory_space<vmem>>
      %dma_start3A_84 = arith.constant 0 : i32
      %dma_start3A_85 = arith.constant 0 : i32
      %dma_start3A_86 = tpu.memref_slice %arg2[%dma_start3A_84, %dma_start3A_85] : memref<174080x32xf32, #tpu.memory_space<hbm>> -> memref<174080x32xf32, #tpu.memory_space<hbm>>
      tpu.enqueue_indirect_dma source(%dma_start3A_86 : memref<174080x32xf32, #tpu.memory_space<hbm>>) target(%dma_start3A_80 : memref<128x32xf32, #tpu.memory_space<vmem>>) offsets(%dma_start3A_83 : memref<128xi32, #tpu.memory_space<vmem>>) semaphore(%arg10 : memref<!tpu.dma_semaphore, #tpu.memory_space<semaphore_mem>>)
      %dma_start3A_87 = arith.constant 6 : i32
      %dma_start3A_88 = arith.constant 6 : i32
      %dma_start3A_89 = arith.constant 0 : i32
      %dma_start3A_90 = arith.constant 0 : i32
      %dma_start3A_91 = tpu.memref_slice %arg8[%dma_start3A_88, %dma_start3A_89, %dma_start3A_90] : memref<16x128x32xf32, #tpu.memory_space<vmem>> -> memref<1x128x32xf32, #tpu.memory_space<vmem>>
      %dma_start3A_92 = tpu.memref_squeeze %dma_start3A_91 : memref<1x128x32xf32, #tpu.memory_space<vmem>> -> memref<128x32xf32, #tpu.memory_space<vmem>>
      %dma_start3A_93 = arith.constant 0 : i32
      %dma_start3A_94 = tpu.memref_slice %arg6[%dma_start3A_87, %dma_start3A_93] : memref<16x128xi32, #tpu.memory_space<vmem>> -> memref<1x128xi32, #tpu.memory_space<vmem>>
      %dma_start3A_95 = tpu.memref_squeeze %dma_start3A_94 : memref<1x128xi32, #tpu.memory_space<vmem>> -> memref<128xi32, #tpu.memory_space<vmem>>
      %dma_start3A_96 = arith.constant 0 : i32
      %dma_start3A_97 = arith.constant 0 : i32
      %dma_start3A_98 = tpu.memref_slice %arg2[%dma_start3A_96, %dma_start3A_97] : memref<174080x32xf32, #tpu.memory_space<hbm>> -> memref<174080x32xf32, #tpu.memory_space<hbm>>
      tpu.enqueue_indirect_dma source(%dma_start3A_98 : memref<174080x32xf32, #tpu.memory_space<hbm>>) target(%dma_start3A_92 : memref<128x32xf32, #tpu.memory_space<vmem>>) offsets(%dma_start3A_95 : memref<128xi32, #tpu.memory_space<vmem>>) semaphore(%arg10 : memref<!tpu.dma_semaphore, #tpu.memory_space<semaphore_mem>>)
      %dma_start3A_99 = arith.constant 7 : i32
      %dma_start3A_100 = arith.constant 7 : i32
      %dma_start3A_101 = arith.constant 0 : i32
      %dma_start3A_102 = arith.constant 0 : i32
      %dma_start3A_103 = tpu.memref_slice %arg8[%dma_start3A_100, %dma_start3A_101, %dma_start3A_102] : memref<16x128x32xf32, #tpu.memory_space<vmem>> -> memref<1x128x32xf32, #tpu.memory_space<vmem>>
      %dma_start3A_104 = tpu.memref_squeeze %dma_start3A_103 : memref<1x128x32xf32, #tpu.memory_space<vmem>> -> memref<128x32xf32, #tpu.memory_space<vmem>>
      %dma_start3A_105 = arith.constant 0 : i32
      %dma_start3A_106 = tpu.memref_slice %arg6[%dma_start3A_99, %dma_start3A_105] : memref<16x128xi32, #tpu.memory_space<vmem>> -> memref<1x128xi32, #tpu.memory_space<vmem>>
      %dma_start3A_107 = tpu.memref_squeeze %dma_start3A_106 : memref<1x128xi32, #tpu.memory_space<vmem>> -> memref<128xi32, #tpu.memory_space<vmem>>
      %dma_start3A_108 = arith.constant 0 : i32
      %dma_start3A_109 = arith.constant 0 : i32
      %dma_start3A_110 = tpu.memref_slice %arg2[%dma_start3A_108, %dma_start3A_109] : memref<174080x32xf32, #tpu.memory_space<hbm>> -> memref<174080x32xf32, #tpu.memory_space<hbm>>
      tpu.enqueue_indirect_dma source(%dma_start3A_110 : memref<174080x32xf32, #tpu.memory_space<hbm>>) target(%dma_start3A_104 : memref<128x32xf32, #tpu.memory_space<vmem>>) offsets(%dma_start3A_107 : memref<128xi32, #tpu.memory_space<vmem>>) semaphore(%arg10 : memref<!tpu.dma_semaphore, #tpu.memory_space<semaphore_mem>>)
      %dma_start3A_111 = arith.constant 8 : i32
      %dma_start3A_112 = arith.constant 8 : i32
      %dma_start3A_113 = arith.constant 0 : i32
      %dma_start3A_114 = arith.constant 0 : i32
      %dma_start3A_115 = tpu.memref_slice %arg8[%dma_start3A_112, %dma_start3A_113, %dma_start3A_114] : memref<16x128x32xf32, #tpu.memory_space<vmem>> -> memref<1x128x32xf32, #tpu.memory_space<vmem>>
      %dma_start3A_116 = tpu.memref_squeeze %dma_start3A_115 : memref<1x128x32xf32, #tpu.memory_space<vmem>> -> memref<128x32xf32, #tpu.memory_space<vmem>>
      %dma_start3A_117 = arith.constant 0 : i32
      %dma_start3A_118 = tpu.memref_slice %arg6[%dma_start3A_111, %dma_start3A_117] : memref<16x128xi32, #tpu.memory_space<vmem>> -> memref<1x128xi32, #tpu.memory_space<vmem>>
      %dma_start3A_119 = tpu.memref_squeeze %dma_start3A_118 : memref<1x128xi32, #tpu.memory_space<vmem>> -> memref<128xi32, #tpu.memory_space<vmem>>
      %dma_start3A_120 = arith.constant 0 : i32
      %dma_start3A_121 = arith.constant 0 : i32
      %dma_start3A_122 = tpu.memref_slice %arg2[%dma_start3A_120, %dma_start3A_121] : memref<174080x32xf32, #tpu.memory_space<hbm>> -> memref<174080x32xf32, #tpu.memory_space<hbm>>
      tpu.enqueue_indirect_dma source(%dma_start3A_122 : memref<174080x32xf32, #tpu.memory_space<hbm>>) target(%dma_start3A_116 : memref<128x32xf32, #tpu.memory_space<vmem>>) offsets(%dma_start3A_119 : memref<128xi32, #tpu.memory_space<vmem>>) semaphore(%arg10 : memref<!tpu.dma_semaphore, #tpu.memory_space<semaphore_mem>>)
      %dma_start3A_123 = arith.constant 9 : i32
      %dma_start3A_124 = arith.constant 9 : i32
      %dma_start3A_125 = arith.constant 0 : i32
      %dma_start3A_126 = arith.constant 0 : i32
      %dma_start3A_127 = tpu.memref_slice %arg8[%dma_start3A_124, %dma_start3A_125, %dma_start3A_126] : memref<16x128x32xf32, #tpu.memory_space<vmem>> -> memref<1x128x32xf32, #tpu.memory_space<vmem>>
      %dma_start3A_128 = tpu.memref_squeeze %dma_start3A_127 : memref<1x128x32xf32, #tpu.memory_space<vmem>> -> memref<128x32xf32, #tpu.memory_space<vmem>>
      %dma_start3A_129 = arith.constant 0 : i32
      %dma_start3A_130 = tpu.memref_slice %arg6[%dma_start3A_123, %dma_start3A_129] : memref<16x128xi32, #tpu.memory_space<vmem>> -> memref<1x128xi32, #tpu.memory_space<vmem>>
      %dma_start3A_131 = tpu.memref_squeeze %dma_start3A_130 : memref<1x128xi32, #tpu.memory_space<vmem>> -> memref<128xi32, #tpu.memory_space<vmem>>
      %dma_start3A_132 = arith.constant 0 : i32
      %dma_start3A_133 = arith.constant 0 : i32
      %dma_start3A_134 = tpu.memref_slice %arg2[%dma_start3A_132, %dma_start3A_133] : memref<174080x32xf32, #tpu.memory_space<hbm>> -> memref<174080x32xf32, #tpu.memory_space<hbm>>
      tpu.enqueue_indirect_dma source(%dma_start3A_134 : memref<174080x32xf32, #tpu.memory_space<hbm>>) target(%dma_start3A_128 : memref<128x32xf32, #tpu.memory_space<vmem>>) offsets(%dma_start3A_131 : memref<128xi32, #tpu.memory_space<vmem>>) semaphore(%arg10 : memref<!tpu.dma_semaphore, #tpu.memory_space<semaphore_mem>>)
      %dma_start3A_135 = arith.constant 10 : i32
      %dma_start3A_136 = arith.constant 10 : i32
      %dma_start3A_137 = arith.constant 0 : i32
      %dma_start3A_138 = arith.constant 0 : i32
      %dma_start3A_139 = tpu.memref_slice %arg8[%dma_start3A_136, %dma_start3A_137, %dma_start3A_138] : memref<16x128x32xf32, #tpu.memory_space<vmem>> -> memref<1x128x32xf32, #tpu.memory_space<vmem>>
      %dma_start3A_140 = tpu.memref_squeeze %dma_start3A_139 : memref<1x128x32xf32, #tpu.memory_space<vmem>> -> memref<128x32xf32, #tpu.memory_space<vmem>>
      %dma_start3A_141 = arith.constant 0 : i32
      %dma_start3A_142 = tpu.memref_slice %arg6[%dma_start3A_135, %dma_start3A_141] : memref<16x128xi32, #tpu.memory_space<vmem>> -> memref<1x128xi32, #tpu.memory_space<vmem>>
      %dma_start3A_143 = tpu.memref_squeeze %dma_start3A_142 : memref<1x128xi32, #tpu.memory_space<vmem>> -> memref<128xi32, #tpu.memory_space<vmem>>
      %dma_start3A_144 = arith.constant 0 : i32
      %dma_start3A_145 = arith.constant 0 : i32
      %dma_start3A_146 = tpu.memref_slice %arg2[%dma_start3A_144, %dma_start3A_145] : memref<174080x32xf32, #tpu.memory_space<hbm>> -> memref<174080x32xf32, #tpu.memory_space<hbm>>
      tpu.enqueue_indirect_dma source(%dma_start3A_146 : memref<174080x32xf32, #tpu.memory_space<hbm>>) target(%dma_start3A_140 : memref<128x32xf32, #tpu.memory_space<vmem>>) offsets(%dma_start3A_143 : memref<128xi32, #tpu.memory_space<vmem>>) semaphore(%arg10 : memref<!tpu.dma_semaphore, #tpu.memory_space<semaphore_mem>>)
      %dma_start3A_147 = arith.constant 11 : i32
      %dma_start3A_148 = arith.constant 11 : i32
      %dma_start3A_149 = arith.constant 0 : i32
      %dma_start3A_150 = arith.constant 0 : i32
      %dma_start3A_151 = tpu.memref_slice %arg8[%dma_start3A_148, %dma_start3A_149, %dma_start3A_150] : memref<16x128x32xf32, #tpu.memory_space<vmem>> -> memref<1x128x32xf32, #tpu.memory_space<vmem>>
      %dma_start3A_152 = tpu.memref_squeeze %dma_start3A_151 : memref<1x128x32xf32, #tpu.memory_space<vmem>> -> memref<128x32xf32, #tpu.memory_space<vmem>>
      %dma_start3A_153 = arith.constant 0 : i32
      %dma_start3A_154 = tpu.memref_slice %arg6[%dma_start3A_147, %dma_start3A_153] : memref<16x128xi32, #tpu.memory_space<vmem>> -> memref<1x128xi32, #tpu.memory_space<vmem>>
      %dma_start3A_155 = tpu.memref_squeeze %dma_start3A_154 : memref<1x128xi32, #tpu.memory_space<vmem>> -> memref<128xi32, #tpu.memory_space<vmem>>
      %dma_start3A_156 = arith.constant 0 : i32
      %dma_start3A_157 = arith.constant 0 : i32
      %dma_start3A_158 = tpu.memref_slice %arg2[%dma_start3A_156, %dma_start3A_157] : memref<174080x32xf32, #tpu.memory_space<hbm>> -> memref<174080x32xf32, #tpu.memory_space<hbm>>
      tpu.enqueue_indirect_dma source(%dma_start3A_158 : memref<174080x32xf32, #tpu.memory_space<hbm>>) target(%dma_start3A_152 : memref<128x32xf32, #tpu.memory_space<vmem>>) offsets(%dma_start3A_155 : memref<128xi32, #tpu.memory_space<vmem>>) semaphore(%arg10 : memref<!tpu.dma_semaphore, #tpu.memory_space<semaphore_mem>>)
      %dma_start3A_159 = arith.constant 12 : i32
      %dma_start3A_160 = arith.constant 12 : i32
      %dma_start3A_161 = arith.constant 0 : i32
      %dma_start3A_162 = arith.constant 0 : i32
      %dma_start3A_163 = tpu.memref_slice %arg8[%dma_start3A_160, %dma_start3A_161, %dma_start3A_162] : memref<16x128x32xf32, #tpu.memory_space<vmem>> -> memref<1x128x32xf32, #tpu.memory_space<vmem>>
      %dma_start3A_164 = tpu.memref_squeeze %dma_start3A_163 : memref<1x128x32xf32, #tpu.memory_space<vmem>> -> memref<128x32xf32, #tpu.memory_space<vmem>>
      %dma_start3A_165 = arith.constant 0 : i32
      %dma_start3A_166 = tpu.memref_slice %arg6[%dma_start3A_159, %dma_start3A_165] : memref<16x128xi32, #tpu.memory_space<vmem>> -> memref<1x128xi32, #tpu.memory_space<vmem>>
      %dma_start3A_167 = tpu.memref_squeeze %dma_start3A_166 : memref<1x128xi32, #tpu.memory_space<vmem>> -> memref<128xi32, #tpu.memory_space<vmem>>
      %dma_start3A_168 = arith.constant 0 : i32
      %dma_start3A_169 = arith.constant 0 : i32
      %dma_start3A_170 = tpu.memref_slice %arg2[%dma_start3A_168, %dma_start3A_169] : memref<174080x32xf32, #tpu.memory_space<hbm>> -> memref<174080x32xf32, #tpu.memory_space<hbm>>
      tpu.enqueue_indirect_dma source(%dma_start3A_170 : memref<174080x32xf32, #tpu.memory_space<hbm>>) target(%dma_start3A_164 : memref<128x32xf32, #tpu.memory_space<vmem>>) offsets(%dma_start3A_167 : memref<128xi32, #tpu.memory_space<vmem>>) semaphore(%arg10 : memref<!tpu.dma_semaphore, #tpu.memory_space<semaphore_mem>>)
      %dma_start3A_171 = arith.constant 13 : i32
      %dma_start3A_172 = arith.constant 13 : i32
      %dma_start3A_173 = arith.constant 0 : i32
      %dma_start3A_174 = arith.constant 0 : i32
      %dma_start3A_175 = tpu.memref_slice %arg8[%dma_start3A_172, %dma_start3A_173, %dma_start3A_174] : memref<16x128x32xf32, #tpu.memory_space<vmem>> -> memref<1x128x32xf32, #tpu.memory_space<vmem>>
      %dma_start3A_176 = tpu.memref_squeeze %dma_start3A_175 : memref<1x128x32xf32, #tpu.memory_space<vmem>> -> memref<128x32xf32, #tpu.memory_space<vmem>>
      %dma_start3A_177 = arith.constant 0 : i32
      %dma_start3A_178 = tpu.memref_slice %arg6[%dma_start3A_171, %dma_start3A_177] : memref<16x128xi32, #tpu.memory_space<vmem>> -> memref<1x128xi32, #tpu.memory_space<vmem>>
      %dma_start3A_179 = tpu.memref_squeeze %dma_start3A_178 : memref<1x128xi32, #tpu.memory_space<vmem>> -> memref<128xi32, #tpu.memory_space<vmem>>
      %dma_start3A_180 = arith.constant 0 : i32
      %dma_start3A_181 = arith.constant 0 : i32
      %dma_start3A_182 = tpu.memref_slice %arg2[%dma_start3A_180, %dma_start3A_181] : memref<174080x32xf32, #tpu.memory_space<hbm>> -> memref<174080x32xf32, #tpu.memory_space<hbm>>
      tpu.enqueue_indirect_dma source(%dma_start3A_182 : memref<174080x32xf32, #tpu.memory_space<hbm>>) target(%dma_start3A_176 : memref<128x32xf32, #tpu.memory_space<vmem>>) offsets(%dma_start3A_179 : memref<128xi32, #tpu.memory_space<vmem>>) semaphore(%arg10 : memref<!tpu.dma_semaphore, #tpu.memory_space<semaphore_mem>>)
      %dma_start3A_183 = arith.constant 14 : i32
      %dma_start3A_184 = arith.constant 14 : i32
      %dma_start3A_185 = arith.constant 0 : i32
      %dma_start3A_186 = arith.constant 0 : i32
      %dma_start3A_187 = tpu.memref_slice %arg8[%dma_start3A_184, %dma_start3A_185, %dma_start3A_186] : memref<16x128x32xf32, #tpu.memory_space<vmem>> -> memref<1x128x32xf32, #tpu.memory_space<vmem>>
      %dma_start3A_188 = tpu.memref_squeeze %dma_start3A_187 : memref<1x128x32xf32, #tpu.memory_space<vmem>> -> memref<128x32xf32, #tpu.memory_space<vmem>>
      %dma_start3A_189 = arith.constant 0 : i32
      %dma_start3A_190 = tpu.memref_slice %arg6[%dma_start3A_183, %dma_start3A_189] : memref<16x128xi32, #tpu.memory_space<vmem>> -> memref<1x128xi32, #tpu.memory_space<vmem>>
      %dma_start3A_191 = tpu.memref_squeeze %dma_start3A_190 : memref<1x128xi32, #tpu.memory_space<vmem>> -> memref<128xi32, #tpu.memory_space<vmem>>
      %dma_start3A_192 = arith.constant 0 : i32
      %dma_start3A_193 = arith.constant 0 : i32
      %dma_start3A_194 = tpu.memref_slice %arg2[%dma_start3A_192, %dma_start3A_193] : memref<174080x32xf32, #tpu.memory_space<hbm>> -> memref<174080x32xf32, #tpu.memory_space<hbm>>
      tpu.enqueue_indirect_dma source(%dma_start3A_194 : memref<174080x32xf32, #tpu.memory_space<hbm>>) target(%dma_start3A_188 : memref<128x32xf32, #tpu.memory_space<vmem>>) offsets(%dma_start3A_191 : memref<128xi32, #tpu.memory_space<vmem>>) semaphore(%arg10 : memref<!tpu.dma_semaphore, #tpu.memory_space<semaphore_mem>>)
      %dma_start3A_195 = arith.constant 15 : i32
      %dma_start3A_196 = arith.constant 15 : i32
      %dma_start3A_197 = arith.constant 0 : i32
      %dma_start3A_198 = arith.constant 0 : i32
      %dma_start3A_199 = tpu.memref_slice %arg8[%dma_start3A_196, %dma_start3A_197, %dma_start3A_198] : memref<16x128x32xf32, #tpu.memory_space<vmem>> -> memref<1x128x32xf32, #tpu.memory_space<vmem>>
      %dma_start3A_200 = tpu.memref_squeeze %dma_start3A_199 : memref<1x128x32xf32, #tpu.memory_space<vmem>> -> memref<128x32xf32, #tpu.memory_space<vmem>>
      %dma_start3A_201 = arith.constant 0 : i32
      %dma_start3A_202 = tpu.memref_slice %arg6[%dma_start3A_195, %dma_start3A_201] : memref<16x128xi32, #tpu.memory_space<vmem>> -> memref<1x128xi32, #tpu.memory_space<vmem>>
      %dma_start3A_203 = tpu.memref_squeeze %dma_start3A_202 : memref<1x128xi32, #tpu.memory_space<vmem>> -> memref<128xi32, #tpu.memory_space<vmem>>
      %dma_start3A_204 = arith.constant 0 : i32
      %dma_start3A_205 = arith.constant 0 : i32
      %dma_start3A_206 = tpu.memref_slice %arg2[%dma_start3A_204, %dma_start3A_205] : memref<174080x32xf32, #tpu.memory_space<hbm>> -> memref<174080x32xf32, #tpu.memory_space<hbm>>
      tpu.enqueue_indirect_dma source(%dma_start3A_206 : memref<174080x32xf32, #tpu.memory_space<hbm>>) target(%dma_start3A_200 : memref<128x32xf32, #tpu.memory_space<vmem>>) offsets(%dma_start3A_203 : memref<128xi32, #tpu.memory_space<vmem>>) semaphore(%arg10 : memref<!tpu.dma_semaphore, #tpu.memory_space<semaphore_mem>>)
      %dma_wait3A = arith.constant 0 : i32
      %dma_wait3A_207 = arith.constant 0 : i32
      %dma_wait3A_208 = arith.constant 0 : i32
      %dma_wait3A_209 = arith.constant 0 : i32
      %dma_wait3A_210 = tpu.memref_slice %arg8[%dma_wait3A_207, %dma_wait3A_208, %dma_wait3A_209] : memref<16x128x32xf32, #tpu.memory_space<vmem>> -> memref<1x128x32xf32, #tpu.memory_space<vmem>>
      %dma_wait3A_211 = tpu.memref_squeeze %dma_wait3A_210 : memref<1x128x32xf32, #tpu.memory_space<vmem>> -> memref<128x32xf32, #tpu.memory_space<vmem>>
      %dma_wait3A_212 = arith.constant 0 : i32
      %dma_wait3A_213 = tpu.memref_slice %arg6[%dma_wait3A, %dma_wait3A_212] : memref<16x128xi32, #tpu.memory_space<vmem>> -> memref<1x128xi32, #tpu.memory_space<vmem>>
      %dma_wait3A_214 = tpu.memref_squeeze %dma_wait3A_213 : memref<1x128xi32, #tpu.memory_space<vmem>> -> memref<128xi32, #tpu.memory_space<vmem>>
      %dma_wait3A_215 = arith.constant 0 : i32
      %dma_wait3A_216 = arith.constant 0 : i32
      %dma_wait3A_217 = tpu.memref_slice %arg2[%dma_wait3A_215, %dma_wait3A_216] : memref<174080x32xf32, #tpu.memory_space<hbm>> -> memref<174080x32xf32, #tpu.memory_space<hbm>>
      tpu.wait_indirect_dma semaphore(%arg10 : memref<!tpu.dma_semaphore, #tpu.memory_space<semaphore_mem>>) src(%dma_wait3A_217 : memref<174080x32xf32, #tpu.memory_space<hbm>>) dst(%dma_wait3A_211 : memref<128x32xf32, #tpu.memory_space<vmem>>)
      %dma_wait3A_218 = arith.constant 1 : i32
      %dma_wait3A_219 = arith.constant 1 : i32
      %dma_wait3A_220 = arith.constant 0 : i32
      %dma_wait3A_221 = arith.constant 0 : i32
      %dma_wait3A_222 = tpu.memref_slice %arg8[%dma_wait3A_219, %dma_wait3A_220, %dma_wait3A_221] : memref<16x128x32xf32, #tpu.memory_space<vmem>> -> memref<1x128x32xf32, #tpu.memory_space<vmem>>
      %dma_wait3A_223 = tpu.memref_squeeze %dma_wait3A_222 : memref<1x128x32xf32, #tpu.memory_space<vmem>> -> memref<128x32xf32, #tpu.memory_space<vmem>>
      %dma_wait3A_224 = arith.constant 0 : i32
      %dma_wait3A_225 = tpu.memref_slice %arg6[%dma_wait3A_218, %dma_wait3A_224] : memref<16x128xi32, #tpu.memory_space<vmem>> -> memref<1x128xi32, #tpu.memory_space<vmem>>
      %dma_wait3A_226 = tpu.memref_squeeze %dma_wait3A_225 : memref<1x128xi32, #tpu.memory_space<vmem>> -> memref<128xi32, #tpu.memory_space<vmem>>
      %dma_wait3A_227 = arith.constant 0 : i32
      %dma_wait3A_228 = arith.constant 0 : i32
      %dma_wait3A_229 = tpu.memref_slice %arg2[%dma_wait3A_227, %dma_wait3A_228] : memref<174080x32xf32, #tpu.memory_space<hbm>> -> memref<174080x32xf32, #tpu.memory_space<hbm>>
      tpu.wait_indirect_dma semaphore(%arg10 : memref<!tpu.dma_semaphore, #tpu.memory_space<semaphore_mem>>) src(%dma_wait3A_229 : memref<174080x32xf32, #tpu.memory_space<hbm>>) dst(%dma_wait3A_223 : memref<128x32xf32, #tpu.memory_space<vmem>>)
      %dma_wait3A_230 = arith.constant 2 : i32
      %dma_wait3A_231 = arith.constant 2 : i32
      %dma_wait3A_232 = arith.constant 0 : i32
      %dma_wait3A_233 = arith.constant 0 : i32
      %dma_wait3A_234 = tpu.memref_slice %arg8[%dma_wait3A_231, %dma_wait3A_232, %dma_wait3A_233] : memref<16x128x32xf32, #tpu.memory_space<vmem>> -> memref<1x128x32xf32, #tpu.memory_space<vmem>>
      %dma_wait3A_235 = tpu.memref_squeeze %dma_wait3A_234 : memref<1x128x32xf32, #tpu.memory_space<vmem>> -> memref<128x32xf32, #tpu.memory_space<vmem>>
      %dma_wait3A_236 = arith.constant 0 : i32
      %dma_wait3A_237 = tpu.memref_slice %arg6[%dma_wait3A_230, %dma_wait3A_236] : memref<16x128xi32, #tpu.memory_space<vmem>> -> memref<1x128xi32, #tpu.memory_space<vmem>>
      %dma_wait3A_238 = tpu.memref_squeeze %dma_wait3A_237 : memref<1x128xi32, #tpu.memory_space<vmem>> -> memref<128xi32, #tpu.memory_space<vmem>>
      %dma_wait3A_239 = arith.constant 0 : i32
      %dma_wait3A_240 = arith.constant 0 : i32
      %dma_wait3A_241 = tpu.memref_slice %arg2[%dma_wait3A_239, %dma_wait3A_240] : memref<174080x32xf32, #tpu.memory_space<hbm>> -> memref<174080x32xf32, #tpu.memory_space<hbm>>
      tpu.wait_indirect_dma semaphore(%arg10 : memref<!tpu.dma_semaphore, #tpu.memory_space<semaphore_mem>>) src(%dma_wait3A_241 : memref<174080x32xf32, #tpu.memory_space<hbm>>) dst(%dma_wait3A_235 : memref<128x32xf32, #tpu.memory_space<vmem>>)
      %dma_wait3A_242 = arith.constant 3 : i32
      %dma_wait3A_243 = arith.constant 3 : i32
      %dma_wait3A_244 = arith.constant 0 : i32
      %dma_wait3A_245 = arith.constant 0 : i32
      %dma_wait3A_246 = tpu.memref_slice %arg8[%dma_wait3A_243, %dma_wait3A_244, %dma_wait3A_245] : memref<16x128x32xf32, #tpu.memory_space<vmem>> -> memref<1x128x32xf32, #tpu.memory_space<vmem>>
      %dma_wait3A_247 = tpu.memref_squeeze %dma_wait3A_246 : memref<1x128x32xf32, #tpu.memory_space<vmem>> -> memref<128x32xf32, #tpu.memory_space<vmem>>
      %dma_wait3A_248 = arith.constant 0 : i32
      %dma_wait3A_249 = tpu.memref_slice %arg6[%dma_wait3A_242, %dma_wait3A_248] : memref<16x128xi32, #tpu.memory_space<vmem>> -> memref<1x128xi32, #tpu.memory_space<vmem>>
      %dma_wait3A_250 = tpu.memref_squeeze %dma_wait3A_249 : memref<1x128xi32, #tpu.memory_space<vmem>> -> memref<128xi32, #tpu.memory_space<vmem>>
      %dma_wait3A_251 = arith.constant 0 : i32
      %dma_wait3A_252 = arith.constant 0 : i32
      %dma_wait3A_253 = tpu.memref_slice %arg2[%dma_wait3A_251, %dma_wait3A_252] : memref<174080x32xf32, #tpu.memory_space<hbm>> -> memref<174080x32xf32, #tpu.memory_space<hbm>>
      tpu.wait_indirect_dma semaphore(%arg10 : memref<!tpu.dma_semaphore, #tpu.memory_space<semaphore_mem>>) src(%dma_wait3A_253 : memref<174080x32xf32, #tpu.memory_space<hbm>>) dst(%dma_wait3A_247 : memref<128x32xf32, #tpu.memory_space<vmem>>)
      %dma_wait3A_254 = arith.constant 4 : i32
      %dma_wait3A_255 = arith.constant 4 : i32
      %dma_wait3A_256 = arith.constant 0 : i32
      %dma_wait3A_257 = arith.constant 0 : i32
      %dma_wait3A_258 = tpu.memref_slice %arg8[%dma_wait3A_255, %dma_wait3A_256, %dma_wait3A_257] : memref<16x128x32xf32, #tpu.memory_space<vmem>> -> memref<1x128x32xf32, #tpu.memory_space<vmem>>
      %dma_wait3A_259 = tpu.memref_squeeze %dma_wait3A_258 : memref<1x128x32xf32, #tpu.memory_space<vmem>> -> memref<128x32xf32, #tpu.memory_space<vmem>>
      %dma_wait3A_260 = arith.constant 0 : i32
      %dma_wait3A_261 = tpu.memref_slice %arg6[%dma_wait3A_254, %dma_wait3A_260] : memref<16x128xi32, #tpu.memory_space<vmem>> -> memref<1x128xi32, #tpu.memory_space<vmem>>
      %dma_wait3A_262 = tpu.memref_squeeze %dma_wait3A_261 : memref<1x128xi32, #tpu.memory_space<vmem>> -> memref<128xi32, #tpu.memory_space<vmem>>
      %dma_wait3A_263 = arith.constant 0 : i32
      %dma_wait3A_264 = arith.constant 0 : i32
      %dma_wait3A_265 = tpu.memref_slice %arg2[%dma_wait3A_263, %dma_wait3A_264] : memref<174080x32xf32, #tpu.memory_space<hbm>> -> memref<174080x32xf32, #tpu.memory_space<hbm>>
      tpu.wait_indirect_dma semaphore(%arg10 : memref<!tpu.dma_semaphore, #tpu.memory_space<semaphore_mem>>) src(%dma_wait3A_265 : memref<174080x32xf32, #tpu.memory_space<hbm>>) dst(%dma_wait3A_259 : memref<128x32xf32, #tpu.memory_space<vmem>>)
      %dma_wait3A_266 = arith.constant 5 : i32
      %dma_wait3A_267 = arith.constant 5 : i32
      %dma_wait3A_268 = arith.constant 0 : i32
      %dma_wait3A_269 = arith.constant 0 : i32
      %dma_wait3A_270 = tpu.memref_slice %arg8[%dma_wait3A_267, %dma_wait3A_268, %dma_wait3A_269] : memref<16x128x32xf32, #tpu.memory_space<vmem>> -> memref<1x128x32xf32, #tpu.memory_space<vmem>>
      %dma_wait3A_271 = tpu.memref_squeeze %dma_wait3A_270 : memref<1x128x32xf32, #tpu.memory_space<vmem>> -> memref<128x32xf32, #tpu.memory_space<vmem>>
      %dma_wait3A_272 = arith.constant 0 : i32
      %dma_wait3A_273 = tpu.memref_slice %arg6[%dma_wait3A_266, %dma_wait3A_272] : memref<16x128xi32, #tpu.memory_space<vmem>> -> memref<1x128xi32, #tpu.memory_space<vmem>>
      %dma_wait3A_274 = tpu.memref_squeeze %dma_wait3A_273 : memref<1x128xi32, #tpu.memory_space<vmem>> -> memref<128xi32, #tpu.memory_space<vmem>>
      %dma_wait3A_275 = arith.constant 0 : i32
      %dma_wait3A_276 = arith.constant 0 : i32
      %dma_wait3A_277 = tpu.memref_slice %arg2[%dma_wait3A_275, %dma_wait3A_276] : memref<174080x32xf32, #tpu.memory_space<hbm>> -> memref<174080x32xf32, #tpu.memory_space<hbm>>
      tpu.wait_indirect_dma semaphore(%arg10 : memref<!tpu.dma_semaphore, #tpu.memory_space<semaphore_mem>>) src(%dma_wait3A_277 : memref<174080x32xf32, #tpu.memory_space<hbm>>) dst(%dma_wait3A_271 : memref<128x32xf32, #tpu.memory_space<vmem>>)
      %dma_wait3A_278 = arith.constant 6 : i32
      %dma_wait3A_279 = arith.constant 6 : i32
      %dma_wait3A_280 = arith.constant 0 : i32
      %dma_wait3A_281 = arith.constant 0 : i32
      %dma_wait3A_282 = tpu.memref_slice %arg8[%dma_wait3A_279, %dma_wait3A_280, %dma_wait3A_281] : memref<16x128x32xf32, #tpu.memory_space<vmem>> -> memref<1x128x32xf32, #tpu.memory_space<vmem>>
      %dma_wait3A_283 = tpu.memref_squeeze %dma_wait3A_282 : memref<1x128x32xf32, #tpu.memory_space<vmem>> -> memref<128x32xf32, #tpu.memory_space<vmem>>
      %dma_wait3A_284 = arith.constant 0 : i32
      %dma_wait3A_285 = tpu.memref_slice %arg6[%dma_wait3A_278, %dma_wait3A_284] : memref<16x128xi32, #tpu.memory_space<vmem>> -> memref<1x128xi32, #tpu.memory_space<vmem>>
      %dma_wait3A_286 = tpu.memref_squeeze %dma_wait3A_285 : memref<1x128xi32, #tpu.memory_space<vmem>> -> memref<128xi32, #tpu.memory_space<vmem>>
      %dma_wait3A_287 = arith.constant 0 : i32
      %dma_wait3A_288 = arith.constant 0 : i32
      %dma_wait3A_289 = tpu.memref_slice %arg2[%dma_wait3A_287, %dma_wait3A_288] : memref<174080x32xf32, #tpu.memory_space<hbm>> -> memref<174080x32xf32, #tpu.memory_space<hbm>>
      tpu.wait_indirect_dma semaphore(%arg10 : memref<!tpu.dma_semaphore, #tpu.memory_space<semaphore_mem>>) src(%dma_wait3A_289 : memref<174080x32xf32, #tpu.memory_space<hbm>>) dst(%dma_wait3A_283 : memref<128x32xf32, #tpu.memory_space<vmem>>)
      %dma_wait3A_290 = arith.constant 7 : i32
      %dma_wait3A_291 = arith.constant 7 : i32
      %dma_wait3A_292 = arith.constant 0 : i32
      %dma_wait3A_293 = arith.constant 0 : i32
      %dma_wait3A_294 = tpu.memref_slice %arg8[%dma_wait3A_291, %dma_wait3A_292, %dma_wait3A_293] : memref<16x128x32xf32, #tpu.memory_space<vmem>> -> memref<1x128x32xf32, #tpu.memory_space<vmem>>
      %dma_wait3A_295 = tpu.memref_squeeze %dma_wait3A_294 : memref<1x128x32xf32, #tpu.memory_space<vmem>> -> memref<128x32xf32, #tpu.memory_space<vmem>>
      %dma_wait3A_296 = arith.constant 0 : i32
      %dma_wait3A_297 = tpu.memref_slice %arg6[%dma_wait3A_290, %dma_wait3A_296] : memref<16x128xi32, #tpu.memory_space<vmem>> -> memref<1x128xi32, #tpu.memory_space<vmem>>
      %dma_wait3A_298 = tpu.memref_squeeze %dma_wait3A_297 : memref<1x128xi32, #tpu.memory_space<vmem>> -> memref<128xi32, #tpu.memory_space<vmem>>
      %dma_wait3A_299 = arith.constant 0 : i32
      %dma_wait3A_300 = arith.constant 0 : i32
      %dma_wait3A_301 = tpu.memref_slice %arg2[%dma_wait3A_299, %dma_wait3A_300] : memref<174080x32xf32, #tpu.memory_space<hbm>> -> memref<174080x32xf32, #tpu.memory_space<hbm>>
      tpu.wait_indirect_dma semaphore(%arg10 : memref<!tpu.dma_semaphore, #tpu.memory_space<semaphore_mem>>) src(%dma_wait3A_301 : memref<174080x32xf32, #tpu.memory_space<hbm>>) dst(%dma_wait3A_295 : memref<128x32xf32, #tpu.memory_space<vmem>>)
      %dma_wait3A_302 = arith.constant 8 : i32
      %dma_wait3A_303 = arith.constant 8 : i32
      %dma_wait3A_304 = arith.constant 0 : i32
      %dma_wait3A_305 = arith.constant 0 : i32
      %dma_wait3A_306 = tpu.memref_slice %arg8[%dma_wait3A_303, %dma_wait3A_304, %dma_wait3A_305] : memref<16x128x32xf32, #tpu.memory_space<vmem>> -> memref<1x128x32xf32, #tpu.memory_space<vmem>>
      %dma_wait3A_307 = tpu.memref_squeeze %dma_wait3A_306 : memref<1x128x32xf32, #tpu.memory_space<vmem>> -> memref<128x32xf32, #tpu.memory_space<vmem>>
      %dma_wait3A_308 = arith.constant 0 : i32
      %dma_wait3A_309 = tpu.memref_slice %arg6[%dma_wait3A_302, %dma_wait3A_308] : memref<16x128xi32, #tpu.memory_space<vmem>> -> memref<1x128xi32, #tpu.memory_space<vmem>>
      %dma_wait3A_310 = tpu.memref_squeeze %dma_wait3A_309 : memref<1x128xi32, #tpu.memory_space<vmem>> -> memref<128xi32, #tpu.memory_space<vmem>>
      %dma_wait3A_311 = arith.constant 0 : i32
      %dma_wait3A_312 = arith.constant 0 : i32
      %dma_wait3A_313 = tpu.memref_slice %arg2[%dma_wait3A_311, %dma_wait3A_312] : memref<174080x32xf32, #tpu.memory_space<hbm>> -> memref<174080x32xf32, #tpu.memory_space<hbm>>
      tpu.wait_indirect_dma semaphore(%arg10 : memref<!tpu.dma_semaphore, #tpu.memory_space<semaphore_mem>>) src(%dma_wait3A_313 : memref<174080x32xf32, #tpu.memory_space<hbm>>) dst(%dma_wait3A_307 : memref<128x32xf32, #tpu.memory_space<vmem>>)
      %dma_wait3A_314 = arith.constant 9 : i32
      %dma_wait3A_315 = arith.constant 9 : i32
      %dma_wait3A_316 = arith.constant 0 : i32
      %dma_wait3A_317 = arith.constant 0 : i32
      %dma_wait3A_318 = tpu.memref_slice %arg8[%dma_wait3A_315, %dma_wait3A_316, %dma_wait3A_317] : memref<16x128x32xf32, #tpu.memory_space<vmem>> -> memref<1x128x32xf32, #tpu.memory_space<vmem>>
      %dma_wait3A_319 = tpu.memref_squeeze %dma_wait3A_318 : memref<1x128x32xf32, #tpu.memory_space<vmem>> -> memref<128x32xf32, #tpu.memory_space<vmem>>
      %dma_wait3A_320 = arith.constant 0 : i32
      %dma_wait3A_321 = tpu.memref_slice %arg6[%dma_wait3A_314, %dma_wait3A_320] : memref<16x128xi32, #tpu.memory_space<vmem>> -> memref<1x128xi32, #tpu.memory_space<vmem>>
      %dma_wait3A_322 = tpu.memref_squeeze %dma_wait3A_321 : memref<1x128xi32, #tpu.memory_space<vmem>> -> memref<128xi32, #tpu.memory_space<vmem>>
      %dma_wait3A_323 = arith.constant 0 : i32
      %dma_wait3A_324 = arith.constant 0 : i32
      %dma_wait3A_325 = tpu.memref_slice %arg2[%dma_wait3A_323, %dma_wait3A_324] : memref<174080x32xf32, #tpu.memory_space<hbm>> -> memref<174080x32xf32, #tpu.memory_space<hbm>>
      tpu.wait_indirect_dma semaphore(%arg10 : memref<!tpu.dma_semaphore, #tpu.memory_space<semaphore_mem>>) src(%dma_wait3A_325 : memref<174080x32xf32, #tpu.memory_space<hbm>>) dst(%dma_wait3A_319 : memref<128x32xf32, #tpu.memory_space<vmem>>)
      %dma_wait3A_326 = arith.constant 10 : i32
      %dma_wait3A_327 = arith.constant 10 : i32
      %dma_wait3A_328 = arith.constant 0 : i32
      %dma_wait3A_329 = arith.constant 0 : i32
      %dma_wait3A_330 = tpu.memref_slice %arg8[%dma_wait3A_327, %dma_wait3A_328, %dma_wait3A_329] : memref<16x128x32xf32, #tpu.memory_space<vmem>> -> memref<1x128x32xf32, #tpu.memory_space<vmem>>
      %dma_wait3A_331 = tpu.memref_squeeze %dma_wait3A_330 : memref<1x128x32xf32, #tpu.memory_space<vmem>> -> memref<128x32xf32, #tpu.memory_space<vmem>>
      %dma_wait3A_332 = arith.constant 0 : i32
      %dma_wait3A_333 = tpu.memref_slice %arg6[%dma_wait3A_326, %dma_wait3A_332] : memref<16x128xi32, #tpu.memory_space<vmem>> -> memref<1x128xi32, #tpu.memory_space<vmem>>
      %dma_wait3A_334 = tpu.memref_squeeze %dma_wait3A_333 : memref<1x128xi32, #tpu.memory_space<vmem>> -> memref<128xi32, #tpu.memory_space<vmem>>
      %dma_wait3A_335 = arith.constant 0 : i32
      %dma_wait3A_336 = arith.constant 0 : i32
      %dma_wait3A_337 = tpu.memref_slice %arg2[%dma_wait3A_335, %dma_wait3A_336] : memref<174080x32xf32, #tpu.memory_space<hbm>> -> memref<174080x32xf32, #tpu.memory_space<hbm>>
      tpu.wait_indirect_dma semaphore(%arg10 : memref<!tpu.dma_semaphore, #tpu.memory_space<semaphore_mem>>) src(%dma_wait3A_337 : memref<174080x32xf32, #tpu.memory_space<hbm>>) dst(%dma_wait3A_331 : memref<128x32xf32, #tpu.memory_space<vmem>>)
      %dma_wait3A_338 = arith.constant 11 : i32
      %dma_wait3A_339 = arith.constant 11 : i32
      %dma_wait3A_340 = arith.constant 0 : i32
      %dma_wait3A_341 = arith.constant 0 : i32
      %dma_wait3A_342 = tpu.memref_slice %arg8[%dma_wait3A_339, %dma_wait3A_340, %dma_wait3A_341] : memref<16x128x32xf32, #tpu.memory_space<vmem>> -> memref<1x128x32xf32, #tpu.memory_space<vmem>>
      %dma_wait3A_343 = tpu.memref_squeeze %dma_wait3A_342 : memref<1x128x32xf32, #tpu.memory_space<vmem>> -> memref<128x32xf32, #tpu.memory_space<vmem>>
      %dma_wait3A_344 = arith.constant 0 : i32
      %dma_wait3A_345 = tpu.memref_slice %arg6[%dma_wait3A_338, %dma_wait3A_344] : memref<16x128xi32, #tpu.memory_space<vmem>> -> memref<1x128xi32, #tpu.memory_space<vmem>>
      %dma_wait3A_346 = tpu.memref_squeeze %dma_wait3A_345 : memref<1x128xi32, #tpu.memory_space<vmem>> -> memref<128xi32, #tpu.memory_space<vmem>>
      %dma_wait3A_347 = arith.constant 0 : i32
      %dma_wait3A_348 = arith.constant 0 : i32
      %dma_wait3A_349 = tpu.memref_slice %arg2[%dma_wait3A_347, %dma_wait3A_348] : memref<174080x32xf32, #tpu.memory_space<hbm>> -> memref<174080x32xf32, #tpu.memory_space<hbm>>
      tpu.wait_indirect_dma semaphore(%arg10 : memref<!tpu.dma_semaphore, #tpu.memory_space<semaphore_mem>>) src(%dma_wait3A_349 : memref<174080x32xf32, #tpu.memory_space<hbm>>) dst(%dma_wait3A_343 : memref<128x32xf32, #tpu.memory_space<vmem>>)
      %dma_wait3A_350 = arith.constant 12 : i32
      %dma_wait3A_351 = arith.constant 12 : i32
      %dma_wait3A_352 = arith.constant 0 : i32
      %dma_wait3A_353 = arith.constant 0 : i32
      %dma_wait3A_354 = tpu.memref_slice %arg8[%dma_wait3A_351, %dma_wait3A_352, %dma_wait3A_353] : memref<16x128x32xf32, #tpu.memory_space<vmem>> -> memref<1x128x32xf32, #tpu.memory_space<vmem>>
      %dma_wait3A_355 = tpu.memref_squeeze %dma_wait3A_354 : memref<1x128x32xf32, #tpu.memory_space<vmem>> -> memref<128x32xf32, #tpu.memory_space<vmem>>
      %dma_wait3A_356 = arith.constant 0 : i32
      %dma_wait3A_357 = tpu.memref_slice %arg6[%dma_wait3A_350, %dma_wait3A_356] : memref<16x128xi32, #tpu.memory_space<vmem>> -> memref<1x128xi32, #tpu.memory_space<vmem>>
      %dma_wait3A_358 = tpu.memref_squeeze %dma_wait3A_357 : memref<1x128xi32, #tpu.memory_space<vmem>> -> memref<128xi32, #tpu.memory_space<vmem>>
      %dma_wait3A_359 = arith.constant 0 : i32
      %dma_wait3A_360 = arith.constant 0 : i32
      %dma_wait3A_361 = tpu.memref_slice %arg2[%dma_wait3A_359, %dma_wait3A_360] : memref<174080x32xf32, #tpu.memory_space<hbm>> -> memref<174080x32xf32, #tpu.memory_space<hbm>>
      tpu.wait_indirect_dma semaphore(%arg10 : memref<!tpu.dma_semaphore, #tpu.memory_space<semaphore_mem>>) src(%dma_wait3A_361 : memref<174080x32xf32, #tpu.memory_space<hbm>>) dst(%dma_wait3A_355 : memref<128x32xf32, #tpu.memory_space<vmem>>)
      %dma_wait3A_362 = arith.constant 13 : i32
      %dma_wait3A_363 = arith.constant 13 : i32
      %dma_wait3A_364 = arith.constant 0 : i32
      %dma_wait3A_365 = arith.constant 0 : i32
      %dma_wait3A_366 = tpu.memref_slice %arg8[%dma_wait3A_363, %dma_wait3A_364, %dma_wait3A_365] : memref<16x128x32xf32, #tpu.memory_space<vmem>> -> memref<1x128x32xf32, #tpu.memory_space<vmem>>
      %dma_wait3A_367 = tpu.memref_squeeze %dma_wait3A_366 : memref<1x128x32xf32, #tpu.memory_space<vmem>> -> memref<128x32xf32, #tpu.memory_space<vmem>>
      %dma_wait3A_368 = arith.constant 0 : i32
      %dma_wait3A_369 = tpu.memref_slice %arg6[%dma_wait3A_362, %dma_wait3A_368] : memref<16x128xi32, #tpu.memory_space<vmem>> -> memref<1x128xi32, #tpu.memory_space<vmem>>
      %dma_wait3A_370 = tpu.memref_squeeze %dma_wait3A_369 : memref<1x128xi32, #tpu.memory_space<vmem>> -> memref<128xi32, #tpu.memory_space<vmem>>
      %dma_wait3A_371 = arith.constant 0 : i32
      %dma_wait3A_372 = arith.constant 0 : i32
      %dma_wait3A_373 = tpu.memref_slice %arg2[%dma_wait3A_371, %dma_wait3A_372] : memref<174080x32xf32, #tpu.memory_space<hbm>> -> memref<174080x32xf32, #tpu.memory_space<hbm>>
      tpu.wait_indirect_dma semaphore(%arg10 : memref<!tpu.dma_semaphore, #tpu.memory_space<semaphore_mem>>) src(%dma_wait3A_373 : memref<174080x32xf32, #tpu.memory_space<hbm>>) dst(%dma_wait3A_367 : memref<128x32xf32, #tpu.memory_space<vmem>>)
      %dma_wait3A_374 = arith.constant 14 : i32
      %dma_wait3A_375 = arith.constant 14 : i32
      %dma_wait3A_376 = arith.constant 0 : i32
      %dma_wait3A_377 = arith.constant 0 : i32
      %dma_wait3A_378 = tpu.memref_slice %arg8[%dma_wait3A_375, %dma_wait3A_376, %dma_wait3A_377] : memref<16x128x32xf32, #tpu.memory_space<vmem>> -> memref<1x128x32xf32, #tpu.memory_space<vmem>>
      %dma_wait3A_379 = tpu.memref_squeeze %dma_wait3A_378 : memref<1x128x32xf32, #tpu.memory_space<vmem>> -> memref<128x32xf32, #tpu.memory_space<vmem>>
      %dma_wait3A_380 = arith.constant 0 : i32
      %dma_wait3A_381 = tpu.memref_slice %arg6[%dma_wait3A_374, %dma_wait3A_380] : memref<16x128xi32, #tpu.memory_space<vmem>> -> memref<1x128xi32, #tpu.memory_space<vmem>>
      %dma_wait3A_382 = tpu.memref_squeeze %dma_wait3A_381 : memref<1x128xi32, #tpu.memory_space<vmem>> -> memref<128xi32, #tpu.memory_space<vmem>>
      %dma_wait3A_383 = arith.constant 0 : i32
      %dma_wait3A_384 = arith.constant 0 : i32
      %dma_wait3A_385 = tpu.memref_slice %arg2[%dma_wait3A_383, %dma_wait3A_384] : memref<174080x32xf32, #tpu.memory_space<hbm>> -> memref<174080x32xf32, #tpu.memory_space<hbm>>
      tpu.wait_indirect_dma semaphore(%arg10 : memref<!tpu.dma_semaphore, #tpu.memory_space<semaphore_mem>>) src(%dma_wait3A_385 : memref<174080x32xf32, #tpu.memory_space<hbm>>) dst(%dma_wait3A_379 : memref<128x32xf32, #tpu.memory_space<vmem>>)
      %dma_wait3A_386 = arith.constant 15 : i32
      %dma_wait3A_387 = arith.constant 15 : i32
      %dma_wait3A_388 = arith.constant 0 : i32
      %dma_wait3A_389 = arith.constant 0 : i32
      %dma_wait3A_390 = tpu.memref_slice %arg8[%dma_wait3A_387, %dma_wait3A_388, %dma_wait3A_389] : memref<16x128x32xf32, #tpu.memory_space<vmem>> -> memref<1x128x32xf32, #tpu.memory_space<vmem>>
      %dma_wait3A_391 = tpu.memref_squeeze %dma_wait3A_390 : memref<1x128x32xf32, #tpu.memory_space<vmem>> -> memref<128x32xf32, #tpu.memory_space<vmem>>
      %dma_wait3A_392 = arith.constant 0 : i32
      %dma_wait3A_393 = tpu.memref_slice %arg6[%dma_wait3A_386, %dma_wait3A_392] : memref<16x128xi32, #tpu.memory_space<vmem>> -> memref<1x128xi32, #tpu.memory_space<vmem>>
      %dma_wait3A_394 = tpu.memref_squeeze %dma_wait3A_393 : memref<1x128xi32, #tpu.memory_space<vmem>> -> memref<128xi32, #tpu.memory_space<vmem>>
      %dma_wait3A_395 = arith.constant 0 : i32
      %dma_wait3A_396 = arith.constant 0 : i32
      %dma_wait3A_397 = tpu.memref_slice %arg2[%dma_wait3A_395, %dma_wait3A_396] : memref<174080x32xf32, #tpu.memory_space<hbm>> -> memref<174080x32xf32, #tpu.memory_space<hbm>>
      tpu.wait_indirect_dma semaphore(%arg10 : memref<!tpu.dma_semaphore, #tpu.memory_space<semaphore_mem>>) src(%dma_wait3A_397 : memref<174080x32xf32, #tpu.memory_space<hbm>>) dst(%dma_wait3A_391 : memref<128x32xf32, #tpu.memory_space<vmem>>)
      %scan3A_398 = arith.constant 0 : i32
      %scan3A_399 = arith.constant 0 : i32
      %scan3A_400 = arith.constant 32 : i32
      %scan3A_401 = arith.addi %scan3A_399, %scan3A_400 : i32
      %scan3A_402 = arith.constant 1 : i32
      scf.for %scan3A_404 = %scan3A_399 to %scan3A_401 step %scan3A_402  : i32 {
        %jit3A = arith.constant 8 : i32
        %div3A = arith.divsi %scan3A_404, %jit3A : i32
        %sign3A = arith.constant 0 : i32
        %sign3A_405 = arith.cmpi sgt, %scan3A_404, %sign3A : i32
        %sign3A_406 = arith.extui %sign3A_405 : i1 to i32
        %sign3A_407 = arith.constant 0 : i32
        %sign3A_408 = arith.cmpi slt, %scan3A_404, %sign3A_407 : i32
        %sign3A_409 = arith.extui %sign3A_408 : i1 to i32
        %sign3A_410 = arith.subi %sign3A_406, %sign3A_409 : i32
        %sign3A_411 = arith.constant 0 : i32
        %sign3A_412 = arith.cmpi sgt, %jit3A, %sign3A_411 : i32
        %sign3A_413 = arith.extui %sign3A_412 : i1 to i32
        %sign3A_414 = arith.constant 0 : i32
        %sign3A_415 = arith.cmpi slt, %jit3A, %sign3A_414 : i32
        %sign3A_416 = arith.extui %sign3A_415 : i1 to i32
        %sign3A_417 = arith.subi %sign3A_413, %sign3A_416 : i32
        %ne3A = arith.cmpi ne, %sign3A_410, %sign3A_417 : i32
        %rem3A = arith.remsi %scan3A_404, %jit3A : i32
        %ne3A_418 = arith.constant 0 : i32
        %ne3A_419 = arith.cmpi ne, %rem3A, %ne3A_418 : i32
        %and3A = arith.andi %ne3A, %ne3A_419 : i1
        %sub3A = arith.constant 1 : i32
        %sub3A_420 = arith.subi %div3A, %sub3A : i32
        %select_n3A = arith.select %and3A, %sub3A_420, %div3A : i32
        %mul3A_421 = arith.constant 8 : i32
        %mul3A_422 = arith.muli %select_n3A, %mul3A_421 : i32
        %sub3A_423 = arith.subi %scan3A_404, %mul3A_422 : i32
        %broadcast_in_dim3A = arith.constant 0.000000e+00 : f32
        %broadcast_in_dim3A_424 = vector.broadcast %broadcast_in_dim3A : f32 to vector<16xf32>
        %broadcast_in_dim3A_425 = arith.constant 0.000000e+00 : f32
        %broadcast_in_dim3A_426 = vector.broadcast %broadcast_in_dim3A_425 : f32 to vector<16xf32>
        %mul3A_427 = arith.constant 4 : i32
        %mul3A_428 = arith.muli %select_n3A, %mul3A_427 : i32
        %add3A_429 = arith.constant 0 : i32
        %add3A_430 = arith.addi %mul3A_428, %add3A_429 : i32
        %mul3A_431 = arith.constant 128 : i32
        %mul3A_432 = arith.muli %add3A_430, %mul3A_431 : i32
        %mul3A_433 = arith.constant 16 : i32
        %mul3A_434 = arith.muli %sub3A_423, %mul3A_433 : i32
        %add3A_435 = arith.addi %mul3A_432, %mul3A_434 : i32
        %get3A = arith.index_cast %add3A_435 : i32 to index
        %get3A_436 = tpu.vector_load %arg7[%get3A] {strides = array<i32>} : memref<2048xf32, #tpu.memory_space<vmem>>, vector<16xf32>,
        %get3A_437 = vector.shape_cast %get3A_436 : vector<16xf32> to vector<16xf32>
        %mul3A_438 = arith.constant 16 : i32
        %mul3A_439 = arith.muli %sub3A_423, %mul3A_438 : i32
        %add3A_440 = arith.constant 0 : i32
        %add3A_441 = arith.addi %mul3A_439, %add3A_440 : i32
        %slice3A = vector.extract_strided_slice %get3A_437 {offsets = [0], sizes = [1], strides = [1]} : vector<16xf32> to vector<1xf32>
        %squeeze3A = vector.extract %slice3A[0] : f32 from vector<1xf32>
        %broadcast_in_dim3A_442 = vector.broadcast %squeeze3A : f32 to vector<16xf32>
        %get3A_443 = arith.index_cast %add3A_430 : i32 to index
        %get3A_444 = arith.index_cast %add3A_441 : i32 to index
        %get3A_445 = arith.constant 0 : index
        %get3A_446 = tpu.vector_load %arg8[%get3A_443, %get3A_444, %get3A_445] {strides = array<i32>} : memref<16x128x32xf32, #tpu.memory_space<vmem>>, vector<1x1x16xf32>,
        %get3A_447 = vector.shape_cast %get3A_446 : vector<1x1x16xf32> to vector<16xf32>
        %mul3A_448 = arith.mulf %broadcast_in_dim3A_442, %get3A_447 : vector<16xf32>
        %add3A_449 = arith.addf %broadcast_in_dim3A_424, %mul3A_448 : vector<16xf32>
        %get3A_450 = arith.index_cast %add3A_430 : i32 to index
        %get3A_451 = arith.index_cast %add3A_441 : i32 to index
        %get3A_452 = arith.constant 16 : index
        %get3A_453 = tpu.vector_load %arg8[%get3A_450, %get3A_451, %get3A_452] {strides = array<i32>} : memref<16x128x32xf32, #tpu.memory_space<vmem>>, vector<1x1x16xf32>,
        %get3A_454 = vector.shape_cast %get3A_453 : vector<1x1x16xf32> to vector<16xf32>
        %mul3A_455 = arith.mulf %broadcast_in_dim3A_442, %get3A_454 : vector<16xf32>
        %add3A_456 = arith.addf %broadcast_in_dim3A_426, %mul3A_455 : vector<16xf32>
        %mul3A_457 = arith.constant 16 : i32
        %mul3A_458 = arith.muli %sub3A_423, %mul3A_457 : i32
        %add3A_459 = arith.constant 1 : i32
        %add3A_460 = arith.addi %mul3A_458, %add3A_459 : i32
        %slice3A_461 = vector.extract_strided_slice %get3A_437 {offsets = [1], sizes = [1], strides = [1]} : vector<16xf32> to vector<1xf32>
        %squeeze3A_462 = vector.extract %slice3A_461[0] : f32 from vector<1xf32>
        %broadcast_in_dim3A_463 = vector.broadcast %squeeze3A_462 : f32 to vector<16xf32>
        %get3A_464 = arith.index_cast %add3A_430 : i32 to index
        %get3A_465 = arith.index_cast %add3A_460 : i32 to index
        %get3A_466 = arith.constant 0 : index
        %get3A_467 = tpu.vector_load %arg8[%get3A_464, %get3A_465, %get3A_466] {strides = array<i32>} : memref<16x128x32xf32, #tpu.memory_space<vmem>>, vector<1x1x16xf32>,
        %get3A_468 = vector.shape_cast %get3A_467 : vector<1x1x16xf32> to vector<16xf32>
        %mul3A_469 = arith.mulf %broadcast_in_dim3A_463, %get3A_468 : vector<16xf32>
        %add3A_470 = arith.addf %add3A_449, %mul3A_469 : vector<16xf32>
        %get3A_471 = arith.index_cast %add3A_430 : i32 to index
        %get3A_472 = arith.index_cast %add3A_460 : i32 to index
        %get3A_473 = arith.constant 16 : index
        %get3A_474 = tpu.vector_load %arg8[%get3A_471, %get3A_472, %get3A_473] {strides = array<i32>} : memref<16x128x32xf32, #tpu.memory_space<vmem>>, vector<1x1x16xf32>,
        %get3A_475 = vector.shape_cast %get3A_474 : vector<1x1x16xf32> to vector<16xf32>
        %mul3A_476 = arith.mulf %broadcast_in_dim3A_463, %get3A_475 : vector<16xf32>
        %add3A_477 = arith.addf %add3A_456, %mul3A_476 : vector<16xf32>
        %mul3A_478 = arith.constant 16 : i32
        %mul3A_479 = arith.muli %sub3A_423, %mul3A_478 : i32
        %add3A_480 = arith.constant 2 : i32
        %add3A_481 = arith.addi %mul3A_479, %add3A_480 : i32
        %slice3A_482 = vector.extract_strided_slice %get3A_437 {offsets = [2], sizes = [1], strides = [1]} : vector<16xf32> to vector<1xf32>
        %squeeze3A_483 = vector.extract %slice3A_482[0] : f32 from vector<1xf32>
        %broadcast_in_dim3A_484 = vector.broadcast %squeeze3A_483 : f32 to vector<16xf32>
        %get3A_485 = arith.index_cast %add3A_430 : i32 to index
        %get3A_486 = arith.index_cast %add3A_481 : i32 to index
        %get3A_487 = arith.constant 0 : index
        %get3A_488 = tpu.vector_load %arg8[%get3A_485, %get3A_486, %get3A_487] {strides = array<i32>} : memref<16x128x32xf32, #tpu.memory_space<vmem>>, vector<1x1x16xf32>,
        %get3A_489 = vector.shape_cast %get3A_488 : vector<1x1x16xf32> to vector<16xf32>
        %mul3A_490 = arith.mulf %broadcast_in_dim3A_484, %get3A_489 : vector<16xf32>
        %add3A_491 = arith.addf %add3A_470, %mul3A_490 : vector<16xf32>
        %get3A_492 = arith.index_cast %add3A_430 : i32 to index
        %get3A_493 = arith.index_cast %add3A_481 : i32 to index
        %get3A_494 = arith.constant 16 : index
        %get3A_495 = tpu.vector_load %arg8[%get3A_492, %get3A_493, %get3A_494] {strides = array<i32>} : memref<16x128x32xf32, #tpu.memory_space<vmem>>, vector<1x1x16xf32>,
        %get3A_496 = vector.shape_cast %get3A_495 : vector<1x1x16xf32> to vector<16xf32>
        %mul3A_497 = arith.mulf %broadcast_in_dim3A_484, %get3A_496 : vector<16xf32>
        %add3A_498 = arith.addf %add3A_477, %mul3A_497 : vector<16xf32>
        %mul3A_499 = arith.constant 16 : i32
        %mul3A_500 = arith.muli %sub3A_423, %mul3A_499 : i32
        %add3A_501 = arith.constant 3 : i32
        %add3A_502 = arith.addi %mul3A_500, %add3A_501 : i32
        %slice3A_503 = vector.extract_strided_slice %get3A_437 {offsets = [3], sizes = [1], strides = [1]} : vector<16xf32> to vector<1xf32>
        %squeeze3A_504 = vector.extract %slice3A_503[0] : f32 from vector<1xf32>
        %broadcast_in_dim3A_505 = vector.broadcast %squeeze3A_504 : f32 to vector<16xf32>
        %get3A_506 = arith.index_cast %add3A_430 : i32 to index
        %get3A_507 = arith.index_cast %add3A_502 : i32 to index
        %get3A_508 = arith.constant 0 : index
        %get3A_509 = tpu.vector_load %arg8[%get3A_506, %get3A_507, %get3A_508] {strides = array<i32>} : memref<16x128x32xf32, #tpu.memory_space<vmem>>, vector<1x1x16xf32>,
        %get3A_510 = vector.shape_cast %get3A_509 : vector<1x1x16xf32> to vector<16xf32>
        %mul3A_511 = arith.mulf %broadcast_in_dim3A_505, %get3A_510 : vector<16xf32>
        %add3A_512 = arith.addf %add3A_491, %mul3A_511 : vector<16xf32>
        %get3A_513 = arith.index_cast %add3A_430 : i32 to index
        %get3A_514 = arith.index_cast %add3A_502 : i32 to index
        %get3A_515 = arith.constant 16 : index
        %get3A_516 = tpu.vector_load %arg8[%get3A_513, %get3A_514, %get3A_515] {strides = array<i32>} : memref<16x128x32xf32, #tpu.memory_space<vmem>>, vector<1x1x16xf32>,
        %get3A_517 = vector.shape_cast %get3A_516 : vector<1x1x16xf32> to vector<16xf32>
        %mul3A_518 = arith.mulf %broadcast_in_dim3A_505, %get3A_517 : vector<16xf32>
        %add3A_519 = arith.addf %add3A_498, %mul3A_518 : vector<16xf32>
        %mul3A_520 = arith.constant 16 : i32
        %mul3A_521 = arith.muli %sub3A_423, %mul3A_520 : i32
        %add3A_522 = arith.constant 4 : i32
        %add3A_523 = arith.addi %mul3A_521, %add3A_522 : i32
        %slice3A_524 = vector.extract_strided_slice %get3A_437 {offsets = [4], sizes = [1], strides = [1]} : vector<16xf32> to vector<1xf32>
        %squeeze3A_525 = vector.extract %slice3A_524[0] : f32 from vector<1xf32>
        %broadcast_in_dim3A_526 = vector.broadcast %squeeze3A_525 : f32 to vector<16xf32>
        %get3A_527 = arith.index_cast %add3A_430 : i32 to index
        %get3A_528 = arith.index_cast %add3A_523 : i32 to index
        %get3A_529 = arith.constant 0 : index
        %get3A_530 = tpu.vector_load %arg8[%get3A_527, %get3A_528, %get3A_529] {strides = array<i32>} : memref<16x128x32xf32, #tpu.memory_space<vmem>>, vector<1x1x16xf32>,
        %get3A_531 = vector.shape_cast %get3A_530 : vector<1x1x16xf32> to vector<16xf32>
        %mul3A_532 = arith.mulf %broadcast_in_dim3A_526, %get3A_531 : vector<16xf32>
        %add3A_533 = arith.addf %add3A_512, %mul3A_532 : vector<16xf32>
        %get3A_534 = arith.index_cast %add3A_430 : i32 to index
        %get3A_535 = arith.index_cast %add3A_523 : i32 to index
        %get3A_536 = arith.constant 16 : index
        %get3A_537 = tpu.vector_load %arg8[%get3A_534, %get3A_535, %get3A_536] {strides = array<i32>} : memref<16x128x32xf32, #tpu.memory_space<vmem>>, vector<1x1x16xf32>,
        %get3A_538 = vector.shape_cast %get3A_537 : vector<1x1x16xf32> to vector<16xf32>
        %mul3A_539 = arith.mulf %broadcast_in_dim3A_526, %get3A_538 : vector<16xf32>
        %add3A_540 = arith.addf %add3A_519, %mul3A_539 : vector<16xf32>
        %mul3A_541 = arith.constant 16 : i32
        %mul3A_542 = arith.muli %sub3A_423, %mul3A_541 : i32
        %add3A_543 = arith.constant 5 : i32
        %add3A_544 = arith.addi %mul3A_542, %add3A_543 : i32
        %slice3A_545 = vector.extract_strided_slice %get3A_437 {offsets = [5], sizes = [1], strides = [1]} : vector<16xf32> to vector<1xf32>
        %squeeze3A_546 = vector.extract %slice3A_545[0] : f32 from vector<1xf32>
        %broadcast_in_dim3A_547 = vector.broadcast %squeeze3A_546 : f32 to vector<16xf32>
        %get3A_548 = arith.index_cast %add3A_430 : i32 to index
        %get3A_549 = arith.index_cast %add3A_544 : i32 to index
        %get3A_550 = arith.constant 0 : index
        %get3A_551 = tpu.vector_load %arg8[%get3A_548, %get3A_549, %get3A_550] {strides = array<i32>} : memref<16x128x32xf32, #tpu.memory_space<vmem>>, vector<1x1x16xf32>,
        %get3A_552 = vector.shape_cast %get3A_551 : vector<1x1x16xf32> to vector<16xf32>
        %mul3A_553 = arith.mulf %broadcast_in_dim3A_547, %get3A_552 : vector<16xf32>
        %add3A_554 = arith.addf %add3A_533, %mul3A_553 : vector<16xf32>
        %get3A_555 = arith.index_cast %add3A_430 : i32 to index
        %get3A_556 = arith.index_cast %add3A_544 : i32 to index
        %get3A_557 = arith.constant 16 : index
        %get3A_558 = tpu.vector_load %arg8[%get3A_555, %get3A_556, %get3A_557] {strides = array<i32>} : memref<16x128x32xf32, #tpu.memory_space<vmem>>, vector<1x1x16xf32>,
        %get3A_559 = vector.shape_cast %get3A_558 : vector<1x1x16xf32> to vector<16xf32>
        %mul3A_560 = arith.mulf %broadcast_in_dim3A_547, %get3A_559 : vector<16xf32>
        %add3A_561 = arith.addf %add3A_540, %mul3A_560 : vector<16xf32>
        %mul3A_562 = arith.constant 16 : i32
        %mul3A_563 = arith.muli %sub3A_423, %mul3A_562 : i32
        %add3A_564 = arith.constant 6 : i32
        %add3A_565 = arith.addi %mul3A_563, %add3A_564 : i32
        %slice3A_566 = vector.extract_strided_slice %get3A_437 {offsets = [6], sizes = [1], strides = [1]} : vector<16xf32> to vector<1xf32>
        %squeeze3A_567 = vector.extract %slice3A_566[0] : f32 from vector<1xf32>
        %broadcast_in_dim3A_568 = vector.broadcast %squeeze3A_567 : f32 to vector<16xf32>
        %get3A_569 = arith.index_cast %add3A_430 : i32 to index
        %get3A_570 = arith.index_cast %add3A_565 : i32 to index
        %get3A_571 = arith.constant 0 : index
        %get3A_572 = tpu.vector_load %arg8[%get3A_569, %get3A_570, %get3A_571] {strides = array<i32>} : memref<16x128x32xf32, #tpu.memory_space<vmem>>, vector<1x1x16xf32>,
        %get3A_573 = vector.shape_cast %get3A_572 : vector<1x1x16xf32> to vector<16xf32>
        %mul3A_574 = arith.mulf %broadcast_in_dim3A_568, %get3A_573 : vector<16xf32>
        %add3A_575 = arith.addf %add3A_554, %mul3A_574 : vector<16xf32>
        %get3A_576 = arith.index_cast %add3A_430 : i32 to index
        %get3A_577 = arith.index_cast %add3A_565 : i32 to index
        %get3A_578 = arith.constant 16 : index
        %get3A_579 = tpu.vector_load %arg8[%get3A_576, %get3A_577, %get3A_578] {strides = array<i32>} : memref<16x128x32xf32, #tpu.memory_space<vmem>>, vector<1x1x16xf32>,
        %get3A_580 = vector.shape_cast %get3A_579 : vector<1x1x16xf32> to vector<16xf32>
        %mul3A_581 = arith.mulf %broadcast_in_dim3A_568, %get3A_580 : vector<16xf32>
        %add3A_582 = arith.addf %add3A_561, %mul3A_581 : vector<16xf32>
        %mul3A_583 = arith.constant 16 : i32
        %mul3A_584 = arith.muli %sub3A_423, %mul3A_583 : i32
        %add3A_585 = arith.constant 7 : i32
        %add3A_586 = arith.addi %mul3A_584, %add3A_585 : i32
        %slice3A_587 = vector.extract_strided_slice %get3A_437 {offsets = [7], sizes = [1], strides = [1]} : vector<16xf32> to vector<1xf32>
        %squeeze3A_588 = vector.extract %slice3A_587[0] : f32 from vector<1xf32>
        %broadcast_in_dim3A_589 = vector.broadcast %squeeze3A_588 : f32 to vector<16xf32>
        %get3A_590 = arith.index_cast %add3A_430 : i32 to index
        %get3A_591 = arith.index_cast %add3A_586 : i32 to index
        %get3A_592 = arith.constant 0 : index
        %get3A_593 = tpu.vector_load %arg8[%get3A_590, %get3A_591, %get3A_592] {strides = array<i32>} : memref<16x128x32xf32, #tpu.memory_space<vmem>>, vector<1x1x16xf32>,
        %get3A_594 = vector.shape_cast %get3A_593 : vector<1x1x16xf32> to vector<16xf32>
        %mul3A_595 = arith.mulf %broadcast_in_dim3A_589, %get3A_594 : vector<16xf32>
        %add3A_596 = arith.addf %add3A_575, %mul3A_595 : vector<16xf32>
        %get3A_597 = arith.index_cast %add3A_430 : i32 to index
        %get3A_598 = arith.index_cast %add3A_586 : i32 to index
        %get3A_599 = arith.constant 16 : index
        %get3A_600 = tpu.vector_load %arg8[%get3A_597, %get3A_598, %get3A_599] {strides = array<i32>} : memref<16x128x32xf32, #tpu.memory_space<vmem>>, vector<1x1x16xf32>,
        %get3A_601 = vector.shape_cast %get3A_600 : vector<1x1x16xf32> to vector<16xf32>
        %mul3A_602 = arith.mulf %broadcast_in_dim3A_589, %get3A_601 : vector<16xf32>
        %add3A_603 = arith.addf %add3A_582, %mul3A_602 : vector<16xf32>
        %mul3A_604 = arith.constant 16 : i32
        %mul3A_605 = arith.muli %sub3A_423, %mul3A_604 : i32
        %add3A_606 = arith.constant 8 : i32
        %add3A_607 = arith.addi %mul3A_605, %add3A_606 : i32
        %slice3A_608 = vector.extract_strided_slice %get3A_437 {offsets = [8], sizes = [1], strides = [1]} : vector<16xf32> to vector<1xf32>
        %squeeze3A_609 = vector.extract %slice3A_608[0] : f32 from vector<1xf32>
        %broadcast_in_dim3A_610 = vector.broadcast %squeeze3A_609 : f32 to vector<16xf32>
        %get3A_611 = arith.index_cast %add3A_430 : i32 to index
        %get3A_612 = arith.index_cast %add3A_607 : i32 to index
        %get3A_613 = arith.constant 0 : index
        %get3A_614 = tpu.vector_load %arg8[%get3A_611, %get3A_612, %get3A_613] {strides = array<i32>} : memref<16x128x32xf32, #tpu.memory_space<vmem>>, vector<1x1x16xf32>,
        %get3A_615 = vector.shape_cast %get3A_614 : vector<1x1x16xf32> to vector<16xf32>
        %mul3A_616 = arith.mulf %broadcast_in_dim3A_610, %get3A_615 : vector<16xf32>
        %add3A_617 = arith.addf %add3A_596, %mul3A_616 : vector<16xf32>
        %get3A_618 = arith.index_cast %add3A_430 : i32 to index
        %get3A_619 = arith.index_cast %add3A_607 : i32 to index
        %get3A_620 = arith.constant 16 : index
        %get3A_621 = tpu.vector_load %arg8[%get3A_618, %get3A_619, %get3A_620] {strides = array<i32>} : memref<16x128x32xf32, #tpu.memory_space<vmem>>, vector<1x1x16xf32>,
        %get3A_622 = vector.shape_cast %get3A_621 : vector<1x1x16xf32> to vector<16xf32>
        %mul3A_623 = arith.mulf %broadcast_in_dim3A_610, %get3A_622 : vector<16xf32>
        %add3A_624 = arith.addf %add3A_603, %mul3A_623 : vector<16xf32>
        %mul3A_625 = arith.constant 16 : i32
        %mul3A_626 = arith.muli %sub3A_423, %mul3A_625 : i32
        %add3A_627 = arith.constant 9 : i32
        %add3A_628 = arith.addi %mul3A_626, %add3A_627 : i32
        %slice3A_629 = vector.extract_strided_slice %get3A_437 {offsets = [9], sizes = [1], strides = [1]} : vector<16xf32> to vector<1xf32>
        %squeeze3A_630 = vector.extract %slice3A_629[0] : f32 from vector<1xf32>
        %broadcast_in_dim3A_631 = vector.broadcast %squeeze3A_630 : f32 to vector<16xf32>
        %get3A_632 = arith.index_cast %add3A_430 : i32 to index
        %get3A_633 = arith.index_cast %add3A_628 : i32 to index
        %get3A_634 = arith.constant 0 : index
        %get3A_635 = tpu.vector_load %arg8[%get3A_632, %get3A_633, %get3A_634] {strides = array<i32>} : memref<16x128x32xf32, #tpu.memory_space<vmem>>, vector<1x1x16xf32>,
        %get3A_636 = vector.shape_cast %get3A_635 : vector<1x1x16xf32> to vector<16xf32>
        %mul3A_637 = arith.mulf %broadcast_in_dim3A_631, %get3A_636 : vector<16xf32>
        %add3A_638 = arith.addf %add3A_617, %mul3A_637 : vector<16xf32>
        %get3A_639 = arith.index_cast %add3A_430 : i32 to index
        %get3A_640 = arith.index_cast %add3A_628 : i32 to index
        %get3A_641 = arith.constant 16 : index
        %get3A_642 = tpu.vector_load %arg8[%get3A_639, %get3A_640, %get3A_641] {strides = array<i32>} : memref<16x128x32xf32, #tpu.memory_space<vmem>>, vector<1x1x16xf32>,
        %get3A_643 = vector.shape_cast %get3A_642 : vector<1x1x16xf32> to vector<16xf32>
        %mul3A_644 = arith.mulf %broadcast_in_dim3A_631, %get3A_643 : vector<16xf32>
        %add3A_645 = arith.addf %add3A_624, %mul3A_644 : vector<16xf32>
        %mul3A_646 = arith.constant 16 : i32
        %mul3A_647 = arith.muli %sub3A_423, %mul3A_646 : i32
        %add3A_648 = arith.constant 10 : i32
        %add3A_649 = arith.addi %mul3A_647, %add3A_648 : i32
        %slice3A_650 = vector.extract_strided_slice %get3A_437 {offsets = [10], sizes = [1], strides = [1]} : vector<16xf32> to vector<1xf32>
        %squeeze3A_651 = vector.extract %slice3A_650[0] : f32 from vector<1xf32>
        %broadcast_in_dim3A_652 = vector.broadcast %squeeze3A_651 : f32 to vector<16xf32>
        %get3A_653 = arith.index_cast %add3A_430 : i32 to index
        %get3A_654 = arith.index_cast %add3A_649 : i32 to index
        %get3A_655 = arith.constant 0 : index
        %get3A_656 = tpu.vector_load %arg8[%get3A_653, %get3A_654, %get3A_655] {strides = array<i32>} : memref<16x128x32xf32, #tpu.memory_space<vmem>>, vector<1x1x16xf32>,
        %get3A_657 = vector.shape_cast %get3A_656 : vector<1x1x16xf32> to vector<16xf32>
        %mul3A_658 = arith.mulf %broadcast_in_dim3A_652, %get3A_657 : vector<16xf32>
        %add3A_659 = arith.addf %add3A_638, %mul3A_658 : vector<16xf32>
        %get3A_660 = arith.index_cast %add3A_430 : i32 to index
        %get3A_661 = arith.index_cast %add3A_649 : i32 to index
        %get3A_662 = arith.constant 16 : index
        %get3A_663 = tpu.vector_load %arg8[%get3A_660, %get3A_661, %get3A_662] {strides = array<i32>} : memref<16x128x32xf32, #tpu.memory_space<vmem>>, vector<1x1x16xf32>,
        %get3A_664 = vector.shape_cast %get3A_663 : vector<1x1x16xf32> to vector<16xf32>
        %mul3A_665 = arith.mulf %broadcast_in_dim3A_652, %get3A_664 : vector<16xf32>
        %add3A_666 = arith.addf %add3A_645, %mul3A_665 : vector<16xf32>
        %mul3A_667 = arith.constant 16 : i32
        %mul3A_668 = arith.muli %sub3A_423, %mul3A_667 : i32
        %add3A_669 = arith.constant 11 : i32
        %add3A_670 = arith.addi %mul3A_668, %add3A_669 : i32
        %slice3A_671 = vector.extract_strided_slice %get3A_437 {offsets = [11], sizes = [1], strides = [1]} : vector<16xf32> to vector<1xf32>
        %squeeze3A_672 = vector.extract %slice3A_671[0] : f32 from vector<1xf32>
        %broadcast_in_dim3A_673 = vector.broadcast %squeeze3A_672 : f32 to vector<16xf32>
        %get3A_674 = arith.index_cast %add3A_430 : i32 to index
        %get3A_675 = arith.index_cast %add3A_670 : i32 to index
        %get3A_676 = arith.constant 0 : index
        %get3A_677 = tpu.vector_load %arg8[%get3A_674, %get3A_675, %get3A_676] {strides = array<i32>} : memref<16x128x32xf32, #tpu.memory_space<vmem>>, vector<1x1x16xf32>,
        %get3A_678 = vector.shape_cast %get3A_677 : vector<1x1x16xf32> to vector<16xf32>
        %mul3A_679 = arith.mulf %broadcast_in_dim3A_673, %get3A_678 : vector<16xf32>
        %add3A_680 = arith.addf %add3A_659, %mul3A_679 : vector<16xf32>
        %get3A_681 = arith.index_cast %add3A_430 : i32 to index
        %get3A_682 = arith.index_cast %add3A_670 : i32 to index
        %get3A_683 = arith.constant 16 : index
        %get3A_684 = tpu.vector_load %arg8[%get3A_681, %get3A_682, %get3A_683] {strides = array<i32>} : memref<16x128x32xf32, #tpu.memory_space<vmem>>, vector<1x1x16xf32>,
        %get3A_685 = vector.shape_cast %get3A_684 : vector<1x1x16xf32> to vector<16xf32>
        %mul3A_686 = arith.mulf %broadcast_in_dim3A_673, %get3A_685 : vector<16xf32>
        %add3A_687 = arith.addf %add3A_666, %mul3A_686 : vector<16xf32>
        %mul3A_688 = arith.constant 16 : i32
        %mul3A_689 = arith.muli %sub3A_423, %mul3A_688 : i32
        %add3A_690 = arith.constant 12 : i32
        %add3A_691 = arith.addi %mul3A_689, %add3A_690 : i32
        %slice3A_692 = vector.extract_strided_slice %get3A_437 {offsets = [12], sizes = [1], strides = [1]} : vector<16xf32> to vector<1xf32>
        %squeeze3A_693 = vector.extract %slice3A_692[0] : f32 from vector<1xf32>
        %broadcast_in_dim3A_694 = vector.broadcast %squeeze3A_693 : f32 to vector<16xf32>
        %get3A_695 = arith.index_cast %add3A_430 : i32 to index
        %get3A_696 = arith.index_cast %add3A_691 : i32 to index
        %get3A_697 = arith.constant 0 : index
        %get3A_698 = tpu.vector_load %arg8[%get3A_695, %get3A_696, %get3A_697] {strides = array<i32>} : memref<16x128x32xf32, #tpu.memory_space<vmem>>, vector<1x1x16xf32>,
        %get3A_699 = vector.shape_cast %get3A_698 : vector<1x1x16xf32> to vector<16xf32>
        %mul3A_700 = arith.mulf %broadcast_in_dim3A_694, %get3A_699 : vector<16xf32>
        %add3A_701 = arith.addf %add3A_680, %mul3A_700 : vector<16xf32>
        %get3A_702 = arith.index_cast %add3A_430 : i32 to index
        %get3A_703 = arith.index_cast %add3A_691 : i32 to index
        %get3A_704 = arith.constant 16 : index
        %get3A_705 = tpu.vector_load %arg8[%get3A_702, %get3A_703, %get3A_704] {strides = array<i32>} : memref<16x128x32xf32, #tpu.memory_space<vmem>>, vector<1x1x16xf32>,
        %get3A_706 = vector.shape_cast %get3A_705 : vector<1x1x16xf32> to vector<16xf32>
        %mul3A_707 = arith.mulf %broadcast_in_dim3A_694, %get3A_706 : vector<16xf32>
        %add3A_708 = arith.addf %add3A_687, %mul3A_707 : vector<16xf32>
        %mul3A_709 = arith.constant 16 : i32
        %mul3A_710 = arith.muli %sub3A_423, %mul3A_709 : i32
        %add3A_711 = arith.constant 13 : i32
        %add3A_712 = arith.addi %mul3A_710, %add3A_711 : i32
        %slice3A_713 = vector.extract_strided_slice %get3A_437 {offsets = [13], sizes = [1], strides = [1]} : vector<16xf32> to vector<1xf32>
        %squeeze3A_714 = vector.extract %slice3A_713[0] : f32 from vector<1xf32>
        %broadcast_in_dim3A_715 = vector.broadcast %squeeze3A_714 : f32 to vector<16xf32>
        %get3A_716 = arith.index_cast %add3A_430 : i32 to index
        %get3A_717 = arith.index_cast %add3A_712 : i32 to index
        %get3A_718 = arith.constant 0 : index
        %get3A_719 = tpu.vector_load %arg8[%get3A_716, %get3A_717, %get3A_718] {strides = array<i32>} : memref<16x128x32xf32, #tpu.memory_space<vmem>>, vector<1x1x16xf32>,
        %get3A_720 = vector.shape_cast %get3A_719 : vector<1x1x16xf32> to vector<16xf32>
        %mul3A_721 = arith.mulf %broadcast_in_dim3A_715, %get3A_720 : vector<16xf32>
        %add3A_722 = arith.addf %add3A_701, %mul3A_721 : vector<16xf32>
        %get3A_723 = arith.index_cast %add3A_430 : i32 to index
        %get3A_724 = arith.index_cast %add3A_712 : i32 to index
        %get3A_725 = arith.constant 16 : index
        %get3A_726 = tpu.vector_load %arg8[%get3A_723, %get3A_724, %get3A_725] {strides = array<i32>} : memref<16x128x32xf32, #tpu.memory_space<vmem>>, vector<1x1x16xf32>,
        %get3A_727 = vector.shape_cast %get3A_726 : vector<1x1x16xf32> to vector<16xf32>
        %mul3A_728 = arith.mulf %broadcast_in_dim3A_715, %get3A_727 : vector<16xf32>
        %add3A_729 = arith.addf %add3A_708, %mul3A_728 : vector<16xf32>
        %mul3A_730 = arith.constant 16 : i32
        %mul3A_731 = arith.muli %sub3A_423, %mul3A_730 : i32
        %add3A_732 = arith.constant 14 : i32
        %add3A_733 = arith.addi %mul3A_731, %add3A_732 : i32
        %slice3A_734 = vector.extract_strided_slice %get3A_437 {offsets = [14], sizes = [1], strides = [1]} : vector<16xf32> to vector<1xf32>
        %squeeze3A_735 = vector.extract %slice3A_734[0] : f32 from vector<1xf32>
        %broadcast_in_dim3A_736 = vector.broadcast %squeeze3A_735 : f32 to vector<16xf32>
        %get3A_737 = arith.index_cast %add3A_430 : i32 to index
        %get3A_738 = arith.index_cast %add3A_733 : i32 to index
        %get3A_739 = arith.constant 0 : index
        %get3A_740 = tpu.vector_load %arg8[%get3A_737, %get3A_738, %get3A_739] {strides = array<i32>} : memref<16x128x32xf32, #tpu.memory_space<vmem>>, vector<1x1x16xf32>,
        %get3A_741 = vector.shape_cast %get3A_740 : vector<1x1x16xf32> to vector<16xf32>
        %mul3A_742 = arith.mulf %broadcast_in_dim3A_736, %get3A_741 : vector<16xf32>
        %add3A_743 = arith.addf %add3A_722, %mul3A_742 : vector<16xf32>
        %get3A_744 = arith.index_cast %add3A_430 : i32 to index
        %get3A_745 = arith.index_cast %add3A_733 : i32 to index
        %get3A_746 = arith.constant 16 : index
        %get3A_747 = tpu.vector_load %arg8[%get3A_744, %get3A_745, %get3A_746] {strides = array<i32>} : memref<16x128x32xf32, #tpu.memory_space<vmem>>, vector<1x1x16xf32>,
        %get3A_748 = vector.shape_cast %get3A_747 : vector<1x1x16xf32> to vector<16xf32>
        %mul3A_749 = arith.mulf %broadcast_in_dim3A_736, %get3A_748 : vector<16xf32>
        %add3A_750 = arith.addf %add3A_729, %mul3A_749 : vector<16xf32>
        %mul3A_751 = arith.constant 16 : i32
        %mul3A_752 = arith.muli %sub3A_423, %mul3A_751 : i32
        %add3A_753 = arith.constant 15 : i32
        %add3A_754 = arith.addi %mul3A_752, %add3A_753 : i32
        %slice3A_755 = vector.extract_strided_slice %get3A_437 {offsets = [15], sizes = [1], strides = [1]} : vector<16xf32> to vector<1xf32>
        %squeeze3A_756 = vector.extract %slice3A_755[0] : f32 from vector<1xf32>
        %broadcast_in_dim3A_757 = vector.broadcast %squeeze3A_756 : f32 to vector<16xf32>
        %get3A_758 = arith.index_cast %add3A_430 : i32 to index
        %get3A_759 = arith.index_cast %add3A_754 : i32 to index
        %get3A_760 = arith.constant 0 : index
        %get3A_761 = tpu.vector_load %arg8[%get3A_758, %get3A_759, %get3A_760] {strides = array<i32>} : memref<16x128x32xf32, #tpu.memory_space<vmem>>, vector<1x1x16xf32>,
        %get3A_762 = vector.shape_cast %get3A_761 : vector<1x1x16xf32> to vector<16xf32>
        %mul3A_763 = arith.mulf %broadcast_in_dim3A_757, %get3A_762 : vector<16xf32>
        %add3A_764 = arith.addf %add3A_743, %mul3A_763 : vector<16xf32>
        %get3A_765 = arith.index_cast %add3A_430 : i32 to index
        %get3A_766 = arith.index_cast %add3A_754 : i32 to index
        %get3A_767 = arith.constant 16 : index
        %get3A_768 = tpu.vector_load %arg8[%get3A_765, %get3A_766, %get3A_767] {strides = array<i32>} : memref<16x128x32xf32, #tpu.memory_space<vmem>>, vector<1x1x16xf32>,
        %get3A_769 = vector.shape_cast %get3A_768 : vector<1x1x16xf32> to vector<16xf32>
        %mul3A_770 = arith.mulf %broadcast_in_dim3A_757, %get3A_769 : vector<16xf32>
        %add3A_771 = arith.addf %add3A_750, %mul3A_770 : vector<16xf32>
        %mul3A_772 = arith.constant 4 : i32
        %mul3A_773 = arith.muli %select_n3A, %mul3A_772 : i32
        %add3A_774 = arith.constant 1 : i32
        %add3A_775 = arith.addi %mul3A_773, %add3A_774 : i32
        %mul3A_776 = arith.constant 128 : i32
        %mul3A_777 = arith.muli %add3A_775, %mul3A_776 : i32
        %mul3A_778 = arith.constant 16 : i32
        %mul3A_779 = arith.muli %sub3A_423, %mul3A_778 : i32
        %add3A_780 = arith.addi %mul3A_777, %mul3A_779 : i32
        %get3A_781 = arith.index_cast %add3A_780 : i32 to index
        %get3A_782 = tpu.vector_load %arg7[%get3A_781] {strides = array<i32>} : memref<2048xf32, #tpu.memory_space<vmem>>, vector<16xf32>,
        %get3A_783 = vector.shape_cast %get3A_782 : vector<16xf32> to vector<16xf32>
        %mul3A_784 = arith.constant 16 : i32
        %mul3A_785 = arith.muli %sub3A_423, %mul3A_784 : i32
        %add3A_786 = arith.constant 0 : i32
        %add3A_787 = arith.addi %mul3A_785, %add3A_786 : i32
        %slice3A_788 = vector.extract_strided_slice %get3A_783 {offsets = [0], sizes = [1], strides = [1]} : vector<16xf32> to vector<1xf32>
        %squeeze3A_789 = vector.extract %slice3A_788[0] : f32 from vector<1xf32>
        %broadcast_in_dim3A_790 = vector.broadcast %squeeze3A_789 : f32 to vector<16xf32>
        %get3A_791 = arith.index_cast %add3A_775 : i32 to index
        %get3A_792 = arith.index_cast %add3A_787 : i32 to index
        %get3A_793 = arith.constant 0 : index
        %get3A_794 = tpu.vector_load %arg8[%get3A_791, %get3A_792, %get3A_793] {strides = array<i32>} : memref<16x128x32xf32, #tpu.memory_space<vmem>>, vector<1x1x16xf32>,
        %get3A_795 = vector.shape_cast %get3A_794 : vector<1x1x16xf32> to vector<16xf32>
        %mul3A_796 = arith.mulf %broadcast_in_dim3A_790, %get3A_795 : vector<16xf32>
        %add3A_797 = arith.addf %add3A_764, %mul3A_796 : vector<16xf32>
        %get3A_798 = arith.index_cast %add3A_775 : i32 to index
        %get3A_799 = arith.index_cast %add3A_787 : i32 to index
        %get3A_800 = arith.constant 16 : index
        %get3A_801 = tpu.vector_load %arg8[%get3A_798, %get3A_799, %get3A_800] {strides = array<i32>} : memref<16x128x32xf32, #tpu.memory_space<vmem>>, vector<1x1x16xf32>,
        %get3A_802 = vector.shape_cast %get3A_801 : vector<1x1x16xf32> to vector<16xf32>
        %mul3A_803 = arith.mulf %broadcast_in_dim3A_790, %get3A_802 : vector<16xf32>
        %add3A_804 = arith.addf %add3A_771, %mul3A_803 : vector<16xf32>
        %mul3A_805 = arith.constant 16 : i32
        %mul3A_806 = arith.muli %sub3A_423, %mul3A_805 : i32
        %add3A_807 = arith.constant 1 : i32
        %add3A_808 = arith.addi %mul3A_806, %add3A_807 : i32
        %slice3A_809 = vector.extract_strided_slice %get3A_783 {offsets = [1], sizes = [1], strides = [1]} : vector<16xf32> to vector<1xf32>
        %squeeze3A_810 = vector.extract %slice3A_809[0] : f32 from vector<1xf32>
        %broadcast_in_dim3A_811 = vector.broadcast %squeeze3A_810 : f32 to vector<16xf32>
        %get3A_812 = arith.index_cast %add3A_775 : i32 to index
        %get3A_813 = arith.index_cast %add3A_808 : i32 to index
        %get3A_814 = arith.constant 0 : index
        %get3A_815 = tpu.vector_load %arg8[%get3A_812, %get3A_813, %get3A_814] {strides = array<i32>} : memref<16x128x32xf32, #tpu.memory_space<vmem>>, vector<1x1x16xf32>,
        %get3A_816 = vector.shape_cast %get3A_815 : vector<1x1x16xf32> to vector<16xf32>
        %mul3A_817 = arith.mulf %broadcast_in_dim3A_811, %get3A_816 : vector<16xf32>
        %add3A_818 = arith.addf %add3A_797, %mul3A_817 : vector<16xf32>
        %get3A_819 = arith.index_cast %add3A_775 : i32 to index
        %get3A_820 = arith.index_cast %add3A_808 : i32 to index
        %get3A_821 = arith.constant 16 : index
        %get3A_822 = tpu.vector_load %arg8[%get3A_819, %get3A_820, %get3A_821] {strides = array<i32>} : memref<16x128x32xf32, #tpu.memory_space<vmem>>, vector<1x1x16xf32>,
        %get3A_823 = vector.shape_cast %get3A_822 : vector<1x1x16xf32> to vector<16xf32>
        %mul3A_824 = arith.mulf %broadcast_in_dim3A_811, %get3A_823 : vector<16xf32>
        %add3A_825 = arith.addf %add3A_804, %mul3A_824 : vector<16xf32>
        %mul3A_826 = arith.constant 16 : i32
        %mul3A_827 = arith.muli %sub3A_423, %mul3A_826 : i32
        %add3A_828 = arith.constant 2 : i32
        %add3A_829 = arith.addi %mul3A_827, %add3A_828 : i32
        %slice3A_830 = vector.extract_strided_slice %get3A_783 {offsets = [2], sizes = [1], strides = [1]} : vector<16xf32> to vector<1xf32>
        %squeeze3A_831 = vector.extract %slice3A_830[0] : f32 from vector<1xf32>
        %broadcast_in_dim3A_832 = vector.broadcast %squeeze3A_831 : f32 to vector<16xf32>
        %get3A_833 = arith.index_cast %add3A_775 : i32 to index
        %get3A_834 = arith.index_cast %add3A_829 : i32 to index
        %get3A_835 = arith.constant 0 : index
        %get3A_836 = tpu.vector_load %arg8[%get3A_833, %get3A_834, %get3A_835] {strides = array<i32>} : memref<16x128x32xf32, #tpu.memory_space<vmem>>, vector<1x1x16xf32>,
        %get3A_837 = vector.shape_cast %get3A_836 : vector<1x1x16xf32> to vector<16xf32>
        %mul3A_838 = arith.mulf %broadcast_in_dim3A_832, %get3A_837 : vector<16xf32>
        %add3A_839 = arith.addf %add3A_818, %mul3A_838 : vector<16xf32>
        %get3A_840 = arith.index_cast %add3A_775 : i32 to index
        %get3A_841 = arith.index_cast %add3A_829 : i32 to index
        %get3A_842 = arith.constant 16 : index
        %get3A_843 = tpu.vector_load %arg8[%get3A_840, %get3A_841, %get3A_842] {strides = array<i32>} : memref<16x128x32xf32, #tpu.memory_space<vmem>>, vector<1x1x16xf32>,
        %get3A_844 = vector.shape_cast %get3A_843 : vector<1x1x16xf32> to vector<16xf32>
        %mul3A_845 = arith.mulf %broadcast_in_dim3A_832, %get3A_844 : vector<16xf32>
        %add3A_846 = arith.addf %add3A_825, %mul3A_845 : vector<16xf32>
        %mul3A_847 = arith.constant 16 : i32
        %mul3A_848 = arith.muli %sub3A_423, %mul3A_847 : i32
        %add3A_849 = arith.constant 3 : i32
        %add3A_850 = arith.addi %mul3A_848, %add3A_849 : i32
        %slice3A_851 = vector.extract_strided_slice %get3A_783 {offsets = [3], sizes = [1], strides = [1]} : vector<16xf32> to vector<1xf32>
        %squeeze3A_852 = vector.extract %slice3A_851[0] : f32 from vector<1xf32>
        %broadcast_in_dim3A_853 = vector.broadcast %squeeze3A_852 : f32 to vector<16xf32>
        %get3A_854 = arith.index_cast %add3A_775 : i32 to index
        %get3A_855 = arith.index_cast %add3A_850 : i32 to index
        %get3A_856 = arith.constant 0 : index
        %get3A_857 = tpu.vector_load %arg8[%get3A_854, %get3A_855, %get3A_856] {strides = array<i32>} : memref<16x128x32xf32, #tpu.memory_space<vmem>>, vector<1x1x16xf32>,
        %get3A_858 = vector.shape_cast %get3A_857 : vector<1x1x16xf32> to vector<16xf32>
        %mul3A_859 = arith.mulf %broadcast_in_dim3A_853, %get3A_858 : vector<16xf32>
        %add3A_860 = arith.addf %add3A_839, %mul3A_859 : vector<16xf32>
        %get3A_861 = arith.index_cast %add3A_775 : i32 to index
        %get3A_862 = arith.index_cast %add3A_850 : i32 to index
        %get3A_863 = arith.constant 16 : index
        %get3A_864 = tpu.vector_load %arg8[%get3A_861, %get3A_862, %get3A_863] {strides = array<i32>} : memref<16x128x32xf32, #tpu.memory_space<vmem>>, vector<1x1x16xf32>,
        %get3A_865 = vector.shape_cast %get3A_864 : vector<1x1x16xf32> to vector<16xf32>
        %mul3A_866 = arith.mulf %broadcast_in_dim3A_853, %get3A_865 : vector<16xf32>
        %add3A_867 = arith.addf %add3A_846, %mul3A_866 : vector<16xf32>
        %mul3A_868 = arith.constant 16 : i32
        %mul3A_869 = arith.muli %sub3A_423, %mul3A_868 : i32
        %add3A_870 = arith.constant 4 : i32
        %add3A_871 = arith.addi %mul3A_869, %add3A_870 : i32
        %slice3A_872 = vector.extract_strided_slice %get3A_783 {offsets = [4], sizes = [1], strides = [1]} : vector<16xf32> to vector<1xf32>
        %squeeze3A_873 = vector.extract %slice3A_872[0] : f32 from vector<1xf32>
        %broadcast_in_dim3A_874 = vector.broadcast %squeeze3A_873 : f32 to vector<16xf32>
        %get3A_875 = arith.index_cast %add3A_775 : i32 to index
        %get3A_876 = arith.index_cast %add3A_871 : i32 to index
        %get3A_877 = arith.constant 0 : index
        %get3A_878 = tpu.vector_load %arg8[%get3A_875, %get3A_876, %get3A_877] {strides = array<i32>} : memref<16x128x32xf32, #tpu.memory_space<vmem>>, vector<1x1x16xf32>,
        %get3A_879 = vector.shape_cast %get3A_878 : vector<1x1x16xf32> to vector<16xf32>
        %mul3A_880 = arith.mulf %broadcast_in_dim3A_874, %get3A_879 : vector<16xf32>
        %add3A_881 = arith.addf %add3A_860, %mul3A_880 : vector<16xf32>
        %get3A_882 = arith.index_cast %add3A_775 : i32 to index
        %get3A_883 = arith.index_cast %add3A_871 : i32 to index
        %get3A_884 = arith.constant 16 : index
        %get3A_885 = tpu.vector_load %arg8[%get3A_882, %get3A_883, %get3A_884] {strides = array<i32>} : memref<16x128x32xf32, #tpu.memory_space<vmem>>, vector<1x1x16xf32>,
        %get3A_886 = vector.shape_cast %get3A_885 : vector<1x1x16xf32> to vector<16xf32>
        %mul3A_887 = arith.mulf %broadcast_in_dim3A_874, %get3A_886 : vector<16xf32>
        %add3A_888 = arith.addf %add3A_867, %mul3A_887 : vector<16xf32>
        %mul3A_889 = arith.constant 16 : i32
        %mul3A_890 = arith.muli %sub3A_423, %mul3A_889 : i32
        %add3A_891 = arith.constant 5 : i32
        %add3A_892 = arith.addi %mul3A_890, %add3A_891 : i32
        %slice3A_893 = vector.extract_strided_slice %get3A_783 {offsets = [5], sizes = [1], strides = [1]} : vector<16xf32> to vector<1xf32>
        %squeeze3A_894 = vector.extract %slice3A_893[0] : f32 from vector<1xf32>
        %broadcast_in_dim3A_895 = vector.broadcast %squeeze3A_894 : f32 to vector<16xf32>
        %get3A_896 = arith.index_cast %add3A_775 : i32 to index
        %get3A_897 = arith.index_cast %add3A_892 : i32 to index
        %get3A_898 = arith.constant 0 : index
        %get3A_899 = tpu.vector_load %arg8[%get3A_896, %get3A_897, %get3A_898] {strides = array<i32>} : memref<16x128x32xf32, #tpu.memory_space<vmem>>, vector<1x1x16xf32>,
        %get3A_900 = vector.shape_cast %get3A_899 : vector<1x1x16xf32> to vector<16xf32>
        %mul3A_901 = arith.mulf %broadcast_in_dim3A_895, %get3A_900 : vector<16xf32>
        %add3A_902 = arith.addf %add3A_881, %mul3A_901 : vector<16xf32>
        %get3A_903 = arith.index_cast %add3A_775 : i32 to index
        %get3A_904 = arith.index_cast %add3A_892 : i32 to index
        %get3A_905 = arith.constant 16 : index
        %get3A_906 = tpu.vector_load %arg8[%get3A_903, %get3A_904, %get3A_905] {strides = array<i32>} : memref<16x128x32xf32, #tpu.memory_space<vmem>>, vector<1x1x16xf32>,
        %get3A_907 = vector.shape_cast %get3A_906 : vector<1x1x16xf32> to vector<16xf32>
        %mul3A_908 = arith.mulf %broadcast_in_dim3A_895, %get3A_907 : vector<16xf32>
        %add3A_909 = arith.addf %add3A_888, %mul3A_908 : vector<16xf32>
        %mul3A_910 = arith.constant 16 : i32
        %mul3A_911 = arith.muli %sub3A_423, %mul3A_910 : i32
        %add3A_912 = arith.constant 6 : i32
        %add3A_913 = arith.addi %mul3A_911, %add3A_912 : i32
        %slice3A_914 = vector.extract_strided_slice %get3A_783 {offsets = [6], sizes = [1], strides = [1]} : vector<16xf32> to vector<1xf32>
        %squeeze3A_915 = vector.extract %slice3A_914[0] : f32 from vector<1xf32>
        %broadcast_in_dim3A_916 = vector.broadcast %squeeze3A_915 : f32 to vector<16xf32>
        %get3A_917 = arith.index_cast %add3A_775 : i32 to index
        %get3A_918 = arith.index_cast %add3A_913 : i32 to index
        %get3A_919 = arith.constant 0 : index
        %get3A_920 = tpu.vector_load %arg8[%get3A_917, %get3A_918, %get3A_919] {strides = array<i32>} : memref<16x128x32xf32, #tpu.memory_space<vmem>>, vector<1x1x16xf32>,
        %get3A_921 = vector.shape_cast %get3A_920 : vector<1x1x16xf32> to vector<16xf32>
        %mul3A_922 = arith.mulf %broadcast_in_dim3A_916, %get3A_921 : vector<16xf32>
        %add3A_923 = arith.addf %add3A_902, %mul3A_922 : vector<16xf32>
        %get3A_924 = arith.index_cast %add3A_775 : i32 to index
        %get3A_925 = arith.index_cast %add3A_913 : i32 to index
        %get3A_926 = arith.constant 16 : index
        %get3A_927 = tpu.vector_load %arg8[%get3A_924, %get3A_925, %get3A_926] {strides = array<i32>} : memref<16x128x32xf32, #tpu.memory_space<vmem>>, vector<1x1x16xf32>,
        %get3A_928 = vector.shape_cast %get3A_927 : vector<1x1x16xf32> to vector<16xf32>
        %mul3A_929 = arith.mulf %broadcast_in_dim3A_916, %get3A_928 : vector<16xf32>
        %add3A_930 = arith.addf %add3A_909, %mul3A_929 : vector<16xf32>
        %mul3A_931 = arith.constant 16 : i32
        %mul3A_932 = arith.muli %sub3A_423, %mul3A_931 : i32
        %add3A_933 = arith.constant 7 : i32
        %add3A_934 = arith.addi %mul3A_932, %add3A_933 : i32
        %slice3A_935 = vector.extract_strided_slice %get3A_783 {offsets = [7], sizes = [1], strides = [1]} : vector<16xf32> to vector<1xf32>
        %squeeze3A_936 = vector.extract %slice3A_935[0] : f32 from vector<1xf32>
        %broadcast_in_dim3A_937 = vector.broadcast %squeeze3A_936 : f32 to vector<16xf32>
        %get3A_938 = arith.index_cast %add3A_775 : i32 to index
        %get3A_939 = arith.index_cast %add3A_934 : i32 to index
        %get3A_940 = arith.constant 0 : index
        %get3A_941 = tpu.vector_load %arg8[%get3A_938, %get3A_939, %get3A_940] {strides = array<i32>} : memref<16x128x32xf32, #tpu.memory_space<vmem>>, vector<1x1x16xf32>,
        %get3A_942 = vector.shape_cast %get3A_941 : vector<1x1x16xf32> to vector<16xf32>
        %mul3A_943 = arith.mulf %broadcast_in_dim3A_937, %get3A_942 : vector<16xf32>
        %add3A_944 = arith.addf %add3A_923, %mul3A_943 : vector<16xf32>
        %get3A_945 = arith.index_cast %add3A_775 : i32 to index
        %get3A_946 = arith.index_cast %add3A_934 : i32 to index
        %get3A_947 = arith.constant 16 : index
        %get3A_948 = tpu.vector_load %arg8[%get3A_945, %get3A_946, %get3A_947] {strides = array<i32>} : memref<16x128x32xf32, #tpu.memory_space<vmem>>, vector<1x1x16xf32>,
        %get3A_949 = vector.shape_cast %get3A_948 : vector<1x1x16xf32> to vector<16xf32>
        %mul3A_950 = arith.mulf %broadcast_in_dim3A_937, %get3A_949 : vector<16xf32>
        %add3A_951 = arith.addf %add3A_930, %mul3A_950 : vector<16xf32>
        %mul3A_952 = arith.constant 16 : i32
        %mul3A_953 = arith.muli %sub3A_423, %mul3A_952 : i32
        %add3A_954 = arith.constant 8 : i32
        %add3A_955 = arith.addi %mul3A_953, %add3A_954 : i32
        %slice3A_956 = vector.extract_strided_slice %get3A_783 {offsets = [8], sizes = [1], strides = [1]} : vector<16xf32> to vector<1xf32>
        %squeeze3A_957 = vector.extract %slice3A_956[0] : f32 from vector<1xf32>
        %broadcast_in_dim3A_958 = vector.broadcast %squeeze3A_957 : f32 to vector<16xf32>
        %get3A_959 = arith.index_cast %add3A_775 : i32 to index
        %get3A_960 = arith.index_cast %add3A_955 : i32 to index
        %get3A_961 = arith.constant 0 : index
        %get3A_962 = tpu.vector_load %arg8[%get3A_959, %get3A_960, %get3A_961] {strides = array<i32>} : memref<16x128x32xf32, #tpu.memory_space<vmem>>, vector<1x1x16xf32>,
        %get3A_963 = vector.shape_cast %get3A_962 : vector<1x1x16xf32> to vector<16xf32>
        %mul3A_964 = arith.mulf %broadcast_in_dim3A_958, %get3A_963 : vector<16xf32>
        %add3A_965 = arith.addf %add3A_944, %mul3A_964 : vector<16xf32>
        %get3A_966 = arith.index_cast %add3A_775 : i32 to index
        %get3A_967 = arith.index_cast %add3A_955 : i32 to index
        %get3A_968 = arith.constant 16 : index
        %get3A_969 = tpu.vector_load %arg8[%get3A_966, %get3A_967, %get3A_968] {strides = array<i32>} : memref<16x128x32xf32, #tpu.memory_space<vmem>>, vector<1x1x16xf32>,
        %get3A_970 = vector.shape_cast %get3A_969 : vector<1x1x16xf32> to vector<16xf32>
        %mul3A_971 = arith.mulf %broadcast_in_dim3A_958, %get3A_970 : vector<16xf32>
        %add3A_972 = arith.addf %add3A_951, %mul3A_971 : vector<16xf32>
        %mul3A_973 = arith.constant 16 : i32
        %mul3A_974 = arith.muli %sub3A_423, %mul3A_973 : i32
        %add3A_975 = arith.constant 9 : i32
        %add3A_976 = arith.addi %mul3A_974, %add3A_975 : i32
        %slice3A_977 = vector.extract_strided_slice %get3A_783 {offsets = [9], sizes = [1], strides = [1]} : vector<16xf32> to vector<1xf32>
        %squeeze3A_978 = vector.extract %slice3A_977[0] : f32 from vector<1xf32>
        %broadcast_in_dim3A_979 = vector.broadcast %squeeze3A_978 : f32 to vector<16xf32>
        %get3A_980 = arith.index_cast %add3A_775 : i32 to index
        %get3A_981 = arith.index_cast %add3A_976 : i32 to index
        %get3A_982 = arith.constant 0 : index
        %get3A_983 = tpu.vector_load %arg8[%get3A_980, %get3A_981, %get3A_982] {strides = array<i32>} : memref<16x128x32xf32, #tpu.memory_space<vmem>>, vector<1x1x16xf32>,
        %get3A_984 = vector.shape_cast %get3A_983 : vector<1x1x16xf32> to vector<16xf32>
        %mul3A_985 = arith.mulf %broadcast_in_dim3A_979, %get3A_984 : vector<16xf32>
        %add3A_986 = arith.addf %add3A_965, %mul3A_985 : vector<16xf32>
        %get3A_987 = arith.index_cast %add3A_775 : i32 to index
        %get3A_988 = arith.index_cast %add3A_976 : i32 to index
        %get3A_989 = arith.constant 16 : index
        %get3A_990 = tpu.vector_load %arg8[%get3A_987, %get3A_988, %get3A_989] {strides = array<i32>} : memref<16x128x32xf32, #tpu.memory_space<vmem>>, vector<1x1x16xf32>,
        %get3A_991 = vector.shape_cast %get3A_990 : vector<1x1x16xf32> to vector<16xf32>
        %mul3A_992 = arith.mulf %broadcast_in_dim3A_979, %get3A_991 : vector<16xf32>
        %add3A_993 = arith.addf %add3A_972, %mul3A_992 : vector<16xf32>
        %mul3A_994 = arith.constant 16 : i32
        %mul3A_995 = arith.muli %sub3A_423, %mul3A_994 : i32
        %add3A_996 = arith.constant 10 : i32
        %add3A_997 = arith.addi %mul3A_995, %add3A_996 : i32
        %slice3A_998 = vector.extract_strided_slice %get3A_783 {offsets = [10], sizes = [1], strides = [1]} : vector<16xf32> to vector<1xf32>
        %squeeze3A_999 = vector.extract %slice3A_998[0] : f32 from vector<1xf32>
        %broadcast_in_dim3A_1000 = vector.broadcast %squeeze3A_999 : f32 to vector<16xf32>
        %get3A_1001 = arith.index_cast %add3A_775 : i32 to index
        %get3A_1002 = arith.index_cast %add3A_997 : i32 to index
        %get3A_1003 = arith.constant 0 : index
        %get3A_1004 = tpu.vector_load %arg8[%get3A_1001, %get3A_1002, %get3A_1003] {strides = array<i32>} : memref<16x128x32xf32, #tpu.memory_space<vmem>>, vector<1x1x16xf32>,
        %get3A_1005 = vector.shape_cast %get3A_1004 : vector<1x1x16xf32> to vector<16xf32>
        %mul3A_1006 = arith.mulf %broadcast_in_dim3A_1000, %get3A_1005 : vector<16xf32>
        %add3A_1007 = arith.addf %add3A_986, %mul3A_1006 : vector<16xf32>
        %get3A_1008 = arith.index_cast %add3A_775 : i32 to index
        %get3A_1009 = arith.index_cast %add3A_997 : i32 to index
        %get3A_1010 = arith.constant 16 : index
        %get3A_1011 = tpu.vector_load %arg8[%get3A_1008, %get3A_1009, %get3A_1010] {strides = array<i32>} : memref<16x128x32xf32, #tpu.memory_space<vmem>>, vector<1x1x16xf32>,
        %get3A_1012 = vector.shape_cast %get3A_1011 : vector<1x1x16xf32> to vector<16xf32>
        %mul3A_1013 = arith.mulf %broadcast_in_dim3A_1000, %get3A_1012 : vector<16xf32>
        %add3A_1014 = arith.addf %add3A_993, %mul3A_1013 : vector<16xf32>
        %mul3A_1015 = arith.constant 16 : i32
        %mul3A_1016 = arith.muli %sub3A_423, %mul3A_1015 : i32
        %add3A_1017 = arith.constant 11 : i32
        %add3A_1018 = arith.addi %mul3A_1016, %add3A_1017 : i32
        %slice3A_1019 = vector.extract_strided_slice %get3A_783 {offsets = [11], sizes = [1], strides = [1]} : vector<16xf32> to vector<1xf32>
        %squeeze3A_1020 = vector.extract %slice3A_1019[0] : f32 from vector<1xf32>
        %broadcast_in_dim3A_1021 = vector.broadcast %squeeze3A_1020 : f32 to vector<16xf32>
        %get3A_1022 = arith.index_cast %add3A_775 : i32 to index
        %get3A_1023 = arith.index_cast %add3A_1018 : i32 to index
        %get3A_1024 = arith.constant 0 : index
        %get3A_1025 = tpu.vector_load %arg8[%get3A_1022, %get3A_1023, %get3A_1024] {strides = array<i32>} : memref<16x128x32xf32, #tpu.memory_space<vmem>>, vector<1x1x16xf32>,
        %get3A_1026 = vector.shape_cast %get3A_1025 : vector<1x1x16xf32> to vector<16xf32>
        %mul3A_1027 = arith.mulf %broadcast_in_dim3A_1021, %get3A_1026 : vector<16xf32>
        %add3A_1028 = arith.addf %add3A_1007, %mul3A_1027 : vector<16xf32>
        %get3A_1029 = arith.index_cast %add3A_775 : i32 to index
        %get3A_1030 = arith.index_cast %add3A_1018 : i32 to index
        %get3A_1031 = arith.constant 16 : index
        %get3A_1032 = tpu.vector_load %arg8[%get3A_1029, %get3A_1030, %get3A_1031] {strides = array<i32>} : memref<16x128x32xf32, #tpu.memory_space<vmem>>, vector<1x1x16xf32>,
        %get3A_1033 = vector.shape_cast %get3A_1032 : vector<1x1x16xf32> to vector<16xf32>
        %mul3A_1034 = arith.mulf %broadcast_in_dim3A_1021, %get3A_1033 : vector<16xf32>
        %add3A_1035 = arith.addf %add3A_1014, %mul3A_1034 : vector<16xf32>
        %mul3A_1036 = arith.constant 16 : i32
        %mul3A_1037 = arith.muli %sub3A_423, %mul3A_1036 : i32
        %add3A_1038 = arith.constant 12 : i32
        %add3A_1039 = arith.addi %mul3A_1037, %add3A_1038 : i32
        %slice3A_1040 = vector.extract_strided_slice %get3A_783 {offsets = [12], sizes = [1], strides = [1]} : vector<16xf32> to vector<1xf32>
        %squeeze3A_1041 = vector.extract %slice3A_1040[0] : f32 from vector<1xf32>
        %broadcast_in_dim3A_1042 = vector.broadcast %squeeze3A_1041 : f32 to vector<16xf32>
        %get3A_1043 = arith.index_cast %add3A_775 : i32 to index
        %get3A_1044 = arith.index_cast %add3A_1039 : i32 to index
        %get3A_1045 = arith.constant 0 : index
        %get3A_1046 = tpu.vector_load %arg8[%get3A_1043, %get3A_1044, %get3A_1045] {strides = array<i32>} : memref<16x128x32xf32, #tpu.memory_space<vmem>>, vector<1x1x16xf32>,
        %get3A_1047 = vector.shape_cast %get3A_1046 : vector<1x1x16xf32> to vector<16xf32>
        %mul3A_1048 = arith.mulf %broadcast_in_dim3A_1042, %get3A_1047 : vector<16xf32>
        %add3A_1049 = arith.addf %add3A_1028, %mul3A_1048 : vector<16xf32>
        %get3A_1050 = arith.index_cast %add3A_775 : i32 to index
        %get3A_1051 = arith.index_cast %add3A_1039 : i32 to index
        %get3A_1052 = arith.constant 16 : index
        %get3A_1053 = tpu.vector_load %arg8[%get3A_1050, %get3A_1051, %get3A_1052] {strides = array<i32>} : memref<16x128x32xf32, #tpu.memory_space<vmem>>, vector<1x1x16xf32>,
        %get3A_1054 = vector.shape_cast %get3A_1053 : vector<1x1x16xf32> to vector<16xf32>
        %mul3A_1055 = arith.mulf %broadcast_in_dim3A_1042, %get3A_1054 : vector<16xf32>
        %add3A_1056 = arith.addf %add3A_1035, %mul3A_1055 : vector<16xf32>
        %mul3A_1057 = arith.constant 16 : i32
        %mul3A_1058 = arith.muli %sub3A_423, %mul3A_1057 : i32
        %add3A_1059 = arith.constant 13 : i32
        %add3A_1060 = arith.addi %mul3A_1058, %add3A_1059 : i32
        %slice3A_1061 = vector.extract_strided_slice %get3A_783 {offsets = [13], sizes = [1], strides = [1]} : vector<16xf32> to vector<1xf32>
        %squeeze3A_1062 = vector.extract %slice3A_1061[0] : f32 from vector<1xf32>
        %broadcast_in_dim3A_1063 = vector.broadcast %squeeze3A_1062 : f32 to vector<16xf32>
        %get3A_1064 = arith.index_cast %add3A_775 : i32 to index
        %get3A_1065 = arith.index_cast %add3A_1060 : i32 to index
        %get3A_1066 = arith.constant 0 : index
        %get3A_1067 = tpu.vector_load %arg8[%get3A_1064, %get3A_1065, %get3A_1066] {strides = array<i32>} : memref<16x128x32xf32, #tpu.memory_space<vmem>>, vector<1x1x16xf32>,
        %get3A_1068 = vector.shape_cast %get3A_1067 : vector<1x1x16xf32> to vector<16xf32>
        %mul3A_1069 = arith.mulf %broadcast_in_dim3A_1063, %get3A_1068 : vector<16xf32>
        %add3A_1070 = arith.addf %add3A_1049, %mul3A_1069 : vector<16xf32>
        %get3A_1071 = arith.index_cast %add3A_775 : i32 to index
        %get3A_1072 = arith.index_cast %add3A_1060 : i32 to index
        %get3A_1073 = arith.constant 16 : index
        %get3A_1074 = tpu.vector_load %arg8[%get3A_1071, %get3A_1072, %get3A_1073] {strides = array<i32>} : memref<16x128x32xf32, #tpu.memory_space<vmem>>, vector<1x1x16xf32>,
        %get3A_1075 = vector.shape_cast %get3A_1074 : vector<1x1x16xf32> to vector<16xf32>
        %mul3A_1076 = arith.mulf %broadcast_in_dim3A_1063, %get3A_1075 : vector<16xf32>
        %add3A_1077 = arith.addf %add3A_1056, %mul3A_1076 : vector<16xf32>
        %mul3A_1078 = arith.constant 16 : i32
        %mul3A_1079 = arith.muli %sub3A_423, %mul3A_1078 : i32
        %add3A_1080 = arith.constant 14 : i32
        %add3A_1081 = arith.addi %mul3A_1079, %add3A_1080 : i32
        %slice3A_1082 = vector.extract_strided_slice %get3A_783 {offsets = [14], sizes = [1], strides = [1]} : vector<16xf32> to vector<1xf32>
        %squeeze3A_1083 = vector.extract %slice3A_1082[0] : f32 from vector<1xf32>
        %broadcast_in_dim3A_1084 = vector.broadcast %squeeze3A_1083 : f32 to vector<16xf32>
        %get3A_1085 = arith.index_cast %add3A_775 : i32 to index
        %get3A_1086 = arith.index_cast %add3A_1081 : i32 to index
        %get3A_1087 = arith.constant 0 : index
        %get3A_1088 = tpu.vector_load %arg8[%get3A_1085, %get3A_1086, %get3A_1087] {strides = array<i32>} : memref<16x128x32xf32, #tpu.memory_space<vmem>>, vector<1x1x16xf32>,
        %get3A_1089 = vector.shape_cast %get3A_1088 : vector<1x1x16xf32> to vector<16xf32>
        %mul3A_1090 = arith.mulf %broadcast_in_dim3A_1084, %get3A_1089 : vector<16xf32>
        %add3A_1091 = arith.addf %add3A_1070, %mul3A_1090 : vector<16xf32>
        %get3A_1092 = arith.index_cast %add3A_775 : i32 to index
        %get3A_1093 = arith.index_cast %add3A_1081 : i32 to index
        %get3A_1094 = arith.constant 16 : index
        %get3A_1095 = tpu.vector_load %arg8[%get3A_1092, %get3A_1093, %get3A_1094] {strides = array<i32>} : memref<16x128x32xf32, #tpu.memory_space<vmem>>, vector<1x1x16xf32>,
        %get3A_1096 = vector.shape_cast %get3A_1095 : vector<1x1x16xf32> to vector<16xf32>
        %mul3A_1097 = arith.mulf %broadcast_in_dim3A_1084, %get3A_1096 : vector<16xf32>
        %add3A_1098 = arith.addf %add3A_1077, %mul3A_1097 : vector<16xf32>
        %mul3A_1099 = arith.constant 16 : i32
        %mul3A_1100 = arith.muli %sub3A_423, %mul3A_1099 : i32
        %add3A_1101 = arith.constant 15 : i32
        %add3A_1102 = arith.addi %mul3A_1100, %add3A_1101 : i32
        %slice3A_1103 = vector.extract_strided_slice %get3A_783 {offsets = [15], sizes = [1], strides = [1]} : vector<16xf32> to vector<1xf32>
        %squeeze3A_1104 = vector.extract %slice3A_1103[0] : f32 from vector<1xf32>
        %broadcast_in_dim3A_1105 = vector.broadcast %squeeze3A_1104 : f32 to vector<16xf32>
        %get3A_1106 = arith.index_cast %add3A_775 : i32 to index
        %get3A_1107 = arith.index_cast %add3A_1102 : i32 to index
        %get3A_1108 = arith.constant 0 : index
        %get3A_1109 = tpu.vector_load %arg8[%get3A_1106, %get3A_1107, %get3A_1108] {strides = array<i32>} : memref<16x128x32xf32, #tpu.memory_space<vmem>>, vector<1x1x16xf32>,
        %get3A_1110 = vector.shape_cast %get3A_1109 : vector<1x1x16xf32> to vector<16xf32>
        %mul3A_1111 = arith.mulf %broadcast_in_dim3A_1105, %get3A_1110 : vector<16xf32>
        %add3A_1112 = arith.addf %add3A_1091, %mul3A_1111 : vector<16xf32>
        %get3A_1113 = arith.index_cast %add3A_775 : i32 to index
        %get3A_1114 = arith.index_cast %add3A_1102 : i32 to index
        %get3A_1115 = arith.constant 16 : index
        %get3A_1116 = tpu.vector_load %arg8[%get3A_1113, %get3A_1114, %get3A_1115] {strides = array<i32>} : memref<16x128x32xf32, #tpu.memory_space<vmem>>, vector<1x1x16xf32>,
        %get3A_1117 = vector.shape_cast %get3A_1116 : vector<1x1x16xf32> to vector<16xf32>
        %mul3A_1118 = arith.mulf %broadcast_in_dim3A_1105, %get3A_1117 : vector<16xf32>
        %add3A_1119 = arith.addf %add3A_1098, %mul3A_1118 : vector<16xf32>
        %mul3A_1120 = arith.constant 4 : i32
        %mul3A_1121 = arith.muli %select_n3A, %mul3A_1120 : i32
        %add3A_1122 = arith.constant 2 : i32
        %add3A_1123 = arith.addi %mul3A_1121, %add3A_1122 : i32
        %mul3A_1124 = arith.constant 128 : i32
        %mul3A_1125 = arith.muli %add3A_1123, %mul3A_1124 : i32
        %mul3A_1126 = arith.constant 16 : i32
        %mul3A_1127 = arith.muli %sub3A_423, %mul3A_1126 : i32
        %add3A_1128 = arith.addi %mul3A_1125, %mul3A_1127 : i32
        %get3A_1129 = arith.index_cast %add3A_1128 : i32 to index
        %get3A_1130 = tpu.vector_load %arg7[%get3A_1129] {strides = array<i32>} : memref<2048xf32, #tpu.memory_space<vmem>>, vector<16xf32>,
        %get3A_1131 = vector.shape_cast %get3A_1130 : vector<16xf32> to vector<16xf32>
        %mul3A_1132 = arith.constant 16 : i32
        %mul3A_1133 = arith.muli %sub3A_423, %mul3A_1132 : i32
        %add3A_1134 = arith.constant 0 : i32
        %add3A_1135 = arith.addi %mul3A_1133, %add3A_1134 : i32
        %slice3A_1136 = vector.extract_strided_slice %get3A_1131 {offsets = [0], sizes = [1], strides = [1]} : vector<16xf32> to vector<1xf32>
        %squeeze3A_1137 = vector.extract %slice3A_1136[0] : f32 from vector<1xf32>
        %broadcast_in_dim3A_1138 = vector.broadcast %squeeze3A_1137 : f32 to vector<16xf32>
        %get3A_1139 = arith.index_cast %add3A_1123 : i32 to index
        %get3A_1140 = arith.index_cast %add3A_1135 : i32 to index
        %get3A_1141 = arith.constant 0 : index
        %get3A_1142 = tpu.vector_load %arg8[%get3A_1139, %get3A_1140, %get3A_1141] {strides = array<i32>} : memref<16x128x32xf32, #tpu.memory_space<vmem>>, vector<1x1x16xf32>,
        %get3A_1143 = vector.shape_cast %get3A_1142 : vector<1x1x16xf32> to vector<16xf32>
        %mul3A_1144 = arith.mulf %broadcast_in_dim3A_1138, %get3A_1143 : vector<16xf32>
        %add3A_1145 = arith.addf %add3A_1112, %mul3A_1144 : vector<16xf32>
        %get3A_1146 = arith.index_cast %add3A_1123 : i32 to index
        %get3A_1147 = arith.index_cast %add3A_1135 : i32 to index
        %get3A_1148 = arith.constant 16 : index
        %get3A_1149 = tpu.vector_load %arg8[%get3A_1146, %get3A_1147, %get3A_1148] {strides = array<i32>} : memref<16x128x32xf32, #tpu.memory_space<vmem>>, vector<1x1x16xf32>,
        %get3A_1150 = vector.shape_cast %get3A_1149 : vector<1x1x16xf32> to vector<16xf32>
        %mul3A_1151 = arith.mulf %broadcast_in_dim3A_1138, %get3A_1150 : vector<16xf32>
        %add3A_1152 = arith.addf %add3A_1119, %mul3A_1151 : vector<16xf32>
        %mul3A_1153 = arith.constant 16 : i32
        %mul3A_1154 = arith.muli %sub3A_423, %mul3A_1153 : i32
        %add3A_1155 = arith.constant 1 : i32
        %add3A_1156 = arith.addi %mul3A_1154, %add3A_1155 : i32
        %slice3A_1157 = vector.extract_strided_slice %get3A_1131 {offsets = [1], sizes = [1], strides = [1]} : vector<16xf32> to vector<1xf32>
        %squeeze3A_1158 = vector.extract %slice3A_1157[0] : f32 from vector<1xf32>
        %broadcast_in_dim3A_1159 = vector.broadcast %squeeze3A_1158 : f32 to vector<16xf32>
        %get3A_1160 = arith.index_cast %add3A_1123 : i32 to index
        %get3A_1161 = arith.index_cast %add3A_1156 : i32 to index
        %get3A_1162 = arith.constant 0 : index
        %get3A_1163 = tpu.vector_load %arg8[%get3A_1160, %get3A_1161, %get3A_1162] {strides = array<i32>} : memref<16x128x32xf32, #tpu.memory_space<vmem>>, vector<1x1x16xf32>,
        %get3A_1164 = vector.shape_cast %get3A_1163 : vector<1x1x16xf32> to vector<16xf32>
        %mul3A_1165 = arith.mulf %broadcast_in_dim3A_1159, %get3A_1164 : vector<16xf32>
        %add3A_1166 = arith.addf %add3A_1145, %mul3A_1165 : vector<16xf32>
        %get3A_1167 = arith.index_cast %add3A_1123 : i32 to index
        %get3A_1168 = arith.index_cast %add3A_1156 : i32 to index
        %get3A_1169 = arith.constant 16 : index
        %get3A_1170 = tpu.vector_load %arg8[%get3A_1167, %get3A_1168, %get3A_1169] {strides = array<i32>} : memref<16x128x32xf32, #tpu.memory_space<vmem>>, vector<1x1x16xf32>,
        %get3A_1171 = vector.shape_cast %get3A_1170 : vector<1x1x16xf32> to vector<16xf32>
        %mul3A_1172 = arith.mulf %broadcast_in_dim3A_1159, %get3A_1171 : vector<16xf32>
        %add3A_1173 = arith.addf %add3A_1152, %mul3A_1172 : vector<16xf32>
        %mul3A_1174 = arith.constant 16 : i32
        %mul3A_1175 = arith.muli %sub3A_423, %mul3A_1174 : i32
        %add3A_1176 = arith.constant 2 : i32
        %add3A_1177 = arith.addi %mul3A_1175, %add3A_1176 : i32
        %slice3A_1178 = vector.extract_strided_slice %get3A_1131 {offsets = [2], sizes = [1], strides = [1]} : vector<16xf32> to vector<1xf32>
        %squeeze3A_1179 = vector.extract %slice3A_1178[0] : f32 from vector<1xf32>
        %broadcast_in_dim3A_1180 = vector.broadcast %squeeze3A_1179 : f32 to vector<16xf32>
        %get3A_1181 = arith.index_cast %add3A_1123 : i32 to index
        %get3A_1182 = arith.index_cast %add3A_1177 : i32 to index
        %get3A_1183 = arith.constant 0 : index
        %get3A_1184 = tpu.vector_load %arg8[%get3A_1181, %get3A_1182, %get3A_1183] {strides = array<i32>} : memref<16x128x32xf32, #tpu.memory_space<vmem>>, vector<1x1x16xf32>,
        %get3A_1185 = vector.shape_cast %get3A_1184 : vector<1x1x16xf32> to vector<16xf32>
        %mul3A_1186 = arith.mulf %broadcast_in_dim3A_1180, %get3A_1185 : vector<16xf32>
        %add3A_1187 = arith.addf %add3A_1166, %mul3A_1186 : vector<16xf32>
        %get3A_1188 = arith.index_cast %add3A_1123 : i32 to index
        %get3A_1189 = arith.index_cast %add3A_1177 : i32 to index
        %get3A_1190 = arith.constant 16 : index
        %get3A_1191 = tpu.vector_load %arg8[%get3A_1188, %get3A_1189, %get3A_1190] {strides = array<i32>} : memref<16x128x32xf32, #tpu.memory_space<vmem>>, vector<1x1x16xf32>,
        %get3A_1192 = vector.shape_cast %get3A_1191 : vector<1x1x16xf32> to vector<16xf32>
        %mul3A_1193 = arith.mulf %broadcast_in_dim3A_1180, %get3A_1192 : vector<16xf32>
        %add3A_1194 = arith.addf %add3A_1173, %mul3A_1193 : vector<16xf32>
        %mul3A_1195 = arith.constant 16 : i32
        %mul3A_1196 = arith.muli %sub3A_423, %mul3A_1195 : i32
        %add3A_1197 = arith.constant 3 : i32
        %add3A_1198 = arith.addi %mul3A_1196, %add3A_1197 : i32
        %slice3A_1199 = vector.extract_strided_slice %get3A_1131 {offsets = [3], sizes = [1], strides = [1]} : vector<16xf32> to vector<1xf32>
        %squeeze3A_1200 = vector.extract %slice3A_1199[0] : f32 from vector<1xf32>
        %broadcast_in_dim3A_1201 = vector.broadcast %squeeze3A_1200 : f32 to vector<16xf32>
        %get3A_1202 = arith.index_cast %add3A_1123 : i32 to index
        %get3A_1203 = arith.index_cast %add3A_1198 : i32 to index
        %get3A_1204 = arith.constant 0 : index
        %get3A_1205 = tpu.vector_load %arg8[%get3A_1202, %get3A_1203, %get3A_1204] {strides = array<i32>} : memref<16x128x32xf32, #tpu.memory_space<vmem>>, vector<1x1x16xf32>,
        %get3A_1206 = vector.shape_cast %get3A_1205 : vector<1x1x16xf32> to vector<16xf32>
        %mul3A_1207 = arith.mulf %broadcast_in_dim3A_1201, %get3A_1206 : vector<16xf32>
        %add3A_1208 = arith.addf %add3A_1187, %mul3A_1207 : vector<16xf32>
        %get3A_1209 = arith.index_cast %add3A_1123 : i32 to index
        %get3A_1210 = arith.index_cast %add3A_1198 : i32 to index
        %get3A_1211 = arith.constant 16 : index
        %get3A_1212 = tpu.vector_load %arg8[%get3A_1209, %get3A_1210, %get3A_1211] {strides = array<i32>} : memref<16x128x32xf32, #tpu.memory_space<vmem>>, vector<1x1x16xf32>,
        %get3A_1213 = vector.shape_cast %get3A_1212 : vector<1x1x16xf32> to vector<16xf32>
        %mul3A_1214 = arith.mulf %broadcast_in_dim3A_1201, %get3A_1213 : vector<16xf32>
        %add3A_1215 = arith.addf %add3A_1194, %mul3A_1214 : vector<16xf32>
        %mul3A_1216 = arith.constant 16 : i32
        %mul3A_1217 = arith.muli %sub3A_423, %mul3A_1216 : i32
        %add3A_1218 = arith.constant 4 : i32
        %add3A_1219 = arith.addi %mul3A_1217, %add3A_1218 : i32
        %slice3A_1220 = vector.extract_strided_slice %get3A_1131 {offsets = [4], sizes = [1], strides = [1]} : vector<16xf32> to vector<1xf32>
        %squeeze3A_1221 = vector.extract %slice3A_1220[0] : f32 from vector<1xf32>
        %broadcast_in_dim3A_1222 = vector.broadcast %squeeze3A_1221 : f32 to vector<16xf32>
        %get3A_1223 = arith.index_cast %add3A_1123 : i32 to index
        %get3A_1224 = arith.index_cast %add3A_1219 : i32 to index
        %get3A_1225 = arith.constant 0 : index
        %get3A_1226 = tpu.vector_load %arg8[%get3A_1223, %get3A_1224, %get3A_1225] {strides = array<i32>} : memref<16x128x32xf32, #tpu.memory_space<vmem>>, vector<1x1x16xf32>,
        %get3A_1227 = vector.shape_cast %get3A_1226 : vector<1x1x16xf32> to vector<16xf32>
        %mul3A_1228 = arith.mulf %broadcast_in_dim3A_1222, %get3A_1227 : vector<16xf32>
        %add3A_1229 = arith.addf %add3A_1208, %mul3A_1228 : vector<16xf32>
        %get3A_1230 = arith.index_cast %add3A_1123 : i32 to index
        %get3A_1231 = arith.index_cast %add3A_1219 : i32 to index
        %get3A_1232 = arith.constant 16 : index
        %get3A_1233 = tpu.vector_load %arg8[%get3A_1230, %get3A_1231, %get3A_1232] {strides = array<i32>} : memref<16x128x32xf32, #tpu.memory_space<vmem>>, vector<1x1x16xf32>,
        %get3A_1234 = vector.shape_cast %get3A_1233 : vector<1x1x16xf32> to vector<16xf32>
        %mul3A_1235 = arith.mulf %broadcast_in_dim3A_1222, %get3A_1234 : vector<16xf32>
        %add3A_1236 = arith.addf %add3A_1215, %mul3A_1235 : vector<16xf32>
        %mul3A_1237 = arith.constant 16 : i32
        %mul3A_1238 = arith.muli %sub3A_423, %mul3A_1237 : i32
        %add3A_1239 = arith.constant 5 : i32
        %add3A_1240 = arith.addi %mul3A_1238, %add3A_1239 : i32
        %slice3A_1241 = vector.extract_strided_slice %get3A_1131 {offsets = [5], sizes = [1], strides = [1]} : vector<16xf32> to vector<1xf32>
        %squeeze3A_1242 = vector.extract %slice3A_1241[0] : f32 from vector<1xf32>
        %broadcast_in_dim3A_1243 = vector.broadcast %squeeze3A_1242 : f32 to vector<16xf32>
        %get3A_1244 = arith.index_cast %add3A_1123 : i32 to index
        %get3A_1245 = arith.index_cast %add3A_1240 : i32 to index
        %get3A_1246 = arith.constant 0 : index
        %get3A_1247 = tpu.vector_load %arg8[%get3A_1244, %get3A_1245, %get3A_1246] {strides = array<i32>} : memref<16x128x32xf32, #tpu.memory_space<vmem>>, vector<1x1x16xf32>,
        %get3A_1248 = vector.shape_cast %get3A_1247 : vector<1x1x16xf32> to vector<16xf32>
        %mul3A_1249 = arith.mulf %broadcast_in_dim3A_1243, %get3A_1248 : vector<16xf32>
        %add3A_1250 = arith.addf %add3A_1229, %mul3A_1249 : vector<16xf32>
        %get3A_1251 = arith.index_cast %add3A_1123 : i32 to index
        %get3A_1252 = arith.index_cast %add3A_1240 : i32 to index
        %get3A_1253 = arith.constant 16 : index
        %get3A_1254 = tpu.vector_load %arg8[%get3A_1251, %get3A_1252, %get3A_1253] {strides = array<i32>} : memref<16x128x32xf32, #tpu.memory_space<vmem>>, vector<1x1x16xf32>,
        %get3A_1255 = vector.shape_cast %get3A_1254 : vector<1x1x16xf32> to vector<16xf32>
        %mul3A_1256 = arith.mulf %broadcast_in_dim3A_1243, %get3A_1255 : vector<16xf32>
        %add3A_1257 = arith.addf %add3A_1236, %mul3A_1256 : vector<16xf32>
        %mul3A_1258 = arith.constant 16 : i32
        %mul3A_1259 = arith.muli %sub3A_423, %mul3A_1258 : i32
        %add3A_1260 = arith.constant 6 : i32
        %add3A_1261 = arith.addi %mul3A_1259, %add3A_1260 : i32
        %slice3A_1262 = vector.extract_strided_slice %get3A_1131 {offsets = [6], sizes = [1], strides = [1]} : vector<16xf32> to vector<1xf32>
        %squeeze3A_1263 = vector.extract %slice3A_1262[0] : f32 from vector<1xf32>
        %broadcast_in_dim3A_1264 = vector.broadcast %squeeze3A_1263 : f32 to vector<16xf32>
        %get3A_1265 = arith.index_cast %add3A_1123 : i32 to index
        %get3A_1266 = arith.index_cast %add3A_1261 : i32 to index
        %get3A_1267 = arith.constant 0 : index
        %get3A_1268 = tpu.vector_load %arg8[%get3A_1265, %get3A_1266, %get3A_1267] {strides = array<i32>} : memref<16x128x32xf32, #tpu.memory_space<vmem>>, vector<1x1x16xf32>,
        %get3A_1269 = vector.shape_cast %get3A_1268 : vector<1x1x16xf32> to vector<16xf32>
        %mul3A_1270 = arith.mulf %broadcast_in_dim3A_1264, %get3A_1269 : vector<16xf32>
        %add3A_1271 = arith.addf %add3A_1250, %mul3A_1270 : vector<16xf32>
        %get3A_1272 = arith.index_cast %add3A_1123 : i32 to index
        %get3A_1273 = arith.index_cast %add3A_1261 : i32 to index
        %get3A_1274 = arith.constant 16 : index
        %get3A_1275 = tpu.vector_load %arg8[%get3A_1272, %get3A_1273, %get3A_1274] {strides = array<i32>} : memref<16x128x32xf32, #tpu.memory_space<vmem>>, vector<1x1x16xf32>,
        %get3A_1276 = vector.shape_cast %get3A_1275 : vector<1x1x16xf32> to vector<16xf32>
        %mul3A_1277 = arith.mulf %broadcast_in_dim3A_1264, %get3A_1276 : vector<16xf32>
        %add3A_1278 = arith.addf %add3A_1257, %mul3A_1277 : vector<16xf32>
        %mul3A_1279 = arith.constant 16 : i32
        %mul3A_1280 = arith.muli %sub3A_423, %mul3A_1279 : i32
        %add3A_1281 = arith.constant 7 : i32
        %add3A_1282 = arith.addi %mul3A_1280, %add3A_1281 : i32
        %slice3A_1283 = vector.extract_strided_slice %get3A_1131 {offsets = [7], sizes = [1], strides = [1]} : vector<16xf32> to vector<1xf32>
        %squeeze3A_1284 = vector.extract %slice3A_1283[0] : f32 from vector<1xf32>
        %broadcast_in_dim3A_1285 = vector.broadcast %squeeze3A_1284 : f32 to vector<16xf32>
        %get3A_1286 = arith.index_cast %add3A_1123 : i32 to index
        %get3A_1287 = arith.index_cast %add3A_1282 : i32 to index
        %get3A_1288 = arith.constant 0 : index
        %get3A_1289 = tpu.vector_load %arg8[%get3A_1286, %get3A_1287, %get3A_1288] {strides = array<i32>} : memref<16x128x32xf32, #tpu.memory_space<vmem>>, vector<1x1x16xf32>,
        %get3A_1290 = vector.shape_cast %get3A_1289 : vector<1x1x16xf32> to vector<16xf32>
        %mul3A_1291 = arith.mulf %broadcast_in_dim3A_1285, %get3A_1290 : vector<16xf32>
        %add3A_1292 = arith.addf %add3A_1271, %mul3A_1291 : vector<16xf32>
        %get3A_1293 = arith.index_cast %add3A_1123 : i32 to index
        %get3A_1294 = arith.index_cast %add3A_1282 : i32 to index
        %get3A_1295 = arith.constant 16 : index
        %get3A_1296 = tpu.vector_load %arg8[%get3A_1293, %get3A_1294, %get3A_1295] {strides = array<i32>} : memref<16x128x32xf32, #tpu.memory_space<vmem>>, vector<1x1x16xf32>,
        %get3A_1297 = vector.shape_cast %get3A_1296 : vector<1x1x16xf32> to vector<16xf32>
        %mul3A_1298 = arith.mulf %broadcast_in_dim3A_1285, %get3A_1297 : vector<16xf32>
        %add3A_1299 = arith.addf %add3A_1278, %mul3A_1298 : vector<16xf32>
        %mul3A_1300 = arith.constant 16 : i32
        %mul3A_1301 = arith.muli %sub3A_423, %mul3A_1300 : i32
        %add3A_1302 = arith.constant 8 : i32
        %add3A_1303 = arith.addi %mul3A_1301, %add3A_1302 : i32
        %slice3A_1304 = vector.extract_strided_slice %get3A_1131 {offsets = [8], sizes = [1], strides = [1]} : vector<16xf32> to vector<1xf32>
        %squeeze3A_1305 = vector.extract %slice3A_1304[0] : f32 from vector<1xf32>
        %broadcast_in_dim3A_1306 = vector.broadcast %squeeze3A_1305 : f32 to vector<16xf32>
        %get3A_1307 = arith.index_cast %add3A_1123 : i32 to index
        %get3A_1308 = arith.index_cast %add3A_1303 : i32 to index
        %get3A_1309 = arith.constant 0 : index
        %get3A_1310 = tpu.vector_load %arg8[%get3A_1307, %get3A_1308, %get3A_1309] {strides = array<i32>} : memref<16x128x32xf32, #tpu.memory_space<vmem>>, vector<1x1x16xf32>,
        %get3A_1311 = vector.shape_cast %get3A_1310 : vector<1x1x16xf32> to vector<16xf32>
        %mul3A_1312 = arith.mulf %broadcast_in_dim3A_1306, %get3A_1311 : vector<16xf32>
        %add3A_1313 = arith.addf %add3A_1292, %mul3A_1312 : vector<16xf32>
        %get3A_1314 = arith.index_cast %add3A_1123 : i32 to index
        %get3A_1315 = arith.index_cast %add3A_1303 : i32 to index
        %get3A_1316 = arith.constant 16 : index
        %get3A_1317 = tpu.vector_load %arg8[%get3A_1314, %get3A_1315, %get3A_1316] {strides = array<i32>} : memref<16x128x32xf32, #tpu.memory_space<vmem>>, vector<1x1x16xf32>,
        %get3A_1318 = vector.shape_cast %get3A_1317 : vector<1x1x16xf32> to vector<16xf32>
        %mul3A_1319 = arith.mulf %broadcast_in_dim3A_1306, %get3A_1318 : vector<16xf32>
        %add3A_1320 = arith.addf %add3A_1299, %mul3A_1319 : vector<16xf32>
        %mul3A_1321 = arith.constant 16 : i32
        %mul3A_1322 = arith.muli %sub3A_423, %mul3A_1321 : i32
        %add3A_1323 = arith.constant 9 : i32
        %add3A_1324 = arith.addi %mul3A_1322, %add3A_1323 : i32
        %slice3A_1325 = vector.extract_strided_slice %get3A_1131 {offsets = [9], sizes = [1], strides = [1]} : vector<16xf32> to vector<1xf32>
        %squeeze3A_1326 = vector.extract %slice3A_1325[0] : f32 from vector<1xf32>
        %broadcast_in_dim3A_1327 = vector.broadcast %squeeze3A_1326 : f32 to vector<16xf32>
        %get3A_1328 = arith.index_cast %add3A_1123 : i32 to index
        %get3A_1329 = arith.index_cast %add3A_1324 : i32 to index
        %get3A_1330 = arith.constant 0 : index
        %get3A_1331 = tpu.vector_load %arg8[%get3A_1328, %get3A_1329, %get3A_1330] {strides = array<i32>} : memref<16x128x32xf32, #tpu.memory_space<vmem>>, vector<1x1x16xf32>,
        %get3A_1332 = vector.shape_cast %get3A_1331 : vector<1x1x16xf32> to vector<16xf32>
        %mul3A_1333 = arith.mulf %broadcast_in_dim3A_1327, %get3A_1332 : vector<16xf32>
        %add3A_1334 = arith.addf %add3A_1313, %mul3A_1333 : vector<16xf32>
        %get3A_1335 = arith.index_cast %add3A_1123 : i32 to index
        %get3A_1336 = arith.index_cast %add3A_1324 : i32 to index
        %get3A_1337 = arith.constant 16 : index
        %get3A_1338 = tpu.vector_load %arg8[%get3A_1335, %get3A_1336, %get3A_1337] {strides = array<i32>} : memref<16x128x32xf32, #tpu.memory_space<vmem>>, vector<1x1x16xf32>,
        %get3A_1339 = vector.shape_cast %get3A_1338 : vector<1x1x16xf32> to vector<16xf32>
        %mul3A_1340 = arith.mulf %broadcast_in_dim3A_1327, %get3A_1339 : vector<16xf32>
        %add3A_1341 = arith.addf %add3A_1320, %mul3A_1340 : vector<16xf32>
        %mul3A_1342 = arith.constant 16 : i32
        %mul3A_1343 = arith.muli %sub3A_423, %mul3A_1342 : i32
        %add3A_1344 = arith.constant 10 : i32
        %add3A_1345 = arith.addi %mul3A_1343, %add3A_1344 : i32
        %slice3A_1346 = vector.extract_strided_slice %get3A_1131 {offsets = [10], sizes = [1], strides = [1]} : vector<16xf32> to vector<1xf32>
        %squeeze3A_1347 = vector.extract %slice3A_1346[0] : f32 from vector<1xf32>
        %broadcast_in_dim3A_1348 = vector.broadcast %squeeze3A_1347 : f32 to vector<16xf32>
        %get3A_1349 = arith.index_cast %add3A_1123 : i32 to index
        %get3A_1350 = arith.index_cast %add3A_1345 : i32 to index
        %get3A_1351 = arith.constant 0 : index
        %get3A_1352 = tpu.vector_load %arg8[%get3A_1349, %get3A_1350, %get3A_1351] {strides = array<i32>} : memref<16x128x32xf32, #tpu.memory_space<vmem>>, vector<1x1x16xf32>,
        %get3A_1353 = vector.shape_cast %get3A_1352 : vector<1x1x16xf32> to vector<16xf32>
        %mul3A_1354 = arith.mulf %broadcast_in_dim3A_1348, %get3A_1353 : vector<16xf32>
        %add3A_1355 = arith.addf %add3A_1334, %mul3A_1354 : vector<16xf32>
        %get3A_1356 = arith.index_cast %add3A_1123 : i32 to index
        %get3A_1357 = arith.index_cast %add3A_1345 : i32 to index
        %get3A_1358 = arith.constant 16 : index
        %get3A_1359 = tpu.vector_load %arg8[%get3A_1356, %get3A_1357, %get3A_1358] {strides = array<i32>} : memref<16x128x32xf32, #tpu.memory_space<vmem>>, vector<1x1x16xf32>,
        %get3A_1360 = vector.shape_cast %get3A_1359 : vector<1x1x16xf32> to vector<16xf32>
        %mul3A_1361 = arith.mulf %broadcast_in_dim3A_1348, %get3A_1360 : vector<16xf32>
        %add3A_1362 = arith.addf %add3A_1341, %mul3A_1361 : vector<16xf32>
        %mul3A_1363 = arith.constant 16 : i32
        %mul3A_1364 = arith.muli %sub3A_423, %mul3A_1363 : i32
        %add3A_1365 = arith.constant 11 : i32
        %add3A_1366 = arith.addi %mul3A_1364, %add3A_1365 : i32
        %slice3A_1367 = vector.extract_strided_slice %get3A_1131 {offsets = [11], sizes = [1], strides = [1]} : vector<16xf32> to vector<1xf32>
        %squeeze3A_1368 = vector.extract %slice3A_1367[0] : f32 from vector<1xf32>
        %broadcast_in_dim3A_1369 = vector.broadcast %squeeze3A_1368 : f32 to vector<16xf32>
        %get3A_1370 = arith.index_cast %add3A_1123 : i32 to index
        %get3A_1371 = arith.index_cast %add3A_1366 : i32 to index
        %get3A_1372 = arith.constant 0 : index
        %get3A_1373 = tpu.vector_load %arg8[%get3A_1370, %get3A_1371, %get3A_1372] {strides = array<i32>} : memref<16x128x32xf32, #tpu.memory_space<vmem>>, vector<1x1x16xf32>,
        %get3A_1374 = vector.shape_cast %get3A_1373 : vector<1x1x16xf32> to vector<16xf32>
        %mul3A_1375 = arith.mulf %broadcast_in_dim3A_1369, %get3A_1374 : vector<16xf32>
        %add3A_1376 = arith.addf %add3A_1355, %mul3A_1375 : vector<16xf32>
        %get3A_1377 = arith.index_cast %add3A_1123 : i32 to index
        %get3A_1378 = arith.index_cast %add3A_1366 : i32 to index
        %get3A_1379 = arith.constant 16 : index
        %get3A_1380 = tpu.vector_load %arg8[%get3A_1377, %get3A_1378, %get3A_1379] {strides = array<i32>} : memref<16x128x32xf32, #tpu.memory_space<vmem>>, vector<1x1x16xf32>,
        %get3A_1381 = vector.shape_cast %get3A_1380 : vector<1x1x16xf32> to vector<16xf32>
        %mul3A_1382 = arith.mulf %broadcast_in_dim3A_1369, %get3A_1381 : vector<16xf32>
        %add3A_1383 = arith.addf %add3A_1362, %mul3A_1382 : vector<16xf32>
        %mul3A_1384 = arith.constant 16 : i32
        %mul3A_1385 = arith.muli %sub3A_423, %mul3A_1384 : i32
        %add3A_1386 = arith.constant 12 : i32
        %add3A_1387 = arith.addi %mul3A_1385, %add3A_1386 : i32
        %slice3A_1388 = vector.extract_strided_slice %get3A_1131 {offsets = [12], sizes = [1], strides = [1]} : vector<16xf32> to vector<1xf32>
        %squeeze3A_1389 = vector.extract %slice3A_1388[0] : f32 from vector<1xf32>
        %broadcast_in_dim3A_1390 = vector.broadcast %squeeze3A_1389 : f32 to vector<16xf32>
        %get3A_1391 = arith.index_cast %add3A_1123 : i32 to index
        %get3A_1392 = arith.index_cast %add3A_1387 : i32 to index
        %get3A_1393 = arith.constant 0 : index
        %get3A_1394 = tpu.vector_load %arg8[%get3A_1391, %get3A_1392, %get3A_1393] {strides = array<i32>} : memref<16x128x32xf32, #tpu.memory_space<vmem>>, vector<1x1x16xf32>,
        %get3A_1395 = vector.shape_cast %get3A_1394 : vector<1x1x16xf32> to vector<16xf32>
        %mul3A_1396 = arith.mulf %broadcast_in_dim3A_1390, %get3A_1395 : vector<16xf32>
        %add3A_1397 = arith.addf %add3A_1376, %mul3A_1396 : vector<16xf32>
        %get3A_1398 = arith.index_cast %add3A_1123 : i32 to index
        %get3A_1399 = arith.index_cast %add3A_1387 : i32 to index
        %get3A_1400 = arith.constant 16 : index
        %get3A_1401 = tpu.vector_load %arg8[%get3A_1398, %get3A_1399, %get3A_1400] {strides = array<i32>} : memref<16x128x32xf32, #tpu.memory_space<vmem>>, vector<1x1x16xf32>,
        %get3A_1402 = vector.shape_cast %get3A_1401 : vector<1x1x16xf32> to vector<16xf32>
        %mul3A_1403 = arith.mulf %broadcast_in_dim3A_1390, %get3A_1402 : vector<16xf32>
        %add3A_1404 = arith.addf %add3A_1383, %mul3A_1403 : vector<16xf32>
        %mul3A_1405 = arith.constant 16 : i32
        %mul3A_1406 = arith.muli %sub3A_423, %mul3A_1405 : i32
        %add3A_1407 = arith.constant 13 : i32
        %add3A_1408 = arith.addi %mul3A_1406, %add3A_1407 : i32
        %slice3A_1409 = vector.extract_strided_slice %get3A_1131 {offsets = [13], sizes = [1], strides = [1]} : vector<16xf32> to vector<1xf32>
        %squeeze3A_1410 = vector.extract %slice3A_1409[0] : f32 from vector<1xf32>
        %broadcast_in_dim3A_1411 = vector.broadcast %squeeze3A_1410 : f32 to vector<16xf32>
        %get3A_1412 = arith.index_cast %add3A_1123 : i32 to index
        %get3A_1413 = arith.index_cast %add3A_1408 : i32 to index
        %get3A_1414 = arith.constant 0 : index
        %get3A_1415 = tpu.vector_load %arg8[%get3A_1412, %get3A_1413, %get3A_1414] {strides = array<i32>} : memref<16x128x32xf32, #tpu.memory_space<vmem>>, vector<1x1x16xf32>,
        %get3A_1416 = vector.shape_cast %get3A_1415 : vector<1x1x16xf32> to vector<16xf32>
        %mul3A_1417 = arith.mulf %broadcast_in_dim3A_1411, %get3A_1416 : vector<16xf32>
        %add3A_1418 = arith.addf %add3A_1397, %mul3A_1417 : vector<16xf32>
        %get3A_1419 = arith.index_cast %add3A_1123 : i32 to index
        %get3A_1420 = arith.index_cast %add3A_1408 : i32 to index
        %get3A_1421 = arith.constant 16 : index
        %get3A_1422 = tpu.vector_load %arg8[%get3A_1419, %get3A_1420, %get3A_1421] {strides = array<i32>} : memref<16x128x32xf32, #tpu.memory_space<vmem>>, vector<1x1x16xf32>,
        %get3A_1423 = vector.shape_cast %get3A_1422 : vector<1x1x16xf32> to vector<16xf32>
        %mul3A_1424 = arith.mulf %broadcast_in_dim3A_1411, %get3A_1423 : vector<16xf32>
        %add3A_1425 = arith.addf %add3A_1404, %mul3A_1424 : vector<16xf32>
        %mul3A_1426 = arith.constant 16 : i32
        %mul3A_1427 = arith.muli %sub3A_423, %mul3A_1426 : i32
        %add3A_1428 = arith.constant 14 : i32
        %add3A_1429 = arith.addi %mul3A_1427, %add3A_1428 : i32
        %slice3A_1430 = vector.extract_strided_slice %get3A_1131 {offsets = [14], sizes = [1], strides = [1]} : vector<16xf32> to vector<1xf32>
        %squeeze3A_1431 = vector.extract %slice3A_1430[0] : f32 from vector<1xf32>
        %broadcast_in_dim3A_1432 = vector.broadcast %squeeze3A_1431 : f32 to vector<16xf32>
        %get3A_1433 = arith.index_cast %add3A_1123 : i32 to index
        %get3A_1434 = arith.index_cast %add3A_1429 : i32 to index
        %get3A_1435 = arith.constant 0 : index
        %get3A_1436 = tpu.vector_load %arg8[%get3A_1433, %get3A_1434, %get3A_1435] {strides = array<i32>} : memref<16x128x32xf32, #tpu.memory_space<vmem>>, vector<1x1x16xf32>,
        %get3A_1437 = vector.shape_cast %get3A_1436 : vector<1x1x16xf32> to vector<16xf32>
        %mul3A_1438 = arith.mulf %broadcast_in_dim3A_1432, %get3A_1437 : vector<16xf32>
        %add3A_1439 = arith.addf %add3A_1418, %mul3A_1438 : vector<16xf32>
        %get3A_1440 = arith.index_cast %add3A_1123 : i32 to index
        %get3A_1441 = arith.index_cast %add3A_1429 : i32 to index
        %get3A_1442 = arith.constant 16 : index
        %get3A_1443 = tpu.vector_load %arg8[%get3A_1440, %get3A_1441, %get3A_1442] {strides = array<i32>} : memref<16x128x32xf32, #tpu.memory_space<vmem>>, vector<1x1x16xf32>,
        %get3A_1444 = vector.shape_cast %get3A_1443 : vector<1x1x16xf32> to vector<16xf32>
        %mul3A_1445 = arith.mulf %broadcast_in_dim3A_1432, %get3A_1444 : vector<16xf32>
        %add3A_1446 = arith.addf %add3A_1425, %mul3A_1445 : vector<16xf32>
        %mul3A_1447 = arith.constant 16 : i32
        %mul3A_1448 = arith.muli %sub3A_423, %mul3A_1447 : i32
        %add3A_1449 = arith.constant 15 : i32
        %add3A_1450 = arith.addi %mul3A_1448, %add3A_1449 : i32
        %slice3A_1451 = vector.extract_strided_slice %get3A_1131 {offsets = [15], sizes = [1], strides = [1]} : vector<16xf32> to vector<1xf32>
        %squeeze3A_1452 = vector.extract %slice3A_1451[0] : f32 from vector<1xf32>
        %broadcast_in_dim3A_1453 = vector.broadcast %squeeze3A_1452 : f32 to vector<16xf32>
        %get3A_1454 = arith.index_cast %add3A_1123 : i32 to index
        %get3A_1455 = arith.index_cast %add3A_1450 : i32 to index
        %get3A_1456 = arith.constant 0 : index
        %get3A_1457 = tpu.vector_load %arg8[%get3A_1454, %get3A_1455, %get3A_1456] {strides = array<i32>} : memref<16x128x32xf32, #tpu.memory_space<vmem>>, vector<1x1x16xf32>,
        %get3A_1458 = vector.shape_cast %get3A_1457 : vector<1x1x16xf32> to vector<16xf32>
        %mul3A_1459 = arith.mulf %broadcast_in_dim3A_1453, %get3A_1458 : vector<16xf32>
        %add3A_1460 = arith.addf %add3A_1439, %mul3A_1459 : vector<16xf32>
        %get3A_1461 = arith.index_cast %add3A_1123 : i32 to index
        %get3A_1462 = arith.index_cast %add3A_1450 : i32 to index
        %get3A_1463 = arith.constant 16 : index
        %get3A_1464 = tpu.vector_load %arg8[%get3A_1461, %get3A_1462, %get3A_1463] {strides = array<i32>} : memref<16x128x32xf32, #tpu.memory_space<vmem>>, vector<1x1x16xf32>,
        %get3A_1465 = vector.shape_cast %get3A_1464 : vector<1x1x16xf32> to vector<16xf32>
        %mul3A_1466 = arith.mulf %broadcast_in_dim3A_1453, %get3A_1465 : vector<16xf32>
        %add3A_1467 = arith.addf %add3A_1446, %mul3A_1466 : vector<16xf32>
        %mul3A_1468 = arith.constant 4 : i32
        %mul3A_1469 = arith.muli %select_n3A, %mul3A_1468 : i32
        %add3A_1470 = arith.constant 3 : i32
        %add3A_1471 = arith.addi %mul3A_1469, %add3A_1470 : i32
        %mul3A_1472 = arith.constant 128 : i32
        %mul3A_1473 = arith.muli %add3A_1471, %mul3A_1472 : i32
        %mul3A_1474 = arith.constant 16 : i32
        %mul3A_1475 = arith.muli %sub3A_423, %mul3A_1474 : i32
        %add3A_1476 = arith.addi %mul3A_1473, %mul3A_1475 : i32
        %get3A_1477 = arith.index_cast %add3A_1476 : i32 to index
        %get3A_1478 = tpu.vector_load %arg7[%get3A_1477] {strides = array<i32>} : memref<2048xf32, #tpu.memory_space<vmem>>, vector<16xf32>,
        %get3A_1479 = vector.shape_cast %get3A_1478 : vector<16xf32> to vector<16xf32>
        %mul3A_1480 = arith.constant 16 : i32
        %mul3A_1481 = arith.muli %sub3A_423, %mul3A_1480 : i32
        %add3A_1482 = arith.constant 0 : i32
        %add3A_1483 = arith.addi %mul3A_1481, %add3A_1482 : i32
        %slice3A_1484 = vector.extract_strided_slice %get3A_1479 {offsets = [0], sizes = [1], strides = [1]} : vector<16xf32> to vector<1xf32>
        %squeeze3A_1485 = vector.extract %slice3A_1484[0] : f32 from vector<1xf32>
        %broadcast_in_dim3A_1486 = vector.broadcast %squeeze3A_1485 : f32 to vector<16xf32>
        %get3A_1487 = arith.index_cast %add3A_1471 : i32 to index
        %get3A_1488 = arith.index_cast %add3A_1483 : i32 to index
        %get3A_1489 = arith.constant 0 : index
        %get3A_1490 = tpu.vector_load %arg8[%get3A_1487, %get3A_1488, %get3A_1489] {strides = array<i32>} : memref<16x128x32xf32, #tpu.memory_space<vmem>>, vector<1x1x16xf32>,
        %get3A_1491 = vector.shape_cast %get3A_1490 : vector<1x1x16xf32> to vector<16xf32>
        %mul3A_1492 = arith.mulf %broadcast_in_dim3A_1486, %get3A_1491 : vector<16xf32>
        %add3A_1493 = arith.addf %add3A_1460, %mul3A_1492 : vector<16xf32>
        %get3A_1494 = arith.index_cast %add3A_1471 : i32 to index
        %get3A_1495 = arith.index_cast %add3A_1483 : i32 to index
        %get3A_1496 = arith.constant 16 : index
        %get3A_1497 = tpu.vector_load %arg8[%get3A_1494, %get3A_1495, %get3A_1496] {strides = array<i32>} : memref<16x128x32xf32, #tpu.memory_space<vmem>>, vector<1x1x16xf32>,
        %get3A_1498 = vector.shape_cast %get3A_1497 : vector<1x1x16xf32> to vector<16xf32>
        %mul3A_1499 = arith.mulf %broadcast_in_dim3A_1486, %get3A_1498 : vector<16xf32>
        %add3A_1500 = arith.addf %add3A_1467, %mul3A_1499 : vector<16xf32>
        %mul3A_1501 = arith.constant 16 : i32
        %mul3A_1502 = arith.muli %sub3A_423, %mul3A_1501 : i32
        %add3A_1503 = arith.constant 1 : i32
        %add3A_1504 = arith.addi %mul3A_1502, %add3A_1503 : i32
        %slice3A_1505 = vector.extract_strided_slice %get3A_1479 {offsets = [1], sizes = [1], strides = [1]} : vector<16xf32> to vector<1xf32>
        %squeeze3A_1506 = vector.extract %slice3A_1505[0] : f32 from vector<1xf32>
        %broadcast_in_dim3A_1507 = vector.broadcast %squeeze3A_1506 : f32 to vector<16xf32>
        %get3A_1508 = arith.index_cast %add3A_1471 : i32 to index
        %get3A_1509 = arith.index_cast %add3A_1504 : i32 to index
        %get3A_1510 = arith.constant 0 : index
        %get3A_1511 = tpu.vector_load %arg8[%get3A_1508, %get3A_1509, %get3A_1510] {strides = array<i32>} : memref<16x128x32xf32, #tpu.memory_space<vmem>>, vector<1x1x16xf32>,
        %get3A_1512 = vector.shape_cast %get3A_1511 : vector<1x1x16xf32> to vector<16xf32>
        %mul3A_1513 = arith.mulf %broadcast_in_dim3A_1507, %get3A_1512 : vector<16xf32>
        %add3A_1514 = arith.addf %add3A_1493, %mul3A_1513 : vector<16xf32>
        %get3A_1515 = arith.index_cast %add3A_1471 : i32 to index
        %get3A_1516 = arith.index_cast %add3A_1504 : i32 to index
        %get3A_1517 = arith.constant 16 : index
        %get3A_1518 = tpu.vector_load %arg8[%get3A_1515, %get3A_1516, %get3A_1517] {strides = array<i32>} : memref<16x128x32xf32, #tpu.memory_space<vmem>>, vector<1x1x16xf32>,
        %get3A_1519 = vector.shape_cast %get3A_1518 : vector<1x1x16xf32> to vector<16xf32>
        %mul3A_1520 = arith.mulf %broadcast_in_dim3A_1507, %get3A_1519 : vector<16xf32>
        %add3A_1521 = arith.addf %add3A_1500, %mul3A_1520 : vector<16xf32>
        %mul3A_1522 = arith.constant 16 : i32
        %mul3A_1523 = arith.muli %sub3A_423, %mul3A_1522 : i32
        %add3A_1524 = arith.constant 2 : i32
        %add3A_1525 = arith.addi %mul3A_1523, %add3A_1524 : i32
        %slice3A_1526 = vector.extract_strided_slice %get3A_1479 {offsets = [2], sizes = [1], strides = [1]} : vector<16xf32> to vector<1xf32>
        %squeeze3A_1527 = vector.extract %slice3A_1526[0] : f32 from vector<1xf32>
        %broadcast_in_dim3A_1528 = vector.broadcast %squeeze3A_1527 : f32 to vector<16xf32>
        %get3A_1529 = arith.index_cast %add3A_1471 : i32 to index
        %get3A_1530 = arith.index_cast %add3A_1525 : i32 to index
        %get3A_1531 = arith.constant 0 : index
        %get3A_1532 = tpu.vector_load %arg8[%get3A_1529, %get3A_1530, %get3A_1531] {strides = array<i32>} : memref<16x128x32xf32, #tpu.memory_space<vmem>>, vector<1x1x16xf32>,
        %get3A_1533 = vector.shape_cast %get3A_1532 : vector<1x1x16xf32> to vector<16xf32>
        %mul3A_1534 = arith.mulf %broadcast_in_dim3A_1528, %get3A_1533 : vector<16xf32>
        %add3A_1535 = arith.addf %add3A_1514, %mul3A_1534 : vector<16xf32>
        %get3A_1536 = arith.index_cast %add3A_1471 : i32 to index
        %get3A_1537 = arith.index_cast %add3A_1525 : i32 to index
        %get3A_1538 = arith.constant 16 : index
        %get3A_1539 = tpu.vector_load %arg8[%get3A_1536, %get3A_1537, %get3A_1538] {strides = array<i32>} : memref<16x128x32xf32, #tpu.memory_space<vmem>>, vector<1x1x16xf32>,
        %get3A_1540 = vector.shape_cast %get3A_1539 : vector<1x1x16xf32> to vector<16xf32>
        %mul3A_1541 = arith.mulf %broadcast_in_dim3A_1528, %get3A_1540 : vector<16xf32>
        %add3A_1542 = arith.addf %add3A_1521, %mul3A_1541 : vector<16xf32>
        %mul3A_1543 = arith.constant 16 : i32
        %mul3A_1544 = arith.muli %sub3A_423, %mul3A_1543 : i32
        %add3A_1545 = arith.constant 3 : i32
        %add3A_1546 = arith.addi %mul3A_1544, %add3A_1545 : i32
        %slice3A_1547 = vector.extract_strided_slice %get3A_1479 {offsets = [3], sizes = [1], strides = [1]} : vector<16xf32> to vector<1xf32>
        %squeeze3A_1548 = vector.extract %slice3A_1547[0] : f32 from vector<1xf32>
        %broadcast_in_dim3A_1549 = vector.broadcast %squeeze3A_1548 : f32 to vector<16xf32>
        %get3A_1550 = arith.index_cast %add3A_1471 : i32 to index
        %get3A_1551 = arith.index_cast %add3A_1546 : i32 to index
        %get3A_1552 = arith.constant 0 : index
        %get3A_1553 = tpu.vector_load %arg8[%get3A_1550, %get3A_1551, %get3A_1552] {strides = array<i32>} : memref<16x128x32xf32, #tpu.memory_space<vmem>>, vector<1x1x16xf32>,
        %get3A_1554 = vector.shape_cast %get3A_1553 : vector<1x1x16xf32> to vector<16xf32>
        %mul3A_1555 = arith.mulf %broadcast_in_dim3A_1549, %get3A_1554 : vector<16xf32>
        %add3A_1556 = arith.addf %add3A_1535, %mul3A_1555 : vector<16xf32>
        %get3A_1557 = arith.index_cast %add3A_1471 : i32 to index
        %get3A_1558 = arith.index_cast %add3A_1546 : i32 to index
        %get3A_1559 = arith.constant 16 : index
        %get3A_1560 = tpu.vector_load %arg8[%get3A_1557, %get3A_1558, %get3A_1559] {strides = array<i32>} : memref<16x128x32xf32, #tpu.memory_space<vmem>>, vector<1x1x16xf32>,
        %get3A_1561 = vector.shape_cast %get3A_1560 : vector<1x1x16xf32> to vector<16xf32>
        %mul3A_1562 = arith.mulf %broadcast_in_dim3A_1549, %get3A_1561 : vector<16xf32>
        %add3A_1563 = arith.addf %add3A_1542, %mul3A_1562 : vector<16xf32>
        %mul3A_1564 = arith.constant 16 : i32
        %mul3A_1565 = arith.muli %sub3A_423, %mul3A_1564 : i32
        %add3A_1566 = arith.constant 4 : i32
        %add3A_1567 = arith.addi %mul3A_1565, %add3A_1566 : i32
        %slice3A_1568 = vector.extract_strided_slice %get3A_1479 {offsets = [4], sizes = [1], strides = [1]} : vector<16xf32> to vector<1xf32>
        %squeeze3A_1569 = vector.extract %slice3A_1568[0] : f32 from vector<1xf32>
        %broadcast_in_dim3A_1570 = vector.broadcast %squeeze3A_1569 : f32 to vector<16xf32>
        %get3A_1571 = arith.index_cast %add3A_1471 : i32 to index
        %get3A_1572 = arith.index_cast %add3A_1567 : i32 to index
        %get3A_1573 = arith.constant 0 : index
        %get3A_1574 = tpu.vector_load %arg8[%get3A_1571, %get3A_1572, %get3A_1573] {strides = array<i32>} : memref<16x128x32xf32, #tpu.memory_space<vmem>>, vector<1x1x16xf32>,
        %get3A_1575 = vector.shape_cast %get3A_1574 : vector<1x1x16xf32> to vector<16xf32>
        %mul3A_1576 = arith.mulf %broadcast_in_dim3A_1570, %get3A_1575 : vector<16xf32>
        %add3A_1577 = arith.addf %add3A_1556, %mul3A_1576 : vector<16xf32>
        %get3A_1578 = arith.index_cast %add3A_1471 : i32 to index
        %get3A_1579 = arith.index_cast %add3A_1567 : i32 to index
        %get3A_1580 = arith.constant 16 : index
        %get3A_1581 = tpu.vector_load %arg8[%get3A_1578, %get3A_1579, %get3A_1580] {strides = array<i32>} : memref<16x128x32xf32, #tpu.memory_space<vmem>>, vector<1x1x16xf32>,
        %get3A_1582 = vector.shape_cast %get3A_1581 : vector<1x1x16xf32> to vector<16xf32>
        %mul3A_1583 = arith.mulf %broadcast_in_dim3A_1570, %get3A_1582 : vector<16xf32>
        %add3A_1584 = arith.addf %add3A_1563, %mul3A_1583 : vector<16xf32>
        %mul3A_1585 = arith.constant 16 : i32
        %mul3A_1586 = arith.muli %sub3A_423, %mul3A_1585 : i32
        %add3A_1587 = arith.constant 5 : i32
        %add3A_1588 = arith.addi %mul3A_1586, %add3A_1587 : i32
        %slice3A_1589 = vector.extract_strided_slice %get3A_1479 {offsets = [5], sizes = [1], strides = [1]} : vector<16xf32> to vector<1xf32>
        %squeeze3A_1590 = vector.extract %slice3A_1589[0] : f32 from vector<1xf32>
        %broadcast_in_dim3A_1591 = vector.broadcast %squeeze3A_1590 : f32 to vector<16xf32>
        %get3A_1592 = arith.index_cast %add3A_1471 : i32 to index
        %get3A_1593 = arith.index_cast %add3A_1588 : i32 to index
        %get3A_1594 = arith.constant 0 : index
        %get3A_1595 = tpu.vector_load %arg8[%get3A_1592, %get3A_1593, %get3A_1594] {strides = array<i32>} : memref<16x128x32xf32, #tpu.memory_space<vmem>>, vector<1x1x16xf32>,
        %get3A_1596 = vector.shape_cast %get3A_1595 : vector<1x1x16xf32> to vector<16xf32>
        %mul3A_1597 = arith.mulf %broadcast_in_dim3A_1591, %get3A_1596 : vector<16xf32>
        %add3A_1598 = arith.addf %add3A_1577, %mul3A_1597 : vector<16xf32>
        %get3A_1599 = arith.index_cast %add3A_1471 : i32 to index
        %get3A_1600 = arith.index_cast %add3A_1588 : i32 to index
        %get3A_1601 = arith.constant 16 : index
        %get3A_1602 = tpu.vector_load %arg8[%get3A_1599, %get3A_1600, %get3A_1601] {strides = array<i32>} : memref<16x128x32xf32, #tpu.memory_space<vmem>>, vector<1x1x16xf32>,
        %get3A_1603 = vector.shape_cast %get3A_1602 : vector<1x1x16xf32> to vector<16xf32>
        %mul3A_1604 = arith.mulf %broadcast_in_dim3A_1591, %get3A_1603 : vector<16xf32>
        %add3A_1605 = arith.addf %add3A_1584, %mul3A_1604 : vector<16xf32>
        %mul3A_1606 = arith.constant 16 : i32
        %mul3A_1607 = arith.muli %sub3A_423, %mul3A_1606 : i32
        %add3A_1608 = arith.constant 6 : i32
        %add3A_1609 = arith.addi %mul3A_1607, %add3A_1608 : i32
        %slice3A_1610 = vector.extract_strided_slice %get3A_1479 {offsets = [6], sizes = [1], strides = [1]} : vector<16xf32> to vector<1xf32>
        %squeeze3A_1611 = vector.extract %slice3A_1610[0] : f32 from vector<1xf32>
        %broadcast_in_dim3A_1612 = vector.broadcast %squeeze3A_1611 : f32 to vector<16xf32>
        %get3A_1613 = arith.index_cast %add3A_1471 : i32 to index
        %get3A_1614 = arith.index_cast %add3A_1609 : i32 to index
        %get3A_1615 = arith.constant 0 : index
        %get3A_1616 = tpu.vector_load %arg8[%get3A_1613, %get3A_1614, %get3A_1615] {strides = array<i32>} : memref<16x128x32xf32, #tpu.memory_space<vmem>>, vector<1x1x16xf32>,
        %get3A_1617 = vector.shape_cast %get3A_1616 : vector<1x1x16xf32> to vector<16xf32>
        %mul3A_1618 = arith.mulf %broadcast_in_dim3A_1612, %get3A_1617 : vector<16xf32>
        %add3A_1619 = arith.addf %add3A_1598, %mul3A_1618 : vector<16xf32>
        %get3A_1620 = arith.index_cast %add3A_1471 : i32 to index
        %get3A_1621 = arith.index_cast %add3A_1609 : i32 to index
        %get3A_1622 = arith.constant 16 : index
        %get3A_1623 = tpu.vector_load %arg8[%get3A_1620, %get3A_1621, %get3A_1622] {strides = array<i32>} : memref<16x128x32xf32, #tpu.memory_space<vmem>>, vector<1x1x16xf32>,
        %get3A_1624 = vector.shape_cast %get3A_1623 : vector<1x1x16xf32> to vector<16xf32>
        %mul3A_1625 = arith.mulf %broadcast_in_dim3A_1612, %get3A_1624 : vector<16xf32>
        %add3A_1626 = arith.addf %add3A_1605, %mul3A_1625 : vector<16xf32>
        %mul3A_1627 = arith.constant 16 : i32
        %mul3A_1628 = arith.muli %sub3A_423, %mul3A_1627 : i32
        %add3A_1629 = arith.constant 7 : i32
        %add3A_1630 = arith.addi %mul3A_1628, %add3A_1629 : i32
        %slice3A_1631 = vector.extract_strided_slice %get3A_1479 {offsets = [7], sizes = [1], strides = [1]} : vector<16xf32> to vector<1xf32>
        %squeeze3A_1632 = vector.extract %slice3A_1631[0] : f32 from vector<1xf32>
        %broadcast_in_dim3A_1633 = vector.broadcast %squeeze3A_1632 : f32 to vector<16xf32>
        %get3A_1634 = arith.index_cast %add3A_1471 : i32 to index
        %get3A_1635 = arith.index_cast %add3A_1630 : i32 to index
        %get3A_1636 = arith.constant 0 : index
        %get3A_1637 = tpu.vector_load %arg8[%get3A_1634, %get3A_1635, %get3A_1636] {strides = array<i32>} : memref<16x128x32xf32, #tpu.memory_space<vmem>>, vector<1x1x16xf32>,
        %get3A_1638 = vector.shape_cast %get3A_1637 : vector<1x1x16xf32> to vector<16xf32>
        %mul3A_1639 = arith.mulf %broadcast_in_dim3A_1633, %get3A_1638 : vector<16xf32>
        %add3A_1640 = arith.addf %add3A_1619, %mul3A_1639 : vector<16xf32>
        %get3A_1641 = arith.index_cast %add3A_1471 : i32 to index
        %get3A_1642 = arith.index_cast %add3A_1630 : i32 to index
        %get3A_1643 = arith.constant 16 : index
        %get3A_1644 = tpu.vector_load %arg8[%get3A_1641, %get3A_1642, %get3A_1643] {strides = array<i32>} : memref<16x128x32xf32, #tpu.memory_space<vmem>>, vector<1x1x16xf32>,
        %get3A_1645 = vector.shape_cast %get3A_1644 : vector<1x1x16xf32> to vector<16xf32>
        %mul3A_1646 = arith.mulf %broadcast_in_dim3A_1633, %get3A_1645 : vector<16xf32>
        %add3A_1647 = arith.addf %add3A_1626, %mul3A_1646 : vector<16xf32>
        %mul3A_1648 = arith.constant 16 : i32
        %mul3A_1649 = arith.muli %sub3A_423, %mul3A_1648 : i32
        %add3A_1650 = arith.constant 8 : i32
        %add3A_1651 = arith.addi %mul3A_1649, %add3A_1650 : i32
        %slice3A_1652 = vector.extract_strided_slice %get3A_1479 {offsets = [8], sizes = [1], strides = [1]} : vector<16xf32> to vector<1xf32>
        %squeeze3A_1653 = vector.extract %slice3A_1652[0] : f32 from vector<1xf32>
        %broadcast_in_dim3A_1654 = vector.broadcast %squeeze3A_1653 : f32 to vector<16xf32>
        %get3A_1655 = arith.index_cast %add3A_1471 : i32 to index
        %get3A_1656 = arith.index_cast %add3A_1651 : i32 to index
        %get3A_1657 = arith.constant 0 : index
        %get3A_1658 = tpu.vector_load %arg8[%get3A_1655, %get3A_1656, %get3A_1657] {strides = array<i32>} : memref<16x128x32xf32, #tpu.memory_space<vmem>>, vector<1x1x16xf32>,
        %get3A_1659 = vector.shape_cast %get3A_1658 : vector<1x1x16xf32> to vector<16xf32>
        %mul3A_1660 = arith.mulf %broadcast_in_dim3A_1654, %get3A_1659 : vector<16xf32>
        %add3A_1661 = arith.addf %add3A_1640, %mul3A_1660 : vector<16xf32>
        %get3A_1662 = arith.index_cast %add3A_1471 : i32 to index
        %get3A_1663 = arith.index_cast %add3A_1651 : i32 to index
        %get3A_1664 = arith.constant 16 : index
        %get3A_1665 = tpu.vector_load %arg8[%get3A_1662, %get3A_1663, %get3A_1664] {strides = array<i32>} : memref<16x128x32xf32, #tpu.memory_space<vmem>>, vector<1x1x16xf32>,
        %get3A_1666 = vector.shape_cast %get3A_1665 : vector<1x1x16xf32> to vector<16xf32>
        %mul3A_1667 = arith.mulf %broadcast_in_dim3A_1654, %get3A_1666 : vector<16xf32>
        %add3A_1668 = arith.addf %add3A_1647, %mul3A_1667 : vector<16xf32>
        %mul3A_1669 = arith.constant 16 : i32
        %mul3A_1670 = arith.muli %sub3A_423, %mul3A_1669 : i32
        %add3A_1671 = arith.constant 9 : i32
        %add3A_1672 = arith.addi %mul3A_1670, %add3A_1671 : i32
        %slice3A_1673 = vector.extract_strided_slice %get3A_1479 {offsets = [9], sizes = [1], strides = [1]} : vector<16xf32> to vector<1xf32>
        %squeeze3A_1674 = vector.extract %slice3A_1673[0] : f32 from vector<1xf32>
        %broadcast_in_dim3A_1675 = vector.broadcast %squeeze3A_1674 : f32 to vector<16xf32>
        %get3A_1676 = arith.index_cast %add3A_1471 : i32 to index
        %get3A_1677 = arith.index_cast %add3A_1672 : i32 to index
        %get3A_1678 = arith.constant 0 : index
        %get3A_1679 = tpu.vector_load %arg8[%get3A_1676, %get3A_1677, %get3A_1678] {strides = array<i32>} : memref<16x128x32xf32, #tpu.memory_space<vmem>>, vector<1x1x16xf32>,
        %get3A_1680 = vector.shape_cast %get3A_1679 : vector<1x1x16xf32> to vector<16xf32>
        %mul3A_1681 = arith.mulf %broadcast_in_dim3A_1675, %get3A_1680 : vector<16xf32>
        %add3A_1682 = arith.addf %add3A_1661, %mul3A_1681 : vector<16xf32>
        %get3A_1683 = arith.index_cast %add3A_1471 : i32 to index
        %get3A_1684 = arith.index_cast %add3A_1672 : i32 to index
        %get3A_1685 = arith.constant 16 : index
        %get3A_1686 = tpu.vector_load %arg8[%get3A_1683, %get3A_1684, %get3A_1685] {strides = array<i32>} : memref<16x128x32xf32, #tpu.memory_space<vmem>>, vector<1x1x16xf32>,
        %get3A_1687 = vector.shape_cast %get3A_1686 : vector<1x1x16xf32> to vector<16xf32>
        %mul3A_1688 = arith.mulf %broadcast_in_dim3A_1675, %get3A_1687 : vector<16xf32>
        %add3A_1689 = arith.addf %add3A_1668, %mul3A_1688 : vector<16xf32>
        %mul3A_1690 = arith.constant 16 : i32
        %mul3A_1691 = arith.muli %sub3A_423, %mul3A_1690 : i32
        %add3A_1692 = arith.constant 10 : i32
        %add3A_1693 = arith.addi %mul3A_1691, %add3A_1692 : i32
        %slice3A_1694 = vector.extract_strided_slice %get3A_1479 {offsets = [10], sizes = [1], strides = [1]} : vector<16xf32> to vector<1xf32>
        %squeeze3A_1695 = vector.extract %slice3A_1694[0] : f32 from vector<1xf32>
        %broadcast_in_dim3A_1696 = vector.broadcast %squeeze3A_1695 : f32 to vector<16xf32>
        %get3A_1697 = arith.index_cast %add3A_1471 : i32 to index
        %get3A_1698 = arith.index_cast %add3A_1693 : i32 to index
        %get3A_1699 = arith.constant 0 : index
        %get3A_1700 = tpu.vector_load %arg8[%get3A_1697, %get3A_1698, %get3A_1699] {strides = array<i32>} : memref<16x128x32xf32, #tpu.memory_space<vmem>>, vector<1x1x16xf32>,
        %get3A_1701 = vector.shape_cast %get3A_1700 : vector<1x1x16xf32> to vector<16xf32>
        %mul3A_1702 = arith.mulf %broadcast_in_dim3A_1696, %get3A_1701 : vector<16xf32>
        %add3A_1703 = arith.addf %add3A_1682, %mul3A_1702 : vector<16xf32>
        %get3A_1704 = arith.index_cast %add3A_1471 : i32 to index
        %get3A_1705 = arith.index_cast %add3A_1693 : i32 to index
        %get3A_1706 = arith.constant 16 : index
        %get3A_1707 = tpu.vector_load %arg8[%get3A_1704, %get3A_1705, %get3A_1706] {strides = array<i32>} : memref<16x128x32xf32, #tpu.memory_space<vmem>>, vector<1x1x16xf32>,
        %get3A_1708 = vector.shape_cast %get3A_1707 : vector<1x1x16xf32> to vector<16xf32>
        %mul3A_1709 = arith.mulf %broadcast_in_dim3A_1696, %get3A_1708 : vector<16xf32>
        %add3A_1710 = arith.addf %add3A_1689, %mul3A_1709 : vector<16xf32>
        %mul3A_1711 = arith.constant 16 : i32
        %mul3A_1712 = arith.muli %sub3A_423, %mul3A_1711 : i32
        %add3A_1713 = arith.constant 11 : i32
        %add3A_1714 = arith.addi %mul3A_1712, %add3A_1713 : i32
        %slice3A_1715 = vector.extract_strided_slice %get3A_1479 {offsets = [11], sizes = [1], strides = [1]} : vector<16xf32> to vector<1xf32>
        %squeeze3A_1716 = vector.extract %slice3A_1715[0] : f32 from vector<1xf32>
        %broadcast_in_dim3A_1717 = vector.broadcast %squeeze3A_1716 : f32 to vector<16xf32>
        %get3A_1718 = arith.index_cast %add3A_1471 : i32 to index
        %get3A_1719 = arith.index_cast %add3A_1714 : i32 to index
        %get3A_1720 = arith.constant 0 : index
        %get3A_1721 = tpu.vector_load %arg8[%get3A_1718, %get3A_1719, %get3A_1720] {strides = array<i32>} : memref<16x128x32xf32, #tpu.memory_space<vmem>>, vector<1x1x16xf32>,
        %get3A_1722 = vector.shape_cast %get3A_1721 : vector<1x1x16xf32> to vector<16xf32>
        %mul3A_1723 = arith.mulf %broadcast_in_dim3A_1717, %get3A_1722 : vector<16xf32>
        %add3A_1724 = arith.addf %add3A_1703, %mul3A_1723 : vector<16xf32>
        %get3A_1725 = arith.index_cast %add3A_1471 : i32 to index
        %get3A_1726 = arith.index_cast %add3A_1714 : i32 to index
        %get3A_1727 = arith.constant 16 : index
        %get3A_1728 = tpu.vector_load %arg8[%get3A_1725, %get3A_1726, %get3A_1727] {strides = array<i32>} : memref<16x128x32xf32, #tpu.memory_space<vmem>>, vector<1x1x16xf32>,
        %get3A_1729 = vector.shape_cast %get3A_1728 : vector<1x1x16xf32> to vector<16xf32>
        %mul3A_1730 = arith.mulf %broadcast_in_dim3A_1717, %get3A_1729 : vector<16xf32>
        %add3A_1731 = arith.addf %add3A_1710, %mul3A_1730 : vector<16xf32>
        %mul3A_1732 = arith.constant 16 : i32
        %mul3A_1733 = arith.muli %sub3A_423, %mul3A_1732 : i32
        %add3A_1734 = arith.constant 12 : i32
        %add3A_1735 = arith.addi %mul3A_1733, %add3A_1734 : i32
        %slice3A_1736 = vector.extract_strided_slice %get3A_1479 {offsets = [12], sizes = [1], strides = [1]} : vector<16xf32> to vector<1xf32>
        %squeeze3A_1737 = vector.extract %slice3A_1736[0] : f32 from vector<1xf32>
        %broadcast_in_dim3A_1738 = vector.broadcast %squeeze3A_1737 : f32 to vector<16xf32>
        %get3A_1739 = arith.index_cast %add3A_1471 : i32 to index
        %get3A_1740 = arith.index_cast %add3A_1735 : i32 to index
        %get3A_1741 = arith.constant 0 : index
        %get3A_1742 = tpu.vector_load %arg8[%get3A_1739, %get3A_1740, %get3A_1741] {strides = array<i32>} : memref<16x128x32xf32, #tpu.memory_space<vmem>>, vector<1x1x16xf32>,
        %get3A_1743 = vector.shape_cast %get3A_1742 : vector<1x1x16xf32> to vector<16xf32>
        %mul3A_1744 = arith.mulf %broadcast_in_dim3A_1738, %get3A_1743 : vector<16xf32>
        %add3A_1745 = arith.addf %add3A_1724, %mul3A_1744 : vector<16xf32>
        %get3A_1746 = arith.index_cast %add3A_1471 : i32 to index
        %get3A_1747 = arith.index_cast %add3A_1735 : i32 to index
        %get3A_1748 = arith.constant 16 : index
        %get3A_1749 = tpu.vector_load %arg8[%get3A_1746, %get3A_1747, %get3A_1748] {strides = array<i32>} : memref<16x128x32xf32, #tpu.memory_space<vmem>>, vector<1x1x16xf32>,
        %get3A_1750 = vector.shape_cast %get3A_1749 : vector<1x1x16xf32> to vector<16xf32>
        %mul3A_1751 = arith.mulf %broadcast_in_dim3A_1738, %get3A_1750 : vector<16xf32>
        %add3A_1752 = arith.addf %add3A_1731, %mul3A_1751 : vector<16xf32>
        %mul3A_1753 = arith.constant 16 : i32
        %mul3A_1754 = arith.muli %sub3A_423, %mul3A_1753 : i32
        %add3A_1755 = arith.constant 13 : i32
        %add3A_1756 = arith.addi %mul3A_1754, %add3A_1755 : i32
        %slice3A_1757 = vector.extract_strided_slice %get3A_1479 {offsets = [13], sizes = [1], strides = [1]} : vector<16xf32> to vector<1xf32>
        %squeeze3A_1758 = vector.extract %slice3A_1757[0] : f32 from vector<1xf32>
        %broadcast_in_dim3A_1759 = vector.broadcast %squeeze3A_1758 : f32 to vector<16xf32>
        %get3A_1760 = arith.index_cast %add3A_1471 : i32 to index
        %get3A_1761 = arith.index_cast %add3A_1756 : i32 to index
        %get3A_1762 = arith.constant 0 : index
        %get3A_1763 = tpu.vector_load %arg8[%get3A_1760, %get3A_1761, %get3A_1762] {strides = array<i32>} : memref<16x128x32xf32, #tpu.memory_space<vmem>>, vector<1x1x16xf32>,
        %get3A_1764 = vector.shape_cast %get3A_1763 : vector<1x1x16xf32> to vector<16xf32>
        %mul3A_1765 = arith.mulf %broadcast_in_dim3A_1759, %get3A_1764 : vector<16xf32>
        %add3A_1766 = arith.addf %add3A_1745, %mul3A_1765 : vector<16xf32>
        %get3A_1767 = arith.index_cast %add3A_1471 : i32 to index
        %get3A_1768 = arith.index_cast %add3A_1756 : i32 to index
        %get3A_1769 = arith.constant 16 : index
        %get3A_1770 = tpu.vector_load %arg8[%get3A_1767, %get3A_1768, %get3A_1769] {strides = array<i32>} : memref<16x128x32xf32, #tpu.memory_space<vmem>>, vector<1x1x16xf32>,
        %get3A_1771 = vector.shape_cast %get3A_1770 : vector<1x1x16xf32> to vector<16xf32>
        %mul3A_1772 = arith.mulf %broadcast_in_dim3A_1759, %get3A_1771 : vector<16xf32>
        %add3A_1773 = arith.addf %add3A_1752, %mul3A_1772 : vector<16xf32>
        %mul3A_1774 = arith.constant 16 : i32
        %mul3A_1775 = arith.muli %sub3A_423, %mul3A_1774 : i32
        %add3A_1776 = arith.constant 14 : i32
        %add3A_1777 = arith.addi %mul3A_1775, %add3A_1776 : i32
        %slice3A_1778 = vector.extract_strided_slice %get3A_1479 {offsets = [14], sizes = [1], strides = [1]} : vector<16xf32> to vector<1xf32>
        %squeeze3A_1779 = vector.extract %slice3A_1778[0] : f32 from vector<1xf32>
        %broadcast_in_dim3A_1780 = vector.broadcast %squeeze3A_1779 : f32 to vector<16xf32>
        %get3A_1781 = arith.index_cast %add3A_1471 : i32 to index
        %get3A_1782 = arith.index_cast %add3A_1777 : i32 to index
        %get3A_1783 = arith.constant 0 : index
        %get3A_1784 = tpu.vector_load %arg8[%get3A_1781, %get3A_1782, %get3A_1783] {strides = array<i32>} : memref<16x128x32xf32, #tpu.memory_space<vmem>>, vector<1x1x16xf32>,
        %get3A_1785 = vector.shape_cast %get3A_1784 : vector<1x1x16xf32> to vector<16xf32>
        %mul3A_1786 = arith.mulf %broadcast_in_dim3A_1780, %get3A_1785 : vector<16xf32>
        %add3A_1787 = arith.addf %add3A_1766, %mul3A_1786 : vector<16xf32>
        %get3A_1788 = arith.index_cast %add3A_1471 : i32 to index
        %get3A_1789 = arith.index_cast %add3A_1777 : i32 to index
        %get3A_1790 = arith.constant 16 : index
        %get3A_1791 = tpu.vector_load %arg8[%get3A_1788, %get3A_1789, %get3A_1790] {strides = array<i32>} : memref<16x128x32xf32, #tpu.memory_space<vmem>>, vector<1x1x16xf32>,
        %get3A_1792 = vector.shape_cast %get3A_1791 : vector<1x1x16xf32> to vector<16xf32>
        %mul3A_1793 = arith.mulf %broadcast_in_dim3A_1780, %get3A_1792 : vector<16xf32>
        %add3A_1794 = arith.addf %add3A_1773, %mul3A_1793 : vector<16xf32>
        %mul3A_1795 = arith.constant 16 : i32
        %mul3A_1796 = arith.muli %sub3A_423, %mul3A_1795 : i32
        %add3A_1797 = arith.constant 15 : i32
        %add3A_1798 = arith.addi %mul3A_1796, %add3A_1797 : i32
        %slice3A_1799 = vector.extract_strided_slice %get3A_1479 {offsets = [15], sizes = [1], strides = [1]} : vector<16xf32> to vector<1xf32>
        %squeeze3A_1800 = vector.extract %slice3A_1799[0] : f32 from vector<1xf32>
        %broadcast_in_dim3A_1801 = vector.broadcast %squeeze3A_1800 : f32 to vector<16xf32>
        %get3A_1802 = arith.index_cast %add3A_1471 : i32 to index
        %get3A_1803 = arith.index_cast %add3A_1798 : i32 to index
        %get3A_1804 = arith.constant 0 : index
        %get3A_1805 = tpu.vector_load %arg8[%get3A_1802, %get3A_1803, %get3A_1804] {strides = array<i32>} : memref<16x128x32xf32, #tpu.memory_space<vmem>>, vector<1x1x16xf32>,
        %get3A_1806 = vector.shape_cast %get3A_1805 : vector<1x1x16xf32> to vector<16xf32>
        %mul3A_1807 = arith.mulf %broadcast_in_dim3A_1801, %get3A_1806 : vector<16xf32>
        %add3A_1808 = arith.addf %add3A_1787, %mul3A_1807 : vector<16xf32>
        %get3A_1809 = arith.index_cast %add3A_1471 : i32 to index
        %get3A_1810 = arith.index_cast %add3A_1798 : i32 to index
        %get3A_1811 = arith.constant 16 : index
        %get3A_1812 = tpu.vector_load %arg8[%get3A_1809, %get3A_1810, %get3A_1811] {strides = array<i32>} : memref<16x128x32xf32, #tpu.memory_space<vmem>>, vector<1x1x16xf32>,
        %get3A_1813 = vector.shape_cast %get3A_1812 : vector<1x1x16xf32> to vector<16xf32>
        %mul3A_1814 = arith.mulf %broadcast_in_dim3A_1801, %get3A_1813 : vector<16xf32>
        %add3A_1815 = arith.addf %add3A_1794, %mul3A_1814 : vector<16xf32>
        %mul3A_1816 = arith.constant 32 : i32
        %mul3A_1817 = arith.muli %sub3A_423, %mul3A_1816 : i32
        %swap3A = arith.index_cast %select_n3A : i32 to index
        %swap3A_1818 = arith.index_cast %mul3A_1817 : i32 to index
        %swap3A_1819 = tpu.vector_load %arg9[%swap3A, %swap3A_1818] {strides = array<i32>} : memref<4x256xf32, #tpu.memory_space<vmem>>, vector<1x16xf32>,
        %swap3A_1820 = vector.shape_cast %swap3A_1819 : vector<1x16xf32> to vector<16xf32>
        %swap3A_1821 = vector.shape_cast %add3A_1808 : vector<16xf32> to vector<1x16xf32>
        tpu.vector_store %arg9[%swap3A, %swap3A_1818], %swap3A_1821 {strides = array<i32>} : memref<4x256xf32, #tpu.memory_space<vmem>>, vector<1x16xf32>,
        %mul3A_1822 = arith.constant 32 : i32
        %mul3A_1823 = arith.muli %sub3A_423, %mul3A_1822 : i32
        %add3A_1824 = arith.constant 16 : i32
        %add3A_1825 = arith.addi %mul3A_1823, %add3A_1824 : i32
        %swap3A_1826 = arith.index_cast %select_n3A : i32 to index
        %swap3A_1827 = arith.index_cast %add3A_1825 : i32 to index
        %swap3A_1828 = tpu.vector_load %arg9[%swap3A_1826, %swap3A_1827] {strides = array<i32>} : memref<4x256xf32, #tpu.memory_space<vmem>>, vector<1x16xf32>,
        %swap3A_1829 = vector.shape_cast %swap3A_1828 : vector<1x16xf32> to vector<16xf32>
        %swap3A_1830 = vector.shape_cast %add3A_1815 : vector<16xf32> to vector<1x16xf32>
        tpu.vector_store %arg9[%swap3A_1826, %swap3A_1827], %swap3A_1830 {strides = array<i32>} : memref<4x256xf32, #tpu.memory_space<vmem>>, vector<1x16xf32>,
      }
      %scan3A_403 = arith.constant 32 : i32
      "tpu.region"() ({
        %run_scoped3A = tpu.sem_alloc : memref<!tpu.dma_semaphore, #tpu.memory_space<semaphore_mem>>
        %dma_start3A_404 = arith.constant 0 : i32
        %dma_start3A_405 = tpu.memref_slice %arg5[%add3A_11, %dma_start3A_404] : memref<21760x256xf32, #tpu.memory_space<hbm>> -> memref<4x256xf32, #tpu.memory_space<hbm>>
        %dma_start3A_406 = arith.constant 0 : i32
        %dma_start3A_407 = tpu.memref_slice %arg5[%add3A_11, %dma_start3A_406] : memref<21760x256xf32, #tpu.memory_space<hbm>> -> memref<4x256xf32, #tpu.memory_space<hbm>>
        tpu.enqueue_dma source(%arg9 : memref<4x256xf32, #tpu.memory_space<vmem>>) target(%dma_start3A_407 : memref<4x256xf32, #tpu.memory_space<hbm>>) target_semaphore(%run_scoped3A : memref<!tpu.dma_semaphore, #tpu.memory_space<semaphore_mem>>)
        %dma_wait3A_408 = arith.constant 0 : i32
        %dma_wait3A_409 = tpu.memref_slice %arg5[%add3A_11, %dma_wait3A_408] : memref<21760x256xf32, #tpu.memory_space<hbm>> -> memref<4x256xf32, #tpu.memory_space<hbm>>
        %dma_wait3A_410 = arith.constant 0 : i32
        %dma_wait3A_411 = tpu.memref_slice %arg5[%add3A_11, %dma_wait3A_410] : memref<21760x256xf32, #tpu.memory_space<hbm>> -> memref<4x256xf32, #tpu.memory_space<hbm>>
        tpu.wait_dma2 semaphore(%run_scoped3A : memref<!tpu.dma_semaphore, #tpu.memory_space<semaphore_mem>>) src(%arg9 : memref<4x256xf32, #tpu.memory_space<vmem>>) dst(%dma_wait3A_411 : memref<4x256xf32, #tpu.memory_space<hbm>>)
        tpu.yield
      }) : () -> ()
    }
    %scan3A_7 = arith.constant 170 : i32
    return
  }
}

module attributes {stable_mosaic.version = 14 : i64} {
  func.func @_ab_body(%arg0: i32, %arg1: i32, %arg2: memref<1x680x256xf32, #tpu.memory_space<vmem>>, %arg3: memref<1x680x256xf32, #tpu.memory_space<vmem>>, %arg4: memref<1x680x128xf32, #tpu.memory_space<vmem>>, %arg5: memref<1x680x128xf32, #tpu.memory_space<vmem>>, %arg6: memref<256x256xf32, #tpu.memory_space<vmem>>, %arg7: memref<1x256xf32, #tpu.memory_space<vmem>>, %arg8: memref<256x128xf32, #tpu.memory_space<vmem>>, %arg9: memref<1x128xf32, #tpu.memory_space<vmem>>, %arg10: memref<256x128xf32, #tpu.memory_space<vmem>>, %arg11: memref<1x128xf32, #tpu.memory_space<vmem>>, %arg12: memref<256x128xf32, #tpu.memory_space<vmem>>, %arg13: memref<1x128xf32, #tpu.memory_space<vmem>>, %arg14: memref<4x128xf32, #tpu.memory_space<vmem>>, %arg15: memref<3x128xi32, #tpu.memory_space<vmem>>, %arg16: memref<128x8xf32, #tpu.memory_space<vmem>>, %arg17: memref<8x128xf32, #tpu.memory_space<vmem>>, %arg18: memref<1x680x256xf32, #tpu.memory_space<vmem>>, %arg19: memref<1x680x512xi32, #tpu.memory_space<vmem>>, %arg20: memref<1x680x512xf32, #tpu.memory_space<vmem>>) attributes {dimension_semantics = [#tpu.dimension_semantics<arbitrary>, #tpu.dimension_semantics<arbitrary>], iteration_bounds = array<i64: 4, 8>, scalar_prefetch = 0 : i64, scratch_operands = 0 : i64, tpu.core_type = #tpu.core_type<tc>, window_params = [{transform_indices = @transform_0, window_bounds = array<i64: 1, 680, 256>}, {transform_indices = @transform_1, window_bounds = array<i64: 1, 680, 256>}, {transform_indices = @transform_2, window_bounds = array<i64: 1, 680, 128>}, {transform_indices = @transform_3, window_bounds = array<i64: 1, 680, 128>}, {pipeline_mode = #tpu.pipeline_mode<synchronous>, transform_indices = @transform_4, window_bounds = array<i64: 256, 256>}, {pipeline_mode = #tpu.pipeline_mode<synchronous>, transform_indices = @transform_5, window_bounds = array<i64: 1, 256>}, {pipeline_mode = #tpu.pipeline_mode<synchronous>, transform_indices = @transform_6, window_bounds = array<i64: 256, 128>}, {pipeline_mode = #tpu.pipeline_mode<synchronous>, transform_indices = @transform_7, window_bounds = array<i64: 1, 128>}, {pipeline_mode = #tpu.pipeline_mode<synchronous>, transform_indices = @transform_8, window_bounds = array<i64: 256, 128>}, {pipeline_mode = #tpu.pipeline_mode<synchronous>, transform_indices = @transform_9, window_bounds = array<i64: 1, 128>}, {pipeline_mode = #tpu.pipeline_mode<synchronous>, transform_indices = @transform_10, window_bounds = array<i64: 256, 128>}, {pipeline_mode = #tpu.pipeline_mode<synchronous>, transform_indices = @transform_11, window_bounds = array<i64: 1, 128>}, {pipeline_mode = #tpu.pipeline_mode<synchronous>, transform_indices = @transform_12, window_bounds = array<i64: 4, 128>}, {pipeline_mode = #tpu.pipeline_mode<synchronous>, transform_indices = @transform_13, window_bounds = array<i64: 3, 128>}, {pipeline_mode = #tpu.pipeline_mode<synchronous>, transform_indices = @transform_14, window_bounds = array<i64: 128, 8>}, {pipeline_mode = #tpu.pipeline_mode<synchronous>, transform_indices = @transform_15, window_bounds = array<i64: 8, 128>}, {transform_indices = @transform_16, window_bounds = array<i64: 1, 680, 256>}, {transform_indices = @transform_17, window_bounds = array<i64: 1, 680, 512>}, {transform_indices = @transform_18, window_bounds = array<i64: 1, 680, 512>}]} {
    %get3A = arith.constant 0 : index
    %get3A_0 = arith.constant 0 : index
    %get3A_1 = arith.constant 0 : index
    %get3A_2 = vector.load %arg2[%get3A, %get3A_0, %get3A_1] : memref<1x680x256xf32, #tpu.memory_space<vmem>>, vector<1x680x256xf32>
    %get3A_3 = vector.shape_cast %get3A_2 : vector<1x680x256xf32> to vector<680x256xf32>
    %get3A_4 = arith.constant 0 : index
    %get3A_5 = arith.constant 0 : index
    %get3A_6 = arith.constant 0 : index
    %get3A_7 = vector.load %arg3[%get3A_4, %get3A_5, %get3A_6] : memref<1x680x256xf32, #tpu.memory_space<vmem>>, vector<1x680x256xf32>
    %get3A_8 = vector.shape_cast %get3A_7 : vector<1x680x256xf32> to vector<680x256xf32>
    %get3A_9 = arith.constant 0 : index
    %get3A_10 = arith.constant 0 : index
    %get3A_11 = vector.load %arg6[%get3A_9, %get3A_10] : memref<256x256xf32, #tpu.memory_space<vmem>>, vector<256x256xf32>
    %dot_general3A = arith.constant dense<0.000000e+00> : vector<680x256xf32>
    %dot_general3A_12 = tpu.matmul %get3A_8, %get3A_11, %dot_general3A {dimension_numbers = #tpu.dot_dimension_numbers<[1], [0], [0], [1], [0, 0, 1, 1], [], []>, transpose_lhs_hint = false} : vector<680x256xf32>, vector<256x256xf32>, vector<680x256xf32> -> vector<680x256xf32>
    %get3A_13 = arith.constant 0 : index
    %get3A_14 = arith.constant 0 : index
    %get3A_15 = vector.load %arg7[%get3A_13, %get3A_14] : memref<1x256xf32, #tpu.memory_space<vmem>>, vector<1x256xf32>
    %add3A = vector.broadcast %get3A_15 : vector<1x256xf32> to vector<680x256xf32>
    %add3A_16 = arith.addf %dot_general3A_12, %add3A : vector<680x256xf32>
    %swap3A = arith.constant 0 : index
    %swap3A_17 = arith.constant 0 : index
    %swap3A_18 = arith.constant 0 : index
    %swap3A_19 = vector.load %arg18[%swap3A, %swap3A_17, %swap3A_18] : memref<1x680x256xf32, #tpu.memory_space<vmem>>, vector<1x680x256xf32>
    %swap3A_20 = vector.shape_cast %swap3A_19 : vector<1x680x256xf32> to vector<680x256xf32>
    %swap3A_21 = vector.shape_cast %add3A_16 : vector<680x256xf32> to vector<1x680x256xf32>
    tpu.vector_store %arg18[%swap3A, %swap3A_17, %swap3A_18], %swap3A_21 {strides = array<i32>} : memref<1x680x256xf32, #tpu.memory_space<vmem>>, vector<1x680x256xf32>,
    %get3A_22 = arith.constant 0 : index
    %get3A_23 = arith.constant 0 : index
    %get3A_24 = vector.load %arg8[%get3A_22, %get3A_23] : memref<256x128xf32, #tpu.memory_space<vmem>>, vector<256x128xf32>
    %dot_general3A_25 = arith.constant dense<0.000000e+00> : vector<680x128xf32>
    %dot_general3A_26 = tpu.matmul %get3A_3, %get3A_24, %dot_general3A_25 {dimension_numbers = #tpu.dot_dimension_numbers<[1], [0], [0], [1], [0, 0, 1, 1], [], []>, transpose_lhs_hint = false} : vector<680x256xf32>, vector<256x128xf32>, vector<680x128xf32> -> vector<680x128xf32>
    %get3A_27 = arith.constant 0 : index
    %get3A_28 = arith.constant 0 : index
    %get3A_29 = vector.load %arg9[%get3A_27, %get3A_28] : memref<1x128xf32, #tpu.memory_space<vmem>>, vector<1x128xf32>
    %add3A_30 = vector.broadcast %get3A_29 : vector<1x128xf32> to vector<680x128xf32>
    %add3A_31 = arith.addf %dot_general3A_26, %add3A_30 : vector<680x128xf32>
    %get3A_32 = arith.constant 0 : index
    %get3A_33 = arith.constant 0 : index
    %get3A_34 = vector.load %arg10[%get3A_32, %get3A_33] : memref<256x128xf32, #tpu.memory_space<vmem>>, vector<256x128xf32>
    %dot_general3A_35 = arith.constant dense<0.000000e+00> : vector<680x128xf32>
    %dot_general3A_36 = tpu.matmul %get3A_3, %get3A_34, %dot_general3A_35 {dimension_numbers = #tpu.dot_dimension_numbers<[1], [0], [0], [1], [0, 0, 1, 1], [], []>, transpose_lhs_hint = false} : vector<680x256xf32>, vector<256x128xf32>, vector<680x128xf32> -> vector<680x128xf32>
    %get3A_37 = arith.constant 0 : index
    %get3A_38 = arith.constant 0 : index
    %get3A_39 = vector.load %arg11[%get3A_37, %get3A_38] : memref<1x128xf32, #tpu.memory_space<vmem>>, vector<1x128xf32>
    %add3A_40 = vector.broadcast %get3A_39 : vector<1x128xf32> to vector<680x128xf32>
    %add3A_41 = arith.addf %dot_general3A_36, %add3A_40 : vector<680x128xf32>
    %get3A_42 = arith.constant 0 : index
    %get3A_43 = arith.constant 0 : index
    %get3A_44 = vector.load %arg12[%get3A_42, %get3A_43] : memref<256x128xf32, #tpu.memory_space<vmem>>, vector<256x128xf32>
    %dot_general3A_45 = arith.constant dense<0.000000e+00> : vector<680x128xf32>
    %dot_general3A_46 = tpu.matmul %get3A_3, %get3A_44, %dot_general3A_45 {dimension_numbers = #tpu.dot_dimension_numbers<[1], [0], [0], [1], [0, 0, 1, 1], [], []>, transpose_lhs_hint = false} : vector<680x256xf32>, vector<256x128xf32>, vector<680x128xf32> -> vector<680x128xf32>
    %get3A_47 = arith.constant 0 : index
    %get3A_48 = arith.constant 0 : index
    %get3A_49 = vector.load %arg13[%get3A_47, %get3A_48] : memref<1x128xf32, #tpu.memory_space<vmem>>, vector<1x128xf32>
    %add3A_50 = vector.broadcast %get3A_49 : vector<1x128xf32> to vector<680x128xf32>
    %add3A_51 = arith.addf %dot_general3A_46, %add3A_50 : vector<680x128xf32>
    %reduce_max3A = arith.constant dense<0xFF800000> : vector<680xf32>
    %reduce_max3A_52 = vector.multi_reduction <maximumf>, %add3A_51, %reduce_max3A [1] : vector<680x128xf32> to vector<680xf32>
    %broadcast_in_dim3A = vector.shape_cast %reduce_max3A_52 : vector<680xf32> to vector<680x1xf32>
    %sub3A = vector.broadcast %broadcast_in_dim3A : vector<680x1xf32> to vector<680x128xf32>
    %sub3A_53 = arith.subf %add3A_51, %sub3A : vector<680x128xf32>
    %exp3A = math.exp %sub3A_53 : vector<680x128xf32>
    %reduce_sum3A = arith.constant dense<0.000000e+00> : vector<680xf32>
    %reduce_sum3A_54 = vector.multi_reduction <add>, %exp3A, %reduce_sum3A [1] : vector<680x128xf32> to vector<680xf32>
    %broadcast_in_dim3A_55 = vector.shape_cast %reduce_sum3A_54 : vector<680xf32> to vector<680x1xf32>
    %div3A = vector.broadcast %broadcast_in_dim3A_55 : vector<680x1xf32> to vector<680x128xf32>
    %div3A_56 = arith.divf %exp3A, %div3A : vector<680x128xf32>
    %exp3A_57 = math.exp %div3A_56 : vector<680x128xf32>
    %get3A_58 = arith.constant 0 : index
    %get3A_59 = arith.constant 0 : index
    %get3A_60 = vector.load %arg16[%get3A_58, %get3A_59] : memref<128x8xf32, #tpu.memory_space<vmem>>, vector<128x8xf32>
    %dot_general3A_61 = arith.constant dense<0.000000e+00> : vector<680x8xf32>
    %dot_general3A_62 = tpu.matmul %exp3A_57, %get3A_60, %dot_general3A_61 {dimension_numbers = #tpu.dot_dimension_numbers<[1], [0], [0], [1], [0, 0, 1, 1], [], []>, precision = #tpu.contract_precision<fp32>, transpose_lhs_hint = false} : vector<680x128xf32>, vector<128x8xf32>, vector<680x8xf32> -> vector<680x8xf32>
    %get3A_63 = arith.constant 0 : index
    %get3A_64 = arith.constant 0 : index
    %get3A_65 = vector.load %arg17[%get3A_63, %get3A_64] : memref<8x128xf32, #tpu.memory_space<vmem>>, vector<8x128xf32>
    %dot_general3A_66 = arith.constant dense<0.000000e+00> : vector<680x128xf32>
    %dot_general3A_67 = tpu.matmul %dot_general3A_62, %get3A_65, %dot_general3A_66 {dimension_numbers = #tpu.dot_dimension_numbers<[1], [0], [0], [1], [0, 0, 1, 1], [], []>, precision = #tpu.contract_precision<fp32>, transpose_lhs_hint = false} : vector<680x8xf32>, vector<8x128xf32>, vector<680x128xf32> -> vector<680x128xf32>
    %div3A_68 = arith.divf %exp3A_57, %dot_general3A_67 : vector<680x128xf32>
    %get3A_69 = arith.constant 2 : index
    %get3A_70 = arith.constant 0 : index
    %get3A_71 = vector.load %arg14[%get3A_69, %get3A_70] : memref<4x128xf32, #tpu.memory_space<vmem>>, vector<1x128xf32>
    %get3A_72 = arith.constant 3 : index
    %get3A_73 = arith.constant 0 : index
    %get3A_74 = vector.load %arg14[%get3A_72, %get3A_73] : memref<4x128xf32, #tpu.memory_space<vmem>>, vector<1x128xf32>
    %get3A_75 = arith.constant 0 : index
    %get3A_76 = arith.constant 0 : index
    %get3A_77 = arith.constant 0 : index
    %get3A_78 = vector.load %arg4[%get3A_75, %get3A_76, %get3A_77] : memref<1x680x128xf32, #tpu.memory_space<vmem>>, vector<1x680x128xf32>
    %get3A_79 = vector.shape_cast %get3A_78 : vector<1x680x128xf32> to vector<680x128xf32>
    %get3A_80 = arith.constant 0 : index
    %get3A_81 = arith.constant 0 : index
    %get3A_82 = vector.load %arg14[%get3A_80, %get3A_81] : memref<4x128xf32, #tpu.memory_space<vmem>>, vector<1x128xf32>
    %mul3A = vector.broadcast %get3A_82 : vector<1x128xf32> to vector<680x128xf32>
    %mul3A_83 = arith.mulf %add3A_31, %mul3A : vector<680x128xf32>
    %add3A_84 = arith.addf %get3A_79, %mul3A_83 : vector<680x128xf32>
    %get3A_85 = arith.constant 0 : index
    %get3A_86 = arith.constant 0 : index
    %get3A_87 = arith.constant 0 : index
    %get3A_88 = vector.load %arg5[%get3A_85, %get3A_86, %get3A_87] : memref<1x680x128xf32, #tpu.memory_space<vmem>>, vector<1x680x128xf32>
    %get3A_89 = vector.shape_cast %get3A_88 : vector<1x680x128xf32> to vector<680x128xf32>
    %get3A_90 = arith.constant 1 : index
    %get3A_91 = arith.constant 0 : index
    %get3A_92 = vector.load %arg14[%get3A_90, %get3A_91] : memref<4x128xf32, #tpu.memory_space<vmem>>, vector<1x128xf32>
    %mul3A_93 = vector.broadcast %get3A_92 : vector<1x128xf32> to vector<680x128xf32>
    %mul3A_94 = arith.mulf %add3A_41, %mul3A_93 : vector<680x128xf32>
    %add3A_95 = arith.addf %get3A_89, %mul3A_94 : vector<680x128xf32>
    %add3A_96 = arith.constant 1.000000e+00 : f32
    %add3A_97 = vector.broadcast %add3A_96 : f32 to vector<680x128xf32>
    %add3A_98 = arith.addf %add3A_84, %add3A_97 : vector<680x128xf32>
    %mul3A_99 = vector.broadcast %get3A_71 : vector<1x128xf32> to vector<680x128xf32>
    %mul3A_100 = arith.mulf %add3A_98, %mul3A_99 : vector<680x128xf32>
    %mul3A_101 = arith.constant 5.000000e-01 : f32
    %mul3A_102 = vector.broadcast %mul3A_101 : f32 to vector<680x128xf32>
    %mul3A_103 = arith.mulf %mul3A_102, %mul3A_100 : vector<680x128xf32>
    %add3A_104 = arith.constant 1.000000e+00 : f32
    %add3A_105 = vector.broadcast %add3A_104 : f32 to vector<680x128xf32>
    %add3A_106 = arith.addf %add3A_95, %add3A_105 : vector<680x128xf32>
    %mul3A_107 = vector.broadcast %get3A_74 : vector<1x128xf32> to vector<680x128xf32>
    %mul3A_108 = arith.mulf %add3A_106, %mul3A_107 : vector<680x128xf32>
    %mul3A_109 = arith.constant 5.000000e-01 : f32
    %mul3A_110 = vector.broadcast %mul3A_109 : f32 to vector<680x128xf32>
    %mul3A_111 = arith.mulf %mul3A_110, %mul3A_108 : vector<680x128xf32>
    %floor3A = math.floor %mul3A_103 : vector<680x128xf32>
    %floor3A_112 = math.floor %mul3A_111 : vector<680x128xf32>
    %sub3A_113 = arith.subf %mul3A_103, %floor3A : vector<680x128xf32>
    %sub3A_114 = arith.subf %mul3A_111, %floor3A_112 : vector<680x128xf32>
    %ge3A = arith.constant 0.000000e+00 : f32
    %ge3A_115 = vector.broadcast %ge3A : f32 to vector<680x128xf32>
    %ge3A_116 = arith.cmpf oge, %floor3A, %ge3A_115 : vector<680x128xf32>
    %le3A = vector.broadcast %get3A_71 : vector<1x128xf32> to vector<680x128xf32>
    %le3A_117 = arith.cmpf ole, %floor3A, %le3A : vector<680x128xf32>
    %and3A = arith.andi %ge3A_116, %le3A_117 : vector<680x128xi1>
    %ge3A_118 = arith.constant 0.000000e+00 : f32
    %ge3A_119 = vector.broadcast %ge3A_118 : f32 to vector<680x128xf32>
    %ge3A_120 = arith.cmpf oge, %floor3A_112, %ge3A_119 : vector<680x128xf32>
    %and3A_121 = arith.andi %and3A, %ge3A_120 : vector<680x128xi1>
    %le3A_122 = vector.broadcast %get3A_74 : vector<1x128xf32> to vector<680x128xf32>
    %le3A_123 = arith.cmpf ole, %floor3A_112, %le3A_122 : vector<680x128xf32>
    %and3A_124 = arith.andi %and3A_121, %le3A_123 : vector<680x128xi1>
    %jit3A = arith.constant 0.000000e+00 : f32
    %broadcast_in_dim3A_125 = vector.broadcast %jit3A : f32 to vector<680x128xf32>
    %select_n3A = arith.select %and3A_124, %div3A_68, %broadcast_in_dim3A_125 : vector<680x128xi1>, vector<680x128xf32>
    %jit3A_126 = arith.constant 0.000000e+00 : f32
    %max3A = vector.broadcast %jit3A_126 : f32 to vector<680x128xf32>
    %max3A_127 = arith.maximumf %max3A, %floor3A : vector<680x128xf32>
    %min3A = vector.broadcast %get3A_71 : vector<1x128xf32> to vector<680x128xf32>
    %min3A_128 = arith.minimumf %min3A, %max3A_127 : vector<680x128xf32>
    %convert_element_type3A = arith.fptosi %min3A_128 : vector<680x128xf32> to vector<680x128xi32>
    %jit3A_129 = arith.constant 0.000000e+00 : f32
    %max3A_130 = vector.broadcast %jit3A_129 : f32 to vector<680x128xf32>
    %max3A_131 = arith.maximumf %max3A_130, %floor3A_112 : vector<680x128xf32>
    %min3A_132 = vector.broadcast %get3A_74 : vector<1x128xf32> to vector<680x128xf32>
    %min3A_133 = arith.minimumf %min3A_132, %max3A_131 : vector<680x128xf32>
    %convert_element_type3A_134 = arith.fptosi %min3A_133 : vector<680x128xf32> to vector<680x128xi32>
    %get3A_135 = arith.constant 1 : index
    %get3A_136 = arith.constant 0 : index
    %get3A_137 = vector.load %arg15[%get3A_135, %get3A_136] : memref<3x128xi32, #tpu.memory_space<vmem>>, vector<1x128xi32>
    %mul3A_138 = arith.constant 43520 : i32
    %mul3A_139 = arith.muli %arg0, %mul3A_138 : i32
    %get3A_140 = arith.constant 0 : index
    %get3A_141 = arith.constant 0 : index
    %get3A_142 = vector.load %arg15[%get3A_140, %get3A_141] : memref<3x128xi32, #tpu.memory_space<vmem>>, vector<1x128xi32>
    %add3A_143 = vector.broadcast %mul3A_139 : i32 to vector<1x128xi32>
    %add3A_144 = arith.addi %add3A_143, %get3A_142 : vector<1x128xi32>
    %mul3A_145 = vector.broadcast %get3A_137 : vector<1x128xi32> to vector<680x128xi32>
    %mul3A_146 = arith.muli %convert_element_type3A_134, %mul3A_145 : vector<680x128xi32>
    %add3A_147 = vector.broadcast %add3A_144 : vector<1x128xi32> to vector<680x128xi32>
    %add3A_148 = arith.addi %add3A_147, %mul3A_146 : vector<680x128xi32>
    %mul3A_149 = arith.constant 8 : i32
    %mul3A_150 = vector.broadcast %mul3A_149 : i32 to vector<680x128xi32>
    %mul3A_151 = arith.muli %convert_element_type3A, %mul3A_150 : vector<680x128xi32>
    %add3A_152 = arith.addi %add3A_148, %mul3A_151 : vector<680x128xi32>
    %get3A_153 = arith.constant 2 : index
    %get3A_154 = arith.constant 0 : index
    %get3A_155 = vector.load %arg15[%get3A_153, %get3A_154] : memref<3x128xi32, #tpu.memory_space<vmem>>, vector<1x128xi32>
    %add3A_156 = vector.broadcast %get3A_155 : vector<1x128xi32> to vector<680x128xi32>
    %add3A_157 = arith.addi %add3A_152, %add3A_156 : vector<680x128xi32>
    %swap3A_158 = arith.constant 0 : index
    %swap3A_159 = arith.constant 0 : index
    %swap3A_160 = arith.constant 0 : index
    %swap3A_161 = vector.load %arg19[%swap3A_158, %swap3A_159, %swap3A_160] : memref<1x680x512xi32, #tpu.memory_space<vmem>>, vector<1x680x128xi32>
    %swap3A_162 = vector.shape_cast %swap3A_161 : vector<1x680x128xi32> to vector<680x128xi32>
    %swap3A_163 = vector.shape_cast %add3A_157 : vector<680x128xi32> to vector<1x680x128xi32>
    tpu.vector_store %arg19[%swap3A_158, %swap3A_159, %swap3A_160], %swap3A_163 {strides = array<i32>} : memref<1x680x512xi32, #tpu.memory_space<vmem>>, vector<1x680x128xi32>,
    %add3A_164 = arith.constant 8 : i32
    %add3A_165 = vector.broadcast %add3A_164 : i32 to vector<680x128xi32>
    %add3A_166 = arith.addi %add3A_157, %add3A_165 : vector<680x128xi32>
    %swap3A_167 = arith.constant 0 : index
    %swap3A_168 = arith.constant 0 : index
    %swap3A_169 = arith.constant 128 : index
    %swap3A_170 = vector.load %arg19[%swap3A_167, %swap3A_168, %swap3A_169] : memref<1x680x512xi32, #tpu.memory_space<vmem>>, vector<1x680x128xi32>
    %swap3A_171 = vector.shape_cast %swap3A_170 : vector<1x680x128xi32> to vector<680x128xi32>
    %swap3A_172 = vector.shape_cast %add3A_166 : vector<680x128xi32> to vector<1x680x128xi32>
    tpu.vector_store %arg19[%swap3A_167, %swap3A_168, %swap3A_169], %swap3A_172 {strides = array<i32>} : memref<1x680x512xi32, #tpu.memory_space<vmem>>, vector<1x680x128xi32>,
    %add3A_173 = vector.broadcast %get3A_137 : vector<1x128xi32> to vector<680x128xi32>
    %add3A_174 = arith.addi %add3A_157, %add3A_173 : vector<680x128xi32>
    %swap3A_175 = arith.constant 0 : index
    %swap3A_176 = arith.constant 0 : index
    %swap3A_177 = arith.constant 256 : index
    %swap3A_178 = vector.load %arg19[%swap3A_175, %swap3A_176, %swap3A_177] : memref<1x680x512xi32, #tpu.memory_space<vmem>>, vector<1x680x128xi32>
    %swap3A_179 = vector.shape_cast %swap3A_178 : vector<1x680x128xi32> to vector<680x128xi32>
    %swap3A_180 = vector.shape_cast %add3A_174 : vector<680x128xi32> to vector<1x680x128xi32>
    tpu.vector_store %arg19[%swap3A_175, %swap3A_176, %swap3A_177], %swap3A_180 {strides = array<i32>} : memref<1x680x512xi32, #tpu.memory_space<vmem>>, vector<1x680x128xi32>,
    %add3A_181 = vector.broadcast %get3A_137 : vector<1x128xi32> to vector<680x128xi32>
    %add3A_182 = arith.addi %add3A_157, %add3A_181 : vector<680x128xi32>
    %add3A_183 = arith.constant 8 : i32
    %add3A_184 = vector.broadcast %add3A_183 : i32 to vector<680x128xi32>
    %add3A_185 = arith.addi %add3A_182, %add3A_184 : vector<680x128xi32>
    %swap3A_186 = arith.constant 0 : index
    %swap3A_187 = arith.constant 0 : index
    %swap3A_188 = arith.constant 384 : index
    %swap3A_189 = vector.load %arg19[%swap3A_186, %swap3A_187, %swap3A_188] : memref<1x680x512xi32, #tpu.memory_space<vmem>>, vector<1x680x128xi32>
    %swap3A_190 = vector.shape_cast %swap3A_189 : vector<1x680x128xi32> to vector<680x128xi32>
    %swap3A_191 = vector.shape_cast %add3A_185 : vector<680x128xi32> to vector<1x680x128xi32>
    tpu.vector_store %arg19[%swap3A_186, %swap3A_187, %swap3A_188], %swap3A_191 {strides = array<i32>} : memref<1x680x512xi32, #tpu.memory_space<vmem>>, vector<1x680x128xi32>,
    %sub3A_192 = arith.constant 1.000000e+00 : f32
    %sub3A_193 = vector.broadcast %sub3A_192 : f32 to vector<680x128xf32>
    %sub3A_194 = arith.subf %sub3A_193, %sub3A_113 : vector<680x128xf32>
    %sub3A_195 = arith.constant 1.000000e+00 : f32
    %sub3A_196 = vector.broadcast %sub3A_195 : f32 to vector<680x128xf32>
    %sub3A_197 = arith.subf %sub3A_196, %sub3A_114 : vector<680x128xf32>
    %mul3A_198 = arith.mulf %sub3A_194, %sub3A_197 : vector<680x128xf32>
    %mul3A_199 = arith.mulf %mul3A_198, %select_n3A : vector<680x128xf32>
    %swap3A_200 = arith.constant 0 : index
    %swap3A_201 = arith.constant 0 : index
    %swap3A_202 = arith.constant 0 : index
    %swap3A_203 = vector.load %arg20[%swap3A_200, %swap3A_201, %swap3A_202] : memref<1x680x512xf32, #tpu.memory_space<vmem>>, vector<1x680x128xf32>
    %swap3A_204 = vector.shape_cast %swap3A_203 : vector<1x680x128xf32> to vector<680x128xf32>
    %swap3A_205 = vector.shape_cast %mul3A_199 : vector<680x128xf32> to vector<1x680x128xf32>
    tpu.vector_store %arg20[%swap3A_200, %swap3A_201, %swap3A_202], %swap3A_205 {strides = array<i32>} : memref<1x680x512xf32, #tpu.memory_space<vmem>>, vector<1x680x128xf32>,
    %mul3A_206 = arith.mulf %sub3A_113, %sub3A_197 : vector<680x128xf32>
    %mul3A_207 = arith.mulf %mul3A_206, %select_n3A : vector<680x128xf32>
    %swap3A_208 = arith.constant 0 : index
    %swap3A_209 = arith.constant 0 : index
    %swap3A_210 = arith.constant 128 : index
    %swap3A_211 = vector.load %arg20[%swap3A_208, %swap3A_209, %swap3A_210] : memref<1x680x512xf32, #tpu.memory_space<vmem>>, vector<1x680x128xf32>
    %swap3A_212 = vector.shape_cast %swap3A_211 : vector<1x680x128xf32> to vector<680x128xf32>
    %swap3A_213 = vector.shape_cast %mul3A_207 : vector<680x128xf32> to vector<1x680x128xf32>
    tpu.vector_store %arg20[%swap3A_208, %swap3A_209, %swap3A_210], %swap3A_213 {strides = array<i32>} : memref<1x680x512xf32, #tpu.memory_space<vmem>>, vector<1x680x128xf32>,
    %mul3A_214 = arith.mulf %sub3A_194, %sub3A_114 : vector<680x128xf32>
    %mul3A_215 = arith.mulf %mul3A_214, %select_n3A : vector<680x128xf32>
    %swap3A_216 = arith.constant 0 : index
    %swap3A_217 = arith.constant 0 : index
    %swap3A_218 = arith.constant 256 : index
    %swap3A_219 = vector.load %arg20[%swap3A_216, %swap3A_217, %swap3A_218] : memref<1x680x512xf32, #tpu.memory_space<vmem>>, vector<1x680x128xf32>
    %swap3A_220 = vector.shape_cast %swap3A_219 : vector<1x680x128xf32> to vector<680x128xf32>
    %swap3A_221 = vector.shape_cast %mul3A_215 : vector<680x128xf32> to vector<1x680x128xf32>
    tpu.vector_store %arg20[%swap3A_216, %swap3A_217, %swap3A_218], %swap3A_221 {strides = array<i32>} : memref<1x680x512xf32, #tpu.memory_space<vmem>>, vector<1x680x128xf32>,
    %mul3A_222 = arith.mulf %sub3A_113, %sub3A_114 : vector<680x128xf32>
    %mul3A_223 = arith.mulf %mul3A_222, %select_n3A : vector<680x128xf32>
    %swap3A_224 = arith.constant 0 : index
    %swap3A_225 = arith.constant 0 : index
    %swap3A_226 = arith.constant 384 : index
    %swap3A_227 = vector.load %arg20[%swap3A_224, %swap3A_225, %swap3A_226] : memref<1x680x512xf32, #tpu.memory_space<vmem>>, vector<1x680x128xf32>
    %swap3A_228 = vector.shape_cast %swap3A_227 : vector<1x680x128xf32> to vector<680x128xf32>
    %swap3A_229 = vector.shape_cast %mul3A_223 : vector<680x128xf32> to vector<1x680x128xf32>
    tpu.vector_store %arg20[%swap3A_224, %swap3A_225, %swap3A_226], %swap3A_229 {strides = array<i32>} : memref<1x680x512xf32, #tpu.memory_space<vmem>>, vector<1x680x128xf32>,
    return
  }
  func.func @transform_0(%arg0: i32, %arg1: i32) -> (i32, i32, i32) {
    %c0_i32 = arith.constant 0 : i32
    %c0_i32_0 = arith.constant 0 : i32
    return %arg0, %arg1, %c0_i32 : i32, i32, i32
  }
  func.func @transform_1(%arg0: i32, %arg1: i32) -> (i32, i32, i32) {
    %c0_i32 = arith.constant 0 : i32
    %c0_i32_0 = arith.constant 0 : i32
    return %arg0, %arg1, %c0_i32 : i32, i32, i32
  }
  func.func @transform_2(%arg0: i32, %arg1: i32) -> (i32, i32, i32) {
    %c0_i32 = arith.constant 0 : i32
    %c0_i32_0 = arith.constant 0 : i32
    return %arg0, %arg1, %c0_i32 : i32, i32, i32
  }
  func.func @transform_3(%arg0: i32, %arg1: i32) -> (i32, i32, i32) {
    %c0_i32 = arith.constant 0 : i32
    %c0_i32_0 = arith.constant 0 : i32
    return %arg0, %arg1, %c0_i32 : i32, i32, i32
  }
  func.func @transform_4(%arg0: i32, %arg1: i32) -> (i32, i32) {
    %c0_i32 = arith.constant 0 : i32
    %c0_i32_0 = arith.constant 0 : i32
    %c0_i32_1 = arith.constant 0 : i32
    return %c0_i32, %c0_i32_0 : i32, i32
  }
  func.func @transform_5(%arg0: i32, %arg1: i32) -> (i32, i32) {
    %c0_i32 = arith.constant 0 : i32
    %c0_i32_0 = arith.constant 0 : i32
    %c0_i32_1 = arith.constant 0 : i32
    return %c0_i32, %c0_i32_0 : i32, i32
  }
  func.func @transform_6(%arg0: i32, %arg1: i32) -> (i32, i32) {
    %c0_i32 = arith.constant 0 : i32
    %c0_i32_0 = arith.constant 0 : i32
    %c0_i32_1 = arith.constant 0 : i32
    return %c0_i32, %c0_i32_0 : i32, i32
  }
  func.func @transform_7(%arg0: i32, %arg1: i32) -> (i32, i32) {
    %c0_i32 = arith.constant 0 : i32
    %c0_i32_0 = arith.constant 0 : i32
    %c0_i32_1 = arith.constant 0 : i32
    return %c0_i32, %c0_i32_0 : i32, i32
  }
  func.func @transform_8(%arg0: i32, %arg1: i32) -> (i32, i32) {
    %c0_i32 = arith.constant 0 : i32
    %c0_i32_0 = arith.constant 0 : i32
    %c0_i32_1 = arith.constant 0 : i32
    return %c0_i32, %c0_i32_0 : i32, i32
  }
  func.func @transform_9(%arg0: i32, %arg1: i32) -> (i32, i32) {
    %c0_i32 = arith.constant 0 : i32
    %c0_i32_0 = arith.constant 0 : i32
    %c0_i32_1 = arith.constant 0 : i32
    return %c0_i32, %c0_i32_0 : i32, i32
  }
  func.func @transform_10(%arg0: i32, %arg1: i32) -> (i32, i32) {
    %c0_i32 = arith.constant 0 : i32
    %c0_i32_0 = arith.constant 0 : i32
    %c0_i32_1 = arith.constant 0 : i32
    return %c0_i32, %c0_i32_0 : i32, i32
  }
  func.func @transform_11(%arg0: i32, %arg1: i32) -> (i32, i32) {
    %c0_i32 = arith.constant 0 : i32
    %c0_i32_0 = arith.constant 0 : i32
    %c0_i32_1 = arith.constant 0 : i32
    return %c0_i32, %c0_i32_0 : i32, i32
  }
  func.func @transform_12(%arg0: i32, %arg1: i32) -> (i32, i32) {
    %c0_i32 = arith.constant 0 : i32
    %c0_i32_0 = arith.constant 0 : i32
    %c0_i32_1 = arith.constant 0 : i32
    return %c0_i32, %c0_i32_0 : i32, i32
  }
  func.func @transform_13(%arg0: i32, %arg1: i32) -> (i32, i32) {
    %c0_i32 = arith.constant 0 : i32
    %c0_i32_0 = arith.constant 0 : i32
    %c0_i32_1 = arith.constant 0 : i32
    return %c0_i32, %c0_i32_0 : i32, i32
  }
  func.func @transform_14(%arg0: i32, %arg1: i32) -> (i32, i32) {
    %c0_i32 = arith.constant 0 : i32
    %c0_i32_0 = arith.constant 0 : i32
    %c0_i32_1 = arith.constant 0 : i32
    return %c0_i32, %c0_i32_0 : i32, i32
  }
  func.func @transform_15(%arg0: i32, %arg1: i32) -> (i32, i32) {
    %c0_i32 = arith.constant 0 : i32
    %c0_i32_0 = arith.constant 0 : i32
    %c0_i32_1 = arith.constant 0 : i32
    return %c0_i32, %c0_i32_0 : i32, i32
  }
  func.func @transform_16(%arg0: i32, %arg1: i32) -> (i32, i32, i32) {
    %c0_i32 = arith.constant 0 : i32
    %c0_i32_0 = arith.constant 0 : i32
    return %arg0, %arg1, %c0_i32 : i32, i32, i32
  }
  func.func @transform_17(%arg0: i32, %arg1: i32) -> (i32, i32, i32) {
    %c0_i32 = arith.constant 0 : i32
    %c0_i32_0 = arith.constant 0 : i32
    return %arg0, %arg1, %c0_i32 : i32, i32, i32
  }
  func.func @transform_18(%arg0: i32, %arg1: i32) -> (i32, i32, i32) {
    %c0_i32 = arith.constant 0 : i32
    %c0_i32_0 = arith.constant 0 : i32
    return %arg0, %arg1, %c0_i32 : i32, i32, i32
  }
}

module attributes {stable_mosaic.version = 14 : i64} {
  func.func @_out_body(%arg0: i32, %arg1: memref<680x256xf32, #tpu.memory_space<vmem>>, %arg2: memref<256x256xf32, #tpu.memory_space<vmem>>, %arg3: memref<1x256xf32, #tpu.memory_space<vmem>>, %arg4: memref<680x256xf32, #tpu.memory_space<vmem>>) attributes {dimension_semantics = [#tpu.dimension_semantics<arbitrary>], iteration_bounds = array<i64: 32>, scalar_prefetch = 0 : i64, scratch_operands = 0 : i64, tpu.core_type = #tpu.core_type<tc>, window_params = [{transform_indices = @transform_0, window_bounds = array<i64: 680, 256>}, {pipeline_mode = #tpu.pipeline_mode<synchronous>, transform_indices = @transform_1, window_bounds = array<i64: 256, 256>}, {pipeline_mode = #tpu.pipeline_mode<synchronous>, transform_indices = @transform_2, window_bounds = array<i64: 1, 256>}, {transform_indices = @transform_3, window_bounds = array<i64: 680, 256>}]} {
    %get3A = arith.constant 0 : index
    %get3A_0 = arith.constant 0 : index
    %get3A_1 = vector.load %arg1[%get3A, %get3A_0] : memref<680x256xf32, #tpu.memory_space<vmem>>, vector<680x256xf32>
    %get3A_2 = arith.constant 0 : index
    %get3A_3 = arith.constant 0 : index
    %get3A_4 = vector.load %arg2[%get3A_2, %get3A_3] : memref<256x256xf32, #tpu.memory_space<vmem>>, vector<256x256xf32>
    %dot_general3A = arith.constant dense<0.000000e+00> : vector<680x256xf32>
    %dot_general3A_5 = tpu.matmul %get3A_1, %get3A_4, %dot_general3A {dimension_numbers = #tpu.dot_dimension_numbers<[1], [0], [0], [1], [0, 0, 1, 1], [], []>, transpose_lhs_hint = false} : vector<680x256xf32>, vector<256x256xf32>, vector<680x256xf32> -> vector<680x256xf32>
    %get3A_6 = arith.constant 0 : index
    %get3A_7 = arith.constant 0 : index
    %get3A_8 = vector.load %arg3[%get3A_6, %get3A_7] : memref<1x256xf32, #tpu.memory_space<vmem>>, vector<1x256xf32>
    %add3A = vector.broadcast %get3A_8 : vector<1x256xf32> to vector<680x256xf32>
    %add3A_9 = arith.addf %dot_general3A_5, %add3A : vector<680x256xf32>
    %swap3A = arith.constant 0 : index
    %swap3A_10 = arith.constant 0 : index
    %swap3A_11 = vector.load %arg4[%swap3A, %swap3A_10] : memref<680x256xf32, #tpu.memory_space<vmem>>, vector<680x256xf32>
    tpu.vector_store %arg4[%swap3A, %swap3A_10], %add3A_9 {strides = array<i32>} : memref<680x256xf32, #tpu.memory_space<vmem>>, vector<680x256xf32>,
    return
  }
  func.func @transform_0(%arg0: i32) -> (i32, i32) {
    %c0_i32 = arith.constant 0 : i32
    %c0_i32_0 = arith.constant 0 : i32
    return %arg0, %c0_i32 : i32, i32
  }
  func.func @transform_1(%arg0: i32) -> (i32, i32) {
    %c0_i32 = arith.constant 0 : i32
    %c0_i32_0 = arith.constant 0 : i32
    %c0_i32_1 = arith.constant 0 : i32
    return %c0_i32, %c0_i32_0 : i32, i32
  }
  func.func @transform_2(%arg0: i32) -> (i32, i32) {
    %c0_i32 = arith.constant 0 : i32
    %c0_i32_0 = arith.constant 0 : i32
    %c0_i32_1 = arith.constant 0 : i32
    return %c0_i32, %c0_i32_0 : i32, i32
  }
  func.func @transform_3(%arg0: i32) -> (i32, i32) {
    %c0_i32 = arith.constant 0 : i32
    %c0_i32_0 = arith.constant 0 : i32
    return %arg0, %c0_i32 : i32, i32
  }
}

</mosaic_0001>

<sc_bundles>
// kernel: kernel.5.cloned.1.call-start
scs
__scs_entry_jumppad:
0x0: {  	(pc) =	sbr.rel $0x88, $3  }
0x1: {  	(tag) =	ssettag $0x0;
	lr =	simm.s32 $0x1  }
0x2: {  	[smem:$0x3F96] =	sst lr;
	_ =	strace $0xD0000000  }
0x3: {  	_ = 	snop  }
0x4: {  	_ = 	snop  }
0x5: {  	_ = 	snop  }
0x6: {  	_ = 	snop  }
0x7: {  	_ = 	snop  }
__scs_overlays_trampoline_lowered:
0x8: {  	[smem:$0x3FA5] =	sst s0  }
0x9: {  	[smem:$0x3FA6] =	sst s1  }
0xa: {  	[smem:$0x3FA7] =	sst s2  }
0xb: {  	[smem:$0x3FA8] =	sst s3  }
0xc: {  	[smem:$0x3FA9] =	sst s4  }
0xd: {  	[smem:$0x3FAA] =	sst s5  }
0xe: {  	[smem:$0x3FAB] =	sst s6  }
0xf: {  	[smem:$0x3FAC] =	sst s7  }
0x10: {  	[smem:$0x3FAD] =	sst s8  }
0x11: {  	[smem:$0x3FAE] =	sst s9;
	s0 =	simm.s32 @!p0 $0x0  }
0x12: {  	s1 =	sld [smem:$0x3F94];
	s0 =	simm.s32 @p0 $0x1  }
0x13: {  	[smem:$0x3FAF] =	sst s0;
	s0 =	simm.s32 @!p1 $0x0  }
0x14: {  	s2 =	sld [smem:$0x3F93];
	s0 =	simm.s32 @p1 $0x1  }
0x15: {  	[smem:$0x3FB0] =	sst s0;
	s0 =	simm.s32 @!p2 $0x0  }
0x16: {  	s3 =	sld [smem:$0x3FDB];
	s0 =	simm.s32 @p2 $0x1  }
0x17: {  	s4 =	simm.s32 $0x1BF5;
	[smem:$0x3FB2] =	sst s0  }
0x18: {  	s0 =	sld [smem:$0x3F95];
	_ =	swait.ge [sflag:s4], $0x0  }
0x19: {  	s7 =	sld [smem:$0x3F96]  }
0x1a: {  	s8 =	sadd.s32 $0xFFFFE003, lr  }
0x1b: {  	s9 =	sadd.s32 $0xFFFFFEF7, lr;
	s5 =	simm.s32 $0xFFFFFFFF;
	p2 =	slt.u32 s8, $0xFFFFF086  }
0x1c: {  	p1 =	slt.u32 s9, $0xF7A;
	s5 =	simm.s32 @!p2 $0x0  }
0x1d: {  	s5 =	simm.s32 @p1 $0x1;
	p0 =	seq.s32 s7, s2  }
0x1e: {  	s7 =	smul.u32 @!p0 $0xF7A, s2;
	p2 =	seq.s32 @!p0 s5, $0x0  }
0x1f: {  	s9 =	smul.u32 $0xF7A, s1;
	s8 =	simm.s32 @!p0 $0x1BF5;
	p2 =	por !p2, p0  }
0x20: {  	[sflag:s8] =	ssyncset.s32 @!p0 $0xFFFFF086;
	s6 =	sadd.s32 @!p0 s3, s7;
	s7 =	simm.s32 @!p0 $0x108  }
0x21: {  	s3 =	sadd.s32 s3, s9;
	s6 =	sadd.s32 @!p0 $0x88, s6;
	s7 =	simm.s32 @p2 $0x1082  }
0x22: {  	[simem:s7], [sflag:s8] =	dma.local @!p0 [hbm:s6], $0xF7A  }
0x23: {  	s9 =	sor.u32 $0xD0000000, s2;
	s6 =	simm.s32 $0x108;
	_ =	swait.ge @!p0 [sflag:s8], $0x0  }
0x24: {  	s3 =	sadd.s32 $0x88, s3;
	s6 =	simm.s32 @!p1 $0x1082;
	[sflag:s4] =	ssyncset.s32 $0xFFFFF086  }
0x25: {  	[simem:s6], [sflag:s4] =	dma.local [hbm:s3], $0xF7A  }
0x26: {  	[smem:$0x3F96] =	sst s1;
	(tag) =	ssettag s2;
	_ =	strace s9  }
0x27: {  	s1 =	sld [smem:$0x3FA6]  }
0x28: {  	s2 =	sld [smem:$0x3FA7]  }
0x29: {  	s4 =	sld [smem:$0x3FA9]  }
0x2a: {  	p0 =	seq.s32 s5, $0x0;
	s5 =	sld [smem:$0x3FAA]  }
0x2b: {  	s6 =	sld [smem:$0x3FAB]  }
0x2c: {  	s7 =	sld [smem:$0x3FAC]  }
0x2d: {  	s3 =	simm.s32 $0x108;
	s8 =	sld [smem:$0x3FAD]  }
0x2e: {  	s3 =	simm.s32 @!p0 $0x1082;
	s9 =	sld [smem:$0x3FAE]  }
0x2f: {  	lr =	sadd.s32 s0, s3;
	s0 =	sld [smem:$0x3FA5]  }
0x30: {  	s3 =	sld [smem:$0x3FA8]  }
0x31: {  	[smem:$0x3FB1] =	sst s10  }
0x32: {  	s10 =	sld [smem:$0x3FAF];
	_ =	sdelay $0x3  }
0x33: {  	p0 =	seq.s32 s10, $0x1;
	s10 =	sld [smem:$0x3FB1];
	_ =	sdelay $0x3  }
0x34: {  	[smem:$0x3FB1] =	sst s10  }
0x35: {  	s10 =	sld [smem:$0x3FB0];
	_ =	sdelay $0x3  }
0x36: {  	p1 =	seq.s32 s10, $0x1;
	s10 =	sld [smem:$0x3FB1];
	_ =	sdelay $0x3  }
0x37: {  	[smem:$0x3FB1] =	sst s10  }
0x38: {  	s10 =	sld [smem:$0x3FB2]  }
0x39: {  	_ = 	snop;
	(pc) =	sbr.ind lr, $3  }
0x3a: {  	_ = 	snop  }
0x3b: {  	_ = 	snop  }
0x3c: {  	p2 =	seq.s32 s10, $0x1;
	s10 =	sld [smem:$0x3FB1]  }
0x3d: {  	_ =	shalt  }
0x3e: {  	_ =	shalt  }
0x3f: {  	_ =	shalt  }
0x40: {  	_ =	shalt  }
0x41: {  	_ =	shalt  }
0x42: {  	_ =	shalt  }
0x43: {  	_ =	shalt  }
0x44: {  	_ =	shalt  }
0x45: {  	_ =	shalt  }
0x46: {  	_ =	shalt  }
0x47: {  	_ =	shalt  }
0x48: {  	_ =	shalt  }
0x49: {  	_ =	shalt  }
0x4a: {  	_ =	shalt  }
0x4b: {  	_ =	shalt  }
0x4c: {  	_ =	shalt  }
0x4d: {  	_ =	shalt  }
0x4e: {  	_ =	shalt  }
0x4f: {  	_ =	shalt  }
0x50: {  	_ =	shalt  }
0x51: {  	_ =	shalt  }
0x52: {  	_ =	shalt  }
0x53: {  	_ =	shalt  }
0x54: {  	_ =	shalt  }
0x55: {  	_ =	shalt  }
0x56: {  	_ =	shalt  }
0x57: {  	_ =	shalt  }
0x58: {  	_ =	shalt  }
0x59: {  	_ =	shalt  }
0x5a: {  	_ =	shalt  }
0x5b: {  	_ =	shalt  }
0x5c: {  	_ =	shalt  }
0x5d: {  	_ =	shalt  }
0x5e: {  	_ =	shalt  }
0x5f: {  	_ =	shalt  }
0x60: {  	_ =	shalt  }
0x61: {  	_ =	shalt  }
0x62: {  	_ =	shalt  }
0x63: {  	_ =	shalt  }
0x64: {  	_ =	shalt  }
0x65: {  	_ =	shalt  }
0x66: {  	_ =	shalt  }
0x67: {  	_ =	shalt  }
0x68: {  	_ =	shalt  }
0x69: {  	_ =	shalt  }
0x6a: {  	_ =	shalt  }
0x6b: {  	_ =	shalt  }
0x6c: {  	_ =	shalt  }
0x6d: {  	_ =	shalt  }
0x6e: {  	_ =	shalt  }
0x6f: {  	_ =	shalt  }
0x70: {  	_ =	shalt  }
0x71: {  	_ =	shalt  }
0x72: {  	_ =	shalt  }
0x73: {  	_ =	shalt  }
0x74: {  	_ =	shalt  }
0x75: {  	_ =	shalt  }
0x76: {  	_ =	shalt  }
0x77: {  	_ =	shalt  }
0x78: {  	_ =	shalt  }
0x79: {  	_ =	shalt  }
0x7a: {  	_ =	shalt  }
0x7b: {  	_ =	shalt  }
0x7c: {  	_ =	shalt  }
0x7d: {  	_ =	shalt  }
0x7e: {  	_ =	shalt  }
0x7f: {  	_ =	shalt  }
0x80: {  	_ =	shalt  }
0x81: {  	_ =	shalt  }
0x82: {  	_ =	shalt  }
0x83: {  	_ =	shalt  }
0x84: {  	_ =	shalt  }
0x85: {  	_ =	shalt  }
0x86: {  	_ =	shalt  }
0x87: {  	_ =	shalt  }
.Lfunc_end0:
.L_simem_size_0:
called_computation.2_lowered:
.L_overlay_start_0:
0x88: {  	s2 =	sld [smem:$0x3FD9]  }
0x89: {  	s3 =	sld [smem:$0x3FFE];
	_ =	sdelay $0x1  }
0x8a: {  	s1 =	srdreg.scid  }
0x8b: {  	s0 =	sand.u32 $0x1, s1  }
0x8c: {  	s17 =	sshll.u32 s0, $0xA;
	s2 =	sadd.s32 s3, s2  }
0x8d: {  	s2 =	sadd.s32 s2, s17  }
0x8e: {  	[smem:$0x3FBD] =	sst s2  }
0x8f: {  	_ = 	snop  }
0x90: {  	s2 =	sld [smem:$0x3FD0];
	(tm) =	ssettm $0x1  }
0x91: {  	s18 =	sld [smem:$0x3FFB];
	_ =	sdelay $0x3  }
0x92: {  	_ =	strace s18  }
0x93: {  	s3 =	sld [smem:$0x3FFC];
	_ =	sdelay $0x3  }
0x94: {  	_ =	strace s3  }
0x95: {  	s3 =	sld [smem:$0x3FFD];
	_ =	sdelay $0x3  }
0x96: {  	_ =	strace s3  }
0x97: {  	_ =	strace $0x8FFFFFFF  }
0x98: {  	s19 =	sld [smem:$0x3FDB];
	_ =	sdelay $0x1  }
0x99: {  	s4 =	simm.s32 $_scs_section_size  }
0x9a: {  	s5 =	simm.s32 $_size__tile_overlayer_lowered;
	s6 =	simm.s32 $_tile_overlayer_lowered  }
0x9b: {  	s22 =	simm.s32 $0x1BFF;
	s21 =	sshll.u32 s6, $0x1;
	s3 =	sadd.s32 s4, s19  }
0x9c: {  	s7 =	simm.s32 $0x0;
	s20 =	sshll.u32 s5, $0x1;
	s5 =	sadd.s32 s21, s3  }
0x9d: {  	[timem:s7], [sflag:s22] =	dma.local [hbm:s5], s20  }
0x9e: {  	_ =	swait.ge [sflag:s22], s20  }
0x9f: {  	s4 =	ssub.s32 $0x0, s20;
	[sflag:s22] =	ssyncset.done $0x0  }
0xa0: {  	[sflag:s22] =	ssyncadd.s32 s4;
	_ =	sdelay $0x1  }
0xa1: {  	s23 =	simm.s32 $0x1B8B  }
0xa2: {  	_ =	swait.ge [sflag:s23], $0x1  }
0xa3: {  	[sflag:s23] =	ssyncset.done $0x0  }
0xa4: {  	s25 =	simm.s32 $0x1B8E;
	s24 =	sld [smem:$0x3FFE];
	[sflag:s23] =	ssyncadd.s32 $0xFFFFFFFF  }
0xa5: {  	s26 =	simm.s32 $execute0_lowered;
	[smem:$0x3FD2] =	sst s25  }
0xa6: {  	s5 =	sshll.u32 s26, $0x1;
	_ =	strace $0x8000004C;
	[dreg:$0x1] =	wrdreg $0xFFFFFFFF  }
0xa7: {  	s28 =	simm.s32 $_size_execute0_lowered;
	s3 =	sadd.s32 s3, s5;
	[dreg:$0x0] =	wrdreg $0x0  }
0xa8: {  	s5 =	sshll.u32 s28, $0x1;
	[dreg:$0x2] =	wrdreg s3  }
0xa9: {  	[dreg:$0x3] =	wrdreg s5  }
0xaa: {  	[dreg:$0x4] =	wrdreg $0xC0  }
0xab: {  	_ =	task [dreg:s7], $0x5FFFF  }
0xac: {  	[dreg:$0x1] =	wrdreg $0xFFFFFFFF  }
0xad: {  	[dreg:$0x0] =	wrdreg $0x60  }
0xae: {  	[dreg:$0x2] =	wrdreg s2  }
0xaf: {  	[dreg:$0x3] =	wrdreg s24  }
0xb0: {  	[dreg:$0x4] =	wrdreg $0x9  }
0xb1: {  	_ =	task.clear_ibuf [dreg:s7], $0x5FFFF;
	_ =	strace $0x9000004C  }
0xb2: {  	s29 =	simm.s32 $0x9;
	_ =	strace $0x8000004E  }
0xb3: {  	_ =	swait.ge [sflag:s29], $0x1  }
0xb4: {  	[sflag:s29] =	ssyncadd.s32 $0xFFFFFFFF  }
0xb5: {  	_ =	strace $0x9000004E  }
0xb6: {  	_ =	sfence  }
0xb7: {  	s30 =	sld [smem:$0x0];
	_ =	sdelay $0x2  }
0xb8: {  	s31 =	sshll.u32 s1, $0xD;
	s1 =	sshrl.u32 s1, $0x2  }
0xb9: {  	s3 =	sand.u32 $0x4000, s31;
	s1 =	sadd.s32 s1, s30  }
0xba: {  	s0 =	sor.u32 s3, s0;
	s1 =	sshll.u32 s1, $0x11  }
0xbb: {  	s0 =	sor.u32 s1, s0  }
0xbc: {  	s0 =	sadd.s32 $0x8F2B, s0  }
0xbd: {  	[sflag:s0] =	ssyncadd.remote.s32 $0x1  }
0xbe: {  	_ =	sfence.sel $0xFFFF  }
0xbf: {  	[dreg:$0x0] =	wrdreg $0xFFFFFFFF;
	(pc) =	sbr.abs _section_cstart, $3  }
0xc0: {  	[dreg:$0x1] =	wrdreg $0xFFFFFFFF  }
0xc1: {  	_ =	task.clear_ibuf [dreg:s7], $0x2FFFF;
	_ =	strace $0x9FFFFFFF  }
0xc2: {  	(tm) =	ssettm $0x7FFFFFFF  }
0xc3: {  	_ =	shalt  }
tec
execute0_lowered:
.L_overlay_start_1:
0x0: {  	(tag) =	ssettag $0x1  }
0x1: {  	s0 =	rddreg [dreg:$0x1];
	s2 =	simm.s32 $0x0;
	s1 =	srdreg.scid  }
0x2: {  	s4 =	stileid.u32;
	[smem:$0x7FF] =	sst s2  }
0x3: {  	s1 =	sand.u32 $0x1, s1;
	s3 =	sadd.s32 $0x2FF200, s0;
	s5 =	sadd.s32 $0x453200, s0  }
0x4: {  	s4 =	sshll.u32 s4, $0x1;
	s0 =	sadd.s32 $0x2200, s0;
	_ =	strace $0x8000004D  }
0x5: {  	s28 =	ssub.s32 $0x2, s1;
	[dreg:$0x3] =	wrdreg s3;
	s1 =	sor.u32 s1, s4  }
0x6: {  	[dreg:$0x4] =	wrdreg s5;
	s29 =	sshrl.u32 s28, $0x1;
	s30 =	smul.u32 $0x2A8, s1  }
0x7: {  	[dreg:$0x5] =	wrdreg s0;
	s2 =	ssub.s32 s28, s29  }
0x8: {  	s18 =	simm.s32 $0x1;
	[dreg:$0x6] =	wrdreg s30;
	s31 =	smax.u32 s2, $0x1  }
0x9: {  	s1 =	simm.s32 $0x0;
	s2 =	simm.s32 $0x2;
	[dreg:$0x7] =	wrdreg s31  }
.LBB2_1:
0xa: {  	[dreg:$0x8] =	wrdreg s1;
	s0 =	simm.s32 $0x0  }
.LBB2_2:
0xb: {  	[dreg:$0x9] =	wrdreg s0  }
0xc: {  	s9 =	sshll.u32 s0, $0x2;
	s1 =	rddreg [dreg:$0x6]  }
0xd: {  	s10 =	rddreg [dreg:$0x3];
	s0 =	sadd.s32 s1, s9  }
0xe: {  	[dreg:$0xa] =	wrdreg s0;
	s0 =	sshll.u32 s0, $0x6  }
0xf: {  	s22 =	simm.s32 $0x0;
	s1 =	sadd.s32 s10, s0  }
0x10: {  	[tilespmem:s22], [sflag:$0x2] =	stream.linear.gather [hbm4b:s1+s22], $0x800, $0x38;
	[tilespmem:$0x11400] =	vst v63  }
0x11: {  	_ =	swait.ge [sflag:s2], $0x800  }
0x12: {  	[sflag:s2] =	ssyncset.done $0x0;
	s11 =	rddreg [dreg:$0x4]  }
0x13: {  	s12 =	simm.s32 $0x800;
	[sflag:s2] =	ssyncadd.s32 $0xFFFFF800;
	s0 =	sadd.s32 s11, s0  }
0x14: {  	[tilespmem:s12], [sflag:$0x2] =	stream.linear.gather [hbm4b:s0+s22], $0x800, $0x38;
	[tilespmem:$0x11400] =	vst v63  }
0x15: {  	_ =	swait.ge [sflag:s2], $0x800  }
0x16: {  	[sflag:s2] =	ssyncset.done $0x0  }
0x17: {  	[sflag:s2] =	ssyncadd.s32 $0xFFFFF800  }
0x18: {  	s13 =	simm.s32 $0x1000;
	s1 =	simm.s32 $0x80;
	s0 =	rddreg [dreg:$0x0]  }
0x19: {  	[tilespmem:s13], [sflag:$0x1] =	stream.indirect.gather [hbm4b:s0+s1], $0x20, s22, s1, $0xb8;
	[tilespmem:$0x11400] =	vst v63  }
0x1a: {  	s14 =	simm.s32 $0x2000  }
0x1b: {  	[tilespmem:s14], [sflag:$0x1] =	stream.indirect.gather [hbm4b:s0+s1], $0x20, s1, s1, $0xb8;
	[tilespmem:$0x11400] =	vst v63  }
0x1c: {  	s15 =	simm.s32 $0x100;
	s3 =	simm.s32 $0x3000  }
0x1d: {  	[tilespmem:s3], [sflag:$0x1] =	stream.indirect.gather [hbm4b:s0+s1], $0x20, s15, s1, $0xb8;
	[tilespmem:$0x11400] =	vst v63  }
0x1e: {  	s16 =	simm.s32 $0x180;
	s17 =	simm.s32 $0x4000  }
0x1f: {  	[tilespmem:s17], [sflag:$0x1] =	stream.indirect.gather [hbm4b:s0+s1], $0x20, s16, s1, $0xb8;
	[tilespmem:$0x11400] =	vst v63  }
0x20: {  	s19 =	simm.s32 $0x200;
	s20 =	simm.s32 $0x5000  }
0x21: {  	[tilespmem:s20], [sflag:$0x1] =	stream.indirect.gather [hbm4b:s0+s1], $0x20, s19, s1, $0xb8;
	[tilespmem:$0x11400] =	vst v63  }
0x22: {  	s21 =	simm.s32 $0x280;
	s23 =	simm.s32 $0x6000  }
0x23: {  	[tilespmem:s23], [sflag:$0x1] =	stream.indirect.gather [hbm4b:s0+s1], $0x20, s21, s1, $0xb8;
	[tilespmem:$0x11400] =	vst v63  }
0x24: {  	s24 =	simm.s32 $0x300;
	s25 =	simm.s32 $0x7000  }
0x25: {  	[tilespmem:s25], [sflag:$0x1] =	stream.indirect.gather [hbm4b:s0+s1], $0x20, s24, s1, $0xb8;
	[tilespmem:$0x11400] =	vst v63  }
0x26: {  	s26 =	simm.s32 $0x380;
	s31 =	simm.s32 $0x8000  }
0x27: {  	[tilespmem:s31], [sflag:$0x1] =	stream.indirect.gather [hbm4b:s0+s1], $0x20, s26, s1, $0xb8;
	[tilespmem:$0x11400] =	vst v63  }
0x28: {  	s4 =	simm.s32 $0x9000;
	s3 =	simm.s32 $0x400  }
0x29: {  	[tilespmem:s4], [sflag:$0x1] =	stream.indirect.gather [hbm4b:s0+s1], $0x20, s3, s1, $0xb8;
	[tilespmem:$0x11400] =	vst v63  }
0x2a: {  	s5 =	simm.s32 $0x480;
	s6 =	simm.s32 $0xA000  }
0x2b: {  	[tilespmem:s6], [sflag:$0x1] =	stream.indirect.gather [hbm4b:s0+s1], $0x20, s5, s1, $0xb8;
	[tilespmem:$0x11400] =	vst v63  }
0x2c: {  	s7 =	simm.s32 $0x500;
	s8 =	simm.s32 $0xB000  }
0x2d: {  	[tilespmem:s8], [sflag:$0x1] =	stream.indirect.gather [hbm4b:s0+s1], $0x20, s7, s1, $0xb8;
	[tilespmem:$0x11400] =	vst v63  }
0x2e: {  	s9 =	simm.s32 $0x580;
	s10 =	simm.s32 $0xC000  }
0x2f: {  	[tilespmem:s10], [sflag:$0x1] =	stream.indirect.gather [hbm4b:s0+s1], $0x20, s9, s1, $0xb8;
	[tilespmem:$0x11400] =	vst v63  }
0x30: {  	s11 =	simm.s32 $0x600;
	s12 =	simm.s32 $0xD000  }
0x31: {  	[tilespmem:s12], [sflag:$0x1] =	stream.indirect.gather [hbm4b:s0+s1], $0x20, s11, s1, $0xb8;
	[tilespmem:$0x11400] =	vst v63  }
0x32: {  	s13 =	simm.s32 $0x680;
	s14 =	simm.s32 $0xE000  }
0x33: {  	[tilespmem:s14], [sflag:$0x1] =	stream.indirect.gather [hbm4b:s0+s1], $0x20, s13, s1, $0xb8;
	[tilespmem:$0x11400] =	vst v63  }
0x34: {  	s15 =	simm.s32 $0x700;
	s16 =	simm.s32 $0xF000  }
0x35: {  	[tilespmem:s16], [sflag:$0x1] =	stream.indirect.gather [hbm4b:s0+s1], $0x20, s15, s1, $0xb8;
	[tilespmem:$0x11400] =	vst v63  }
0x36: {  	s17 =	simm.s32 $0x780;
	s19 =	simm.s32 $0x10000  }
0x37: {  	[tilespmem:s19], [sflag:$0x1] =	stream.indirect.gather [hbm4b:s0+s1], $0x20, s17, s1, $0xb8;
	[tilespmem:$0x11400] =	vst v63  }
0x38: {  	_ =	swait.ge [sflag:s18], $0x1000  }
0x39: {  	[sflag:s18] =	ssyncset.done $0x0  }
0x3a: {  	[sflag:s18] =	ssyncadd.s32 $0xFFFFF000  }
0x3b: {  	_ =	swait.ge [sflag:s18], $0x1000  }
0x3c: {  	[sflag:s18] =	ssyncset.done $0x0  }
0x3d: {  	[sflag:s18] =	ssyncadd.s32 $0xFFFFF000  }
0x3e: {  	_ =	swait.ge [sflag:s18], $0x1000  }
0x3f: {  	[sflag:s18] =	ssyncset.done $0x0  }
0x40: {  	[sflag:s18] =	ssyncadd.s32 $0xFFFFF000  }
0x41: {  	_ =	swait.ge [sflag:s18], $0x1000  }
0x42: {  	[sflag:s18] =	ssyncset.done $0x0  }
0x43: {  	[sflag:s18] =	ssyncadd.s32 $0xFFFFF000  }
0x44: {  	_ =	swait.ge [sflag:s18], $0x1000  }
0x45: {  	[sflag:s18] =	ssyncset.done $0x0  }
0x46: {  	[sflag:s18] =	ssyncadd.s32 $0xFFFFF000  }
0x47: {  	_ =	swait.ge [sflag:s18], $0x1000  }
0x48: {  	[sflag:s18] =	ssyncset.done $0x0  }
0x49: {  	[sflag:s18] =	ssyncadd.s32 $0xFFFFF000  }
0x4a: {  	_ =	swait.ge [sflag:s18], $0x1000  }
0x4b: {  	[sflag:s18] =	ssyncset.done $0x0  }
0x4c: {  	[sflag:s18] =	ssyncadd.s32 $0xFFFFF000  }
0x4d: {  	_ =	swait.ge [sflag:s18], $0x1000  }
0x4e: {  	[sflag:s18] =	ssyncset.done $0x0  }
0x4f: {  	[sflag:s18] =	ssyncadd.s32 $0xFFFFF000  }
0x50: {  	_ =	swait.ge [sflag:s18], $0x1000  }
0x51: {  	[sflag:s18] =	ssyncset.done $0x0  }
0x52: {  	[sflag:s18] =	ssyncadd.s32 $0xFFFFF000  }
0x53: {  	_ =	swait.ge [sflag:s18], $0x1000  }
0x54: {  	[sflag:s18] =	ssyncset.done $0x0  }
0x55: {  	[sflag:s18] =	ssyncadd.s32 $0xFFFFF000  }
0x56: {  	_ =	swait.ge [sflag:s18], $0x1000  }
0x57: {  	[sflag:s18] =	ssyncset.done $0x0  }
0x58: {  	[sflag:s18] =	ssyncadd.s32 $0xFFFFF000  }
0x59: {  	_ =	swait.ge [sflag:s18], $0x1000  }
0x5a: {  	[sflag:s18] =	ssyncset.done $0x0  }
0x5b: {  	[sflag:s18] =	ssyncadd.s32 $0xFFFFF000  }
0x5c: {  	_ =	swait.ge [sflag:s18], $0x1000  }
0x5d: {  	[sflag:s18] =	ssyncset.done $0x0  }
0x5e: {  	[sflag:s18] =	ssyncadd.s32 $0xFFFFF000  }
0x5f: {  	s30 =	simm.s32 $0x1;
	_ =	swait.ge [sflag:s18], $0x1000  }
0x60: {  	s20 =	simm.s32 $0x0;
	s21 =	simm.s32 $0x0;
	[sflag:s18] =	ssyncset.done $0x0  }
0x61: {  	s26 =	simm.s32 $0x0;
	s4 =	simm.s32 $0x0;
	[sflag:s18] =	ssyncadd.s32 $0xFFFFF000  }
0x62: {  	s8 =	sor.u32 $0x2, s20;
	s9 =	sor.u32 $0x1, s20;
	_ =	swait.ge [sflag:s18], $0x1000  }
0x63: {  	s23 =	sshll.u32 s8, $0xE;
	s31 =	sshll.u32 s9, $0xE;
	[sflag:s18] =	ssyncset.done $0x0  }
0x64: {  	s3 =	sshra.s32 s31, $0x2;
	s0 =	sand.u32 $0x7, s22;
	[sflag:s18] =	ssyncadd.s32 $0xFFFFF000  }
0x65: {  	s1 =	sshra.s32 s23, $0x2;
	s24 =	sshll.u32 s0, $0x9;
	_ =	swait.ge [sflag:s18], $0x1000  }
0x66: {  	s29 =	sor.u32 $0x1000, s1;
	s23 =	sor.u32 $0x1E0, s24;
	[sflag:s18] =	ssyncset.done $0x0  }
0x67: {  	s2 =	sadd.s32 $0x1000, s3;
	s28 =	sor.u32 s23, s29;
	[sflag:s18] =	ssyncadd.s32 $0xFFFFF000  }
0x68: {  	s25 =	sshll.u32 s0, $0x4;
	s1 =	sand.u32 $0x3FFFFE00, s21;
	s3 =	sor.u32 s23, s2;
	v0 =	vld [tilespmem:s28+$0x0]  }
.LBB2_3:
0x69: {  	p0 =	sne.s32 s30, $0x1F;
	s1 =	sor.u32 s25, s1;
	s11 =	sor.u32 $0x1000, s4;
	v1 =	vld [tilespmem:s3+$0x0]  }
0x6a: {  	s31 =	smov.u32 s0;
	v3 =	vld [tilespmem:s1+$0x800];
	s1 =	sor.u32 s23, s11  }
0x6b: {  	s0 =	sor.u32 s24, s11;
	v2 =	vld [tilespmem:s1+$0x0]  }
0x6c: {  	s5 =	sor.u32 $0x20, s24;
	v4 =	vld [tilespmem:s0+$0x0]  }
0x6d: {  	v5 =	vld [tilespmem:s0+$0x10];
	s0 =	sor.u32 s5, s11  }
0x6e: {  	s15 =	sor.u32 $0x40, s24;
	v6 =	vld [tilespmem:s0+$0x0]  }
0x6f: {  	v7 =	vbroadcast v3, $0x0;
	v8 =	vld [tilespmem:s0+$0x10];
	s0 =	sor.u32 s15, s11  }
0x70: {  	s10 =	sor.u32 $0x60, s24;
	v9 =	vld [tilespmem:s0+$0x0]  }
0x71: {  	s4 =	sor.u32 s10, s11;
	v10 =	vbroadcast v3, $0x1;
	v4 =	vmul.f32 v4, v7;
	v11 =	vld [tilespmem:s0+$0x10]  }
0x72: {  	s0 =	sor.u32 $0x80, s24;
	v5 =	vmul.f32 v5, v7;
	v7 =	vld [tilespmem:s4+$0x0]  }
0x73: {  	v12 =	vbroadcast v3, $0x2;
	v4 =	vadd.f32 $0.0e+00, v4;
	v6 =	vmul.f32 v6, v10;
	v13 =	vld [tilespmem:s4+$0x10];
	s4 =	sor.u32 s0, s11  }
0x74: {  	s12 =	sor.u32 $0xA0, s24;
	v5 =	vadd.f32 $0.0e+00, v5;
	v8 =	vmul.f32 v8, v10;
	v10 =	vld [tilespmem:s4+$0x0]  }
0x75: {  	v4 =	vadd.f32 v6, v4;
	v6 =	vmul.f32 v9, v12;
	v9 =	vbroadcast v3, $0x3;
	v14 =	vld [tilespmem:s4+$0x10];
	s4 =	sor.u32 s12, s11  }
0x76: {  	s13 =	sor.u32 $0xC0, s24;
	v5 =	vadd.f32 v8, v5;
	v8 =	vmul.f32 v11, v12;
	v11 =	vld [tilespmem:s4+$0x0]  }
0x77: {  	v4 =	vadd.f32 v6, v4;
	v6 =	vmul.f32 v7, v9;
	v7 =	vbroadcast v3, $0x4;
	v12 =	vld [tilespmem:s4+$0x10];
	s4 =	sor.u32 s13, s11  }
0x78: {  	s14 =	sor.u32 $0xE0, s24;
	v5 =	vadd.f32 v8, v5;
	v8 =	vmul.f32 v13, v9;
	v9 =	vld [tilespmem:s4+$0x0]  }
0x79: {  	v4 =	vadd.f32 v6, v4;
	v6 =	vmul.f32 v10, v7;
	v10 =	vbroadcast v3, $0x5;
	v13 =	vld [tilespmem:s4+$0x10];
	s4 =	sor.u32 s14, s11  }
0x7a: {  	s16 =	sor.u32 $0x100, s24;
	v5 =	vadd.f32 v8, v5;
	v7 =	vmul.f32 v14, v7;
	v8 =	vld [tilespmem:s4+$0x0]  }
0x7b: {  	v4 =	vadd.f32 v6, v4;
	v6 =	vmul.f32 v11, v10;
	v11 =	vbroadcast v3, $0x6;
	v14 =	vld [tilespmem:s4+$0x10];
	s4 =	sor.u32 s16, s11  }
0x7c: {  	s17 =	sor.u32 $0x120, s24;
	v5 =	vadd.f32 v7, v5;
	v7 =	vmul.f32 v12, v10;
	v10 =	vld [tilespmem:s4+$0x0]  }
0x7d: {  	v4 =	vadd.f32 v6, v4;
	v6 =	vmul.f32 v9, v11;
	v9 =	vbroadcast v3, $0x7;
	v12 =	vld [tilespmem:s4+$0x10];
	s4 =	sor.u32 s17, s11  }
0x7e: {  	s19 =	sor.u32 $0x140, s24;
	v5 =	vadd.f32 v7, v5;
	v7 =	vmul.f32 v13, v11;
	v11 =	vld [tilespmem:s4+$0x0]  }
0x7f: {  	s6 =	sor.u32 s19, s11;
	v4 =	vadd.f32 v6, v4;
	v6 =	vmul.f32 v8, v9;
	v8 =	vbroadcast v3, $0x8;
	v13 =	vld [tilespmem:s4+$0x10]  }
0x80: {  	s4 =	sor.u32 $0x160, s24;
	v5 =	vadd.f32 v7, v5;
	v7 =	vmul.f32 v14, v9;
	v9 =	vld [tilespmem:s6+$0x0]  }
0x81: {  	s7 =	sor.u32 s4, s11;
	v4 =	vadd.f32 v6, v4;
	v6 =	vmul.f32 v10, v8;
	v10 =	vbroadcast v3, $0x9;
	v14 =	vld [tilespmem:s6+$0x10]  }
0x82: {  	s6 =	sor.u32 $0x180, s24;
	v5 =	vadd.f32 v7, v5;
	v7 =	vmul.f32 v12, v8;
	v8 =	vld [tilespmem:s7+$0x0]  }
0x83: {  	s21 =	sor.u32 s6, s11;
	v4 =	vadd.f32 v6, v4;
	v6 =	vmul.f32 v11, v10;
	v11 =	vbroadcast v3, $0xA;
	v12 =	vld [tilespmem:s7+$0x10]  }
0x84: {  	s7 =	sor.u32 $0x1A0, s24;
	v5 =	vadd.f32 v7, v5;
	v7 =	vmul.f32 v13, v10;
	v10 =	vld [tilespmem:s21+$0x0]  }
0x85: {  	s20 =	sor.u32 s7, s11;
	v4 =	vadd.f32 v6, v4;
	v6 =	vmul.f32 v9, v11;
	v9 =	vbroadcast v3, $0xB;
	v13 =	vld [tilespmem:s21+$0x10]  }
0x86: {  	s21 =	sor.u32 $0x1C0, s24;
	v5 =	vadd.f32 v7, v5;
	v7 =	vmul.f32 v14, v11;
	v11 =	vld [tilespmem:s20+$0x0]  }
0x87: {  	s9 =	sshll.u32 s9, $0x7;
	s11 =	sor.u32 s21, s11;
	v4 =	vadd.f32 v6, v4;
	v6 =	vmul.f32 v8, v9;
	v8 =	vbroadcast v3, $0xC;
	v14 =	vld [tilespmem:s20+$0x10]  }
0x88: {  	s9 =	sand.u32 $0x3FFFFE80, s9;
	v5 =	vadd.f32 v7, v5;
	v7 =	vmul.f32 v12, v9;
	v9 =	vld [tilespmem:s11+$0x0]  }
0x89: {  	s9 =	sor.u32 s25, s9;
	v12 =	vbroadcast v3, $0xD;
	v6 =	vadd.f32 v6, v4;
	v10 =	vmul.f32 v10, v8;
	v15 =	vld [tilespmem:s11+$0x10]  }
0x8a: {  	v5 =	vadd.f32 v7, v5;
	v7 =	vmul.f32 v13, v8;
	v4 =	vld [tilespmem:s9+$0x800]  }
0x8b: {  	v6 =	vadd.f32 v10, v6;
	v8 =	vmul.f32 v11, v12;
	v10 =	vbroadcast v3, $0xE;
	v11 =	vld [tilespmem:s1+$0x10];
	s1 =	sor.u32 s24, s2  }
0x8c: {  	v5 =	vadd.f32 v7, v5;
	v7 =	vmul.f32 v14, v12;
	v12 =	vld [tilespmem:s1+$0x0]  }
0x8d: {  	v3 =	vbroadcast v3, $0xF;
	v6 =	vadd.f32 v8, v6;
	v8 =	vmul.f32 v9, v10;
	v9 =	vld [tilespmem:s1+$0x10];
	s1 =	sor.u32 s5, s2  }
0x8e: {  	v5 =	vadd.f32 v7, v5;
	v7 =	vmul.f32 v15, v10;
	v10 =	vld [tilespmem:s1+$0x0]  }
0x8f: {  	v2 =	vmul.f32 v2, v3;
	v6 =	vadd.f32 v8, v6;
	v8 =	vbroadcast v4, $0x0;
	v13 =	vld [tilespmem:s1+$0x10];
	s1 =	sor.u32 s15, s2  }
0x90: {  	v5 =	vadd.f32 v7, v5;
	v3 =	vmul.f32 v11, v3;
	v7 =	vld [tilespmem:s1+$0x0]  }
0x91: {  	v11 =	vbroadcast v4, $0x1;
	v2 =	vadd.f32 v2, v6;
	v6 =	vmul.f32 v12, v8;
	v12 =	vld [tilespmem:s1+$0x10];
	s1 =	sor.u32 s10, s2  }
0x92: {  	v3 =	vadd.f32 v3, v5;
	v5 =	vmul.f32 v9, v8;
	v8 =	vld [tilespmem:s1+$0x0]  }
0x93: {  	v9 =	vbroadcast v4, $0x2;
	v2 =	vadd.f32 v6, v2;
	v6 =	vmul.f32 v10, v11;
	v10 =	vld [tilespmem:s1+$0x10];
	s1 =	sor.u32 s0, s2  }
0x94: {  	v3 =	vadd.f32 v5, v3;
	v5 =	vmul.f32 v13, v11;
	v11 =	vld [tilespmem:s1+$0x0]  }
0x95: {  	v2 =	vadd.f32 v6, v2;
	v6 =	vmul.f32 v7, v9;
	v7 =	vbroadcast v4, $0x3;
	v13 =	vld [tilespmem:s1+$0x10];
	s1 =	sor.u32 s12, s2  }
0x96: {  	v3 =	vadd.f32 v5, v3;
	v5 =	vmul.f32 v12, v9;
	v9 =	vld [tilespmem:s1+$0x0]  }
0x97: {  	v2 =	vadd.f32 v6, v2;
	v6 =	vmul.f32 v8, v7;
	v8 =	vbroadcast v4, $0x4;
	v12 =	vld [tilespmem:s1+$0x10];
	s1 =	sor.u32 s13, s2  }
0x98: {  	v3 =	vadd.f32 v5, v3;
	v5 =	vmul.f32 v10, v7;
	v7 =	vld [tilespmem:s1+$0x0]  }
0x99: {  	v10 =	vbroadcast v4, $0x5;
	v2 =	vadd.f32 v6, v2;
	v6 =	vmul.f32 v11, v8;
	v11 =	vld [tilespmem:s1+$0x10];
	s1 =	sor.u32 s14, s2  }
0x9a: {  	v3 =	vadd.f32 v5, v3;
	v5 =	vmul.f32 v13, v8;
	v8 =	vld [tilespmem:s1+$0x0]  }
0x9b: {  	v2 =	vadd.f32 v6, v2;
	v6 =	vmul.f32 v9, v10;
	v9 =	vbroadcast v4, $0x6;
	v13 =	vld [tilespmem:s1+$0x10];
	s1 =	sor.u32 s16, s2  }
0x9c: {  	v3 =	vadd.f32 v5, v3;
	v5 =	vmul.f32 v12, v10;
	v10 =	vld [tilespmem:s1+$0x0]  }
0x9d: {  	v2 =	vadd.f32 v6, v2;
	v6 =	vmul.f32 v7, v9;
	v7 =	vbroadcast v4, $0x7;
	v12 =	vld [tilespmem:s1+$0x10];
	s1 =	sor.u32 s17, s2  }
0x9e: {  	v3 =	vadd.f32 v5, v3;
	v5 =	vmul.f32 v11, v9;
	v9 =	vld [tilespmem:s1+$0x0]  }
0x9f: {  	v2 =	vadd.f32 v6, v2;
	v6 =	vmul.f32 v8, v7;
	v8 =	vbroadcast v4, $0x8;
	v11 =	vld [tilespmem:s1+$0x10];
	s1 =	sor.u32 s19, s2  }
0xa0: {  	v3 =	vadd.f32 v5, v3;
	v5 =	vmul.f32 v13, v7;
	v7 =	vld [tilespmem:s1+$0x0]  }
0xa1: {  	v2 =	vadd.f32 v6, v2;
	v6 =	vmul.f32 v10, v8;
	v10 =	vbroadcast v4, $0x9;
	v13 =	vld [tilespmem:s1+$0x10];
	s1 =	sor.u32 s4, s2  }
0xa2: {  	v3 =	vadd.f32 v5, v3;
	v5 =	vmul.f32 v12, v8;
	v8 =	vld [tilespmem:s1+$0x0]  }
0xa3: {  	v2 =	vadd.f32 v6, v2;
	v6 =	vmul.f32 v9, v10;
	v9 =	vbroadcast v4, $0xA;
	v12 =	vld [tilespmem:s1+$0x10];
	s1 =	sor.u32 s6, s2  }
0xa4: {  	v3 =	vadd.f32 v5, v3;
	v5 =	vmul.f32 v11, v10;
	v10 =	vld [tilespmem:s1+$0x0]  }
0xa5: {  	v2 =	vadd.f32 v6, v2;
	v6 =	vmul.f32 v7, v9;
	v7 =	vbroadcast v4, $0xB;
	v11 =	vld [tilespmem:s1+$0x10];
	s1 =	sor.u32 s7, s2  }
0xa6: {  	v3 =	vadd.f32 v5, v3;
	v5 =	vmul.f32 v13, v9;
	v9 =	vld [tilespmem:s1+$0x0]  }
0xa7: {  	v2 =	vadd.f32 v6, v2;
	v6 =	vmul.f32 v8, v7;
	v8 =	vbroadcast v4, $0xC;
	v13 =	vld [tilespmem:s1+$0x10];
	s1 =	sor.u32 s21, s2;
	s2 =	sshll.u32 s8, $0x7  }
0xa8: {  	v3 =	vadd.f32 v5, v3;
	v5 =	vmul.f32 v12, v7;
	v7 =	vld [tilespmem:s1+$0x0];
	s2 =	sand.u32 $0x3FFFFF00, s2  }
0xa9: {  	v12 =	vbroadcast v4, $0xD;
	v6 =	vadd.f32 v6, v2;
	v10 =	vmul.f32 v10, v8;
	v14 =	vld [tilespmem:s1+$0x10];
	s1 =	sor.u32 s25, s2  }
0xaa: {  	v3 =	vadd.f32 v5, v3;
	v5 =	vmul.f32 v11, v8;
	v2 =	vld [tilespmem:s1+$0x800]  }
0xab: {  	s1 =	sor.u32 s24, s29;
	v6 =	vadd.f32 v10, v6;
	v8 =	vmul.f32 v9, v12;
	v9 =	vbroadcast v4, $0xE;
	v10 =	vld [tilespmem:s3+$0x10]  }
0xac: {  	v3 =	vadd.f32 v5, v3;
	v5 =	vmul.f32 v13, v12;
	v11 =	vld [tilespmem:s1+$0x0]  }
0xad: {  	v4 =	vbroadcast v4, $0xF;
	v6 =	vadd.f32 v8, v6;
	v7 =	vmul.f32 v7, v9;
	v8 =	vld [tilespmem:s1+$0x10];
	s1 =	sor.u32 s5, s29  }
0xae: {  	v3 =	vadd.f32 v5, v3;
	v5 =	vmul.f32 v14, v9;
	v9 =	vld [tilespmem:s1+$0x0]  }
0xaf: {  	v1 =	vmul.f32 v1, v4;
	v6 =	vadd.f32 v7, v6;
	v7 =	vbroadcast v2, $0x0;
	v12 =	vld [tilespmem:s1+$0x10];
	s1 =	sor.u32 s15, s29  }
0xb0: {  	v3 =	vadd.f32 v5, v3;
	v4 =	vmul.f32 v10, v4;
	v5 =	vld [tilespmem:s1+$0x0]  }
0xb1: {  	v10 =	vbroadcast v2, $0x1;
	v1 =	vadd.f32 v1, v6;
	v6 =	vmul.f32 v11, v7;
	v11 =	vld [tilespmem:s1+$0x10];
	s1 =	sor.u32 s10, s29  }
0xb2: {  	v3 =	vadd.f32 v4, v3;
	v4 =	vmul.f32 v8, v7;
	v7 =	vld [tilespmem:s1+$0x0]  }
0xb3: {  	v8 =	vbroadcast v2, $0x2;
	v1 =	vadd.f32 v6, v1;
	v6 =	vmul.f32 v9, v10;
	v9 =	vld [tilespmem:s1+$0x10];
	s1 =	sor.u32 s0, s29  }
0xb4: {  	v3 =	vadd.f32 v4, v3;
	v4 =	vmul.f32 v12, v10;
	v10 =	vld [tilespmem:s1+$0x0]  }
0xb5: {  	v1 =	vadd.f32 v6, v1;
	v5 =	vmul.f32 v5, v8;
	v6 =	vbroadcast v2, $0x3;
	v12 =	vld [tilespmem:s1+$0x10];
	s1 =	sor.u32 s12, s29  }
0xb6: {  	v3 =	vadd.f32 v4, v3;
	v4 =	vmul.f32 v11, v8;
	v8 =	vld [tilespmem:s1+$0x0]  }
0xb7: {  	v1 =	vadd.f32 v5, v1;
	v5 =	vmul.f32 v7, v6;
	v7 =	vbroadcast v2, $0x4;
	v11 =	vld [tilespmem:s1+$0x10];
	s1 =	sor.u32 s13, s29  }
0xb8: {  	v3 =	vadd.f32 v4, v3;
	v4 =	vmul.f32 v9, v6;
	v6 =	vld [tilespmem:s1+$0x0]  }
0xb9: {  	v9 =	vbroadcast v2, $0x5;
	v1 =	vadd.f32 v5, v1;
	v5 =	vmul.f32 v10, v7;
	v10 =	vld [tilespmem:s1+$0x10];
	s1 =	sor.u32 s14, s29  }
0xba: {  	v3 =	vadd.f32 v4, v3;
	v4 =	vmul.f32 v12, v7;
	v7 =	vld [tilespmem:s1+$0x0]  }
0xbb: {  	v1 =	vadd.f32 v5, v1;
	v5 =	vmul.f32 v8, v9;
	v8 =	vbroadcast v2, $0x6;
	v12 =	vld [tilespmem:s1+$0x10];
	s1 =	sor.u32 s16, s29  }
0xbc: {  	v3 =	vadd.f32 v4, v3;
	v4 =	vmul.f32 v11, v9;
	v9 =	vld [tilespmem:s1+$0x0]  }
0xbd: {  	v1 =	vadd.f32 v5, v1;
	v5 =	vmul.f32 v6, v8;
	v6 =	vbroadcast v2, $0x7;
	v11 =	vld [tilespmem:s1+$0x10];
	s1 =	sor.u32 s17, s29  }
0xbe: {  	v3 =	vadd.f32 v4, v3;
	v4 =	vmul.f32 v10, v8;
	v8 =	vld [tilespmem:s1+$0x0]  }
0xbf: {  	v1 =	vadd.f32 v5, v1;
	v5 =	vmul.f32 v7, v6;
	v7 =	vbroadcast v2, $0x8;
	v10 =	vld [tilespmem:s1+$0x10];
	s1 =	sor.u32 s19, s29  }
0xc0: {  	v3 =	vadd.f32 v4, v3;
	v4 =	vmul.f32 v12, v6;
	v6 =	vld [tilespmem:s1+$0x0]  }
0xc1: {  	v1 =	vadd.f32 v5, v1;
	v5 =	vmul.f32 v9, v7;
	v9 =	vbroadcast v2, $0x9;
	v12 =	vld [tilespmem:s1+$0x10];
	s1 =	sor.u32 s4, s29  }
0xc2: {  	v3 =	vadd.f32 v4, v3;
	v4 =	vmul.f32 v11, v7;
	v7 =	vld [tilespmem:s1+$0x0]  }
0xc3: {  	v1 =	vadd.f32 v5, v1;
	v5 =	vmul.f32 v8, v9;
	v8 =	vbroadcast v2, $0xA;
	v11 =	vld [tilespmem:s1+$0x10];
	s1 =	sor.u32 s6, s29  }
0xc4: {  	v3 =	vadd.f32 v4, v3;
	v4 =	vmul.f32 v10, v9;
	v9 =	vld [tilespmem:s1+$0x0]  }
0xc5: {  	v1 =	vadd.f32 v5, v1;
	v5 =	vmul.f32 v6, v8;
	v6 =	vbroadcast v2, $0xB;
	v10 =	vld [tilespmem:s1+$0x10];
	s1 =	sor.u32 s7, s29  }
0xc6: {  	s2 =	sshllo.u32 s26, $0x2;
	v3 =	vadd.f32 v4, v3;
	v4 =	vmul.f32 v12, v8;
	v8 =	vld [tilespmem:s1+$0x0]  }
0xc7: {  	s3 =	sshll.u32 s2, $0x7;
	v1 =	vadd.f32 v5, v1;
	v5 =	vmul.f32 v7, v6;
	v7 =	vbroadcast v2, $0xC;
	v12 =	vld [tilespmem:s1+$0x10];
	s1 =	sor.u32 s21, s29  }
0xc8: {  	s2 =	sshll.u32 s2, $0xE;
	s3 =	sand.u32 $0x3FFFFF80, s3;
	v3 =	vadd.f32 v4, v3;
	v4 =	vmul.f32 v11, v6;
	v6 =	vld [tilespmem:s1+$0x0]  }
0xc9: {  	s2 =	sshra.s32 s2, $0x2;
	v11 =	vbroadcast v2, $0xD;
	v5 =	vadd.f32 v5, v1;
	v9 =	vmul.f32 v9, v7;
	v13 =	vld [tilespmem:s1+$0x10];
	s1 =	sor.u32 s25, s3  }
0xca: {  	v3 =	vadd.f32 v4, v3;
	v4 =	vmul.f32 v10, v7;
	v1 =	vld [tilespmem:s1+$0x800];
	s1 =	sadd.s32 $0x1000, s2  }
0xcb: {  	v5 =	vadd.f32 v9, v5;
	v7 =	vmul.f32 v8, v11;
	v8 =	vbroadcast v2, $0xE;
	v9 =	vld [tilespmem:s28+$0x10];
	s2 =	sor.u32 s24, s1  }
0xcc: {  	v3 =	vadd.f32 v4, v3;
	v4 =	vmul.f32 v12, v11;
	v10 =	vld [tilespmem:s2+$0x0]  }
0xcd: {  	v2 =	vbroadcast v2, $0xF;
	v5 =	vadd.f32 v7, v5;
	v6 =	vmul.f32 v6, v8;
	v7 =	vld [tilespmem:s2+$0x10];
	s2 =	sor.u32 s5, s1  }
0xce: {  	v3 =	vadd.f32 v4, v3;
	v4 =	vmul.f32 v13, v8;
	v8 =	vld [tilespmem:s2+$0x0]  }
0xcf: {  	v0 =	vmul.f32 v0, v2;
	v5 =	vadd.f32 v6, v5;
	v6 =	vbroadcast v1, $0x0;
	v11 =	vld [tilespmem:s2+$0x10];
	s2 =	sor.u32 s15, s1  }
0xd0: {  	v3 =	vadd.f32 v4, v3;
	v2 =	vmul.f32 v9, v2;
	v4 =	vld [tilespmem:s2+$0x0]  }
0xd1: {  	v9 =	vbroadcast v1, $0x1;
	v0 =	vadd.f32 v0, v5;
	v5 =	vmul.f32 v10, v6;
	v10 =	vld [tilespmem:s2+$0x10];
	s2 =	sor.u32 s10, s1  }
0xd2: {  	v2 =	vadd.f32 v2, v3;
	v3 =	vmul.f32 v7, v6;
	v6 =	vld [tilespmem:s2+$0x0]  }
0xd3: {  	s0 =	sor.u32 s0, s1;
	v7 =	vbroadcast v1, $0x2;
	v0 =	vadd.f32 v5, v0;
	v5 =	vmul.f32 v8, v9;
	v8 =	vld [tilespmem:s2+$0x10]  }
0xd4: {  	v2 =	vadd.f32 v3, v2;
	v3 =	vmul.f32 v11, v9;
	v9 =	vld [tilespmem:s0+$0x0]  }
0xd5: {  	v0 =	vadd.f32 v5, v0;
	v4 =	vmul.f32 v4, v7;
	v5 =	vbroadcast v1, $0x3;
	v11 =	vld [tilespmem:s0+$0x10];
	s0 =	sor.u32 s12, s1  }
0xd6: {  	v2 =	vadd.f32 v3, v2;
	v3 =	vmul.f32 v10, v7;
	v7 =	vld [tilespmem:s0+$0x0]  }
0xd7: {  	v0 =	vadd.f32 v4, v0;
	v4 =	vmul.f32 v6, v5;
	v6 =	vbroadcast v1, $0x4;
	v10 =	vld [tilespmem:s0+$0x10];
	s0 =	sor.u32 s13, s1  }
0xd8: {  	v2 =	vadd.f32 v3, v2;
	v3 =	vmul.f32 v8, v5;
	v5 =	vld [tilespmem:s0+$0x0]  }
0xd9: {  	v8 =	vbroadcast v1, $0x5;
	v0 =	vadd.f32 v4, v0;
	v4 =	vmul.f32 v9, v6;
	v9 =	vld [tilespmem:s0+$0x10];
	s0 =	sor.u32 s14, s1  }
0xda: {  	v2 =	vadd.f32 v3, v2;
	v3 =	vmul.f32 v11, v6;
	v6 =	vld [tilespmem:s0+$0x0]  }
0xdb: {  	v0 =	vadd.f32 v4, v0;
	v4 =	vmul.f32 v7, v8;
	v7 =	vbroadcast v1, $0x6;
	v11 =	vld [tilespmem:s0+$0x10];
	s0 =	sor.u32 s16, s1  }
0xdc: {  	v2 =	vadd.f32 v3, v2;
	v3 =	vmul.f32 v10, v8;
	v8 =	vld [tilespmem:s0+$0x0]  }
0xdd: {  	v0 =	vadd.f32 v4, v0;
	v4 =	vmul.f32 v5, v7;
	v5 =	vbroadcast v1, $0x7;
	v10 =	vld [tilespmem:s0+$0x10];
	s0 =	sor.u32 s17, s1  }
0xde: {  	v2 =	vadd.f32 v3, v2;
	v3 =	vmul.f32 v9, v7;
	v7 =	vld [tilespmem:s0+$0x0]  }
0xdf: {  	v0 =	vadd.f32 v4, v0;
	v4 =	vmul.f32 v6, v5;
	v6 =	vbroadcast v1, $0x8;
	v9 =	vld [tilespmem:s0+$0x10];
	s0 =	sor.u32 s19, s1  }
0xe0: {  	v2 =	vadd.f32 v3, v2;
	v3 =	vmul.f32 v11, v5;
	v5 =	vld [tilespmem:s0+$0x0]  }
0xe1: {  	v0 =	vadd.f32 v4, v0;
	v4 =	vmul.f32 v8, v6;
	v8 =	vbroadcast v1, $0x9;
	v11 =	vld [tilespmem:s0+$0x10];
	s0 =	sor.u32 s4, s1  }
0xe2: {  	v2 =	vadd.f32 v3, v2;
	v3 =	vmul.f32 v10, v6;
	v6 =	vld [tilespmem:s0+$0x0]  }
0xe3: {  	v0 =	vadd.f32 v4, v0;
	v4 =	vmul.f32 v7, v8;
	v7 =	vbroadcast v1, $0xA;
	v10 =	vld [tilespmem:s0+$0x10];
	s0 =	sor.u32 s6, s1  }
0xe4: {  	v2 =	vadd.f32 v3, v2;
	v3 =	vmul.f32 v9, v8;
	v8 =	vld [tilespmem:s0+$0x0]  }
0xe5: {  	v0 =	vadd.f32 v4, v0;
	v4 =	vmul.f32 v5, v7;
	v5 =	vbroadcast v1, $0xB;
	v9 =	vld [tilespmem:s0+$0x10];
	s0 =	sor.u32 s7, s1  }
0xe6: {  	v2 =	vadd.f32 v3, v2;
	v3 =	vmul.f32 v11, v7;
	v7 =	vld [tilespmem:s0+$0x0]  }
0xe7: {  	v0 =	vadd.f32 v4, v0;
	v4 =	vmul.f32 v6, v5;
	v6 =	vbroadcast v1, $0xC;
	v11 =	vld [tilespmem:s0+$0x10];
	s0 =	sor.u32 s21, s1  }
0xe8: {  	v2 =	vadd.f32 v3, v2;
	v3 =	vmul.f32 v10, v5;
	v5 =	vld [tilespmem:s0+$0x0]  }
0xe9: {  	v0 =	vadd.f32 v4, v0;
	v4 =	vmul.f32 v8, v6;
	v8 =	vbroadcast v1, $0xD;
	v10 =	vld [tilespmem:s0+$0x10];
	s0 =	sor.u32 s23, s1  }
0xea: {  	v2 =	vadd.f32 v3, v2;
	v3 =	vmul.f32 v9, v6;
	v6 =	vld [tilespmem:s0+$0x0]  }
0xeb: {  	v0 =	vadd.f32 v4, v0;
	v4 =	vmul.f32 v7, v8;
	v7 =	vbroadcast v1, $0xE;
	v9 =	vld [tilespmem:s0+$0x10]  }
0xec: {  	s26 =	sshrl.u32 s30, $0x3;
	v2 =	vadd.f32 v3, v2;
	v3 =	vmul.f32 v11, v8  }
0xed: {  	s2 =	sshll.u32 s30, $0x6;
	s1 =	sshll.u32 s22, $0x5;
	s22 =	smov.u32 s30;
	v1 =	vbroadcast v1, $0xF;
	v0 =	vadd.f32 v4, v0;
	v4 =	vmul.f32 v5, v7  }
0xee: {  	s4 =	sshll.u32 s26, $0x2;
	s3 =	sand.u32 $0x3FFFFF00, s1;
	s0 =	sand.u32 $0x7, s30;
	v2 =	vadd.f32 v3, v2;
	v3 =	vmul.f32 v10, v7  }
0xef: {  	s5 =	sshll.u32 s31, $0x5;
	s8 =	sor.u32 $0x2, s4;
	s24 =	sshll.u32 s0, $0x9;
	v0 =	vadd.f32 v4, v0;
	v4 =	vmul.f32 v6, v1  }
0xf0: {  	s9 =	sor.u32 $0x1, s4;
	s1 =	sand.u32 $0x3FFFFE00, s2;
	s25 =	sshll.u32 s0, $0x4;
	v2 =	vadd.f32 v3, v2;
	v1 =	vmul.f32 v9, v1  }
.Ltmp0:
0xf1: {  	s2 =	sshll.u32 s8, $0xE;
	s3 =	sor.u32 s5, s3;
	v0 =	vadd.f32 v4, v0;
	(pc) =	sbr.rel @p0 .LBB2_3-.Ltmp0, $4  }
0xf2: {  	s4 =	sshll.u32 s9, $0xE;
	s2 =	sshra.s32 s2, $0x2;
	s23 =	sor.u32 $0x1E0, s24;
	v1 =	vadd.f32 v1, v2  }
0xf3: {  	s4 =	sshra.s32 s4, $0x2;
	s29 =	sor.u32 $0x1000, s2;
	s5 =	sadd.s32 $0x11000, s3;
	[tilespmem:s3+$0x11000] =	vst v0  }
0xf4: {  	s2 =	sadd.s32 $0x1000, s4;
	s28 =	sor.u32 s23, s29;
	s3 =	sshll.u32 s26, $0x10;
	[tilespmem:s5+$0x10] =	vst v1  }
0xf5: {  	s30 =	sadd.s32 $0x1, s30;
	s4 =	sshra.s32 s3, $0x2;
	s3 =	sor.u32 s23, s2;
	v0 =	vld [tilespmem:s28+$0x0]  }
0xf6: {  	s5 =	sor.u32 s25, s1;
	s1 =	sor.u32 $0x1000, s4  }
0xf7: {  	v1 =	vld [tilespmem:s5+$0x800];
	s4 =	sor.u32 s24, s1  }
0xf8: {  	s30 =	sor.u32 $0x20, s24;
	v2 =	vld [tilespmem:s4+$0x0]  }
0xf9: {  	s13 =	sor.u32 s30, s1;
	v3 =	vld [tilespmem:s4+$0x10]  }
0xfa: {  	s17 =	sor.u32 $0x40, s24;
	v4 =	vld [tilespmem:s13+$0x0]  }
0xfb: {  	s14 =	sor.u32 s17, s1;
	v5 =	vld [tilespmem:s13+$0x10]  }
0xfc: {  	s12 =	sor.u32 $0x60, s24;
	v6 =	vld [tilespmem:s14+$0x0]  }
0xfd: {  	s15 =	sor.u32 s12, s1;
	v8 =	vld [tilespmem:s14+$0x10];
	v7 =	vbroadcast v1, $0x0  }
0xfe: {  	s5 =	sor.u32 $0x80, s24;
	v9 =	vld [tilespmem:s15+$0x0]  }
0xff: {  	v11 =	vld [tilespmem:s15+$0x10];
	s6 =	sor.u32 s5, s1;
	v10 =	vbroadcast v1, $0x1;
	v2 =	vmul.f32 v2, v7  }
0x100: {  	s4 =	sor.u32 $0xA0, s24;
	v22 =	vld [tilespmem:s6+$0x0];
	v3 =	vmul.f32 v3, v7  }
0x101: {  	v13 =	vld [tilespmem:s6+$0x10];
	s7 =	sor.u32 s4, s1;
	v12 =	vbroadcast v1, $0x2;
	v4 =	vmul.f32 v4, v10;
	v2 =	vadd.f32 $0.0e+00, v2  }
0x102: {  	s13 =	sor.u32 $0x120, s24;
	v23 =	vld [tilespmem:s7+$0x0];
	v5 =	vmul.f32 v5, v10;
	v3 =	vadd.f32 $0.0e+00, v3  }
0x103: {  	s19 =	sor.u32 s13, s1;
	v14 =	vld [tilespmem:s7+$0x10];
	v25 =	vbroadcast v1, $0x3;
	v24 =	vmul.f32 v6, v12;
	v2 =	vadd.f32 v4, v2  }
0x104: {  	s6 =	sor.u32 $0xC0, s24;
	v42 =	vld [tilespmem:s19+$0x0];
	v26 =	vmul.f32 v8, v12;
	v3 =	vadd.f32 v5, v3  }
0x105: {  	s10 =	sor.u32 s6, s1;
	v45 =	vld [tilespmem:s19+$0x10];
	v29 =	vbroadcast v1, $0x4;
	v28 =	vmul.f32 v9, v25;
	v2 =	vadd.f32 v24, v2  }
0x106: {  	s7 =	sor.u32 $0xE0, s24;
	v27 =	vld [tilespmem:s10+$0x0];
	v31 =	vmul.f32 v11, v25;
	v3 =	vadd.f32 v26, v3  }
0x107: {  	v30 =	vld [tilespmem:s10+$0x10];
	s11 =	sor.u32 s7, s1;
	v34 =	vbroadcast v1, $0x5;
	v33 =	vmul.f32 v22, v29;
	v2 =	vadd.f32 v28, v2  }
0x108: {  	s10 =	sor.u32 $0x100, s24;
	v32 =	vld [tilespmem:s11+$0x0];
	v36 =	vmul.f32 v13, v29;
	v3 =	vadd.f32 v31, v3  }
0x109: {  	v35 =	vld [tilespmem:s11+$0x10];
	s16 =	sor.u32 s10, s1;
	v39 =	vbroadcast v1, $0x6;
	v38 =	vmul.f32 v23, v34;
	v2 =	vadd.f32 v33, v2  }
0x10a: {  	s14 =	sor.u32 $0x140, s24;
	v37 =	vld [tilespmem:s16+$0x0];
	v41 =	vmul.f32 v14, v34;
	v3 =	vadd.f32 v36, v3  }
0x10b: {  	s20 =	sor.u32 s14, s1;
	v44 =	vbroadcast v1, $0x7;
	v40 =	vld [tilespmem:s16+$0x10];
	v43 =	vmul.f32 v27, v39;
	v2 =	vadd.f32 v38, v2  }
0x10c: {  	s15 =	sor.u32 $0x160, s24;
	v47 =	vld [tilespmem:s20+$0x0];
	v46 =	vmul.f32 v30, v39;
	v3 =	vadd.f32 v41, v3  }
0x10d: {  	s21 =	sor.u32 s15, s1;
	v50 =	vld [tilespmem:s20+$0x10];
	v49 =	vbroadcast v1, $0x8;
	v48 =	vmul.f32 v32, v44;
	v2 =	vadd.f32 v43, v2  }
0x10e: {  	v52 =	vld [tilespmem:s21+$0x0];
	s19 =	sor.u32 $0x1A0, s24;
	v51 =	vmul.f32 v35, v44;
	v3 =	vadd.f32 v46, v3  }
0x10f: {  	v53 =	vld [tilespmem:s21+$0x10];
	s20 =	sor.u32 s19, s1;
	v55 =	vbroadcast v1, $0x9;
	v54 =	vmul.f32 v37, v49;
	v2 =	vadd.f32 v48, v2  }
0x110: {  	v62 =	vld [tilespmem:s20+$0x0];
	s16 =	sor.u32 $0x180, s24;
	v56 =	vmul.f32 v40, v49;
	v3 =	vadd.f32 v51, v3  }
0x111: {  	v60 =	vbroadcast v1, $0xA;
	v63 =	vld [tilespmem:s20+$0x10];
	s31 =	sor.u32 s16, s1;
	v59 =	vmul.f32 v42, v55;
	v2 =	vadd.f32 v54, v2  }
0x112: {  	v57 =	vld [tilespmem:s31+$0x0];
	v61 =	vmul.f32 v45, v55;
	v3 =	vadd.f32 v56, v3  }
0x113: {  	s21 =	sor.u32 $0x1C0, s24;
	v18 =	vbroadcast v1, $0xB;
	s11 =	sor.u32 s30, s2;
	v58 =	vld [tilespmem:s31+$0x10];
	v17 =	vmul.f32 v47, v60;
	v2 =	vadd.f32 v59, v2  }
0x114: {  	s31 =	sor.u32 s21, s1;
	v19 =	vmul.f32 v50, v60;
	v34 =	vld [tilespmem:s11+$0x10];
	v3 =	vadd.f32 v61, v3  }
0x115: {  	s9 =	sshll.u32 s9, $0x7;
	v15 =	vbroadcast v1, $0xC;
	v8 =	vmul.f32 v52, v18;
	v20 =	vld [tilespmem:s31+$0x0];
	v4 =	vadd.f32 v17, v2  }
0x116: {  	s9 =	sand.u32 $0x3FFFFE80, s9;
	s1 =	sor.u32 s23, s1;
	v22 =	vmul.f32 v53, v18;
	v21 =	vld [tilespmem:s31+$0x10];
	v3 =	vadd.f32 v19, v3  }
0x117: {  	s9 =	sor.u32 s25, s9;
	v23 =	vld [tilespmem:s1+$0x0];
	v6 =	vmul.f32 v57, v15;
	v24 =	vbroadcast v1, $0xD;
	v4 =	vadd.f32 v8, v4  }
0x118: {  	v26 =	vmul.f32 v58, v15;
	v2 =	vld [tilespmem:s9+$0x800];
	v3 =	vadd.f32 v22, v3  }
0x119: {  	v25 =	vld [tilespmem:s1+$0x10];
	v27 =	vmul.f32 v62, v24;
	v28 =	vbroadcast v1, $0xE;
	s9 =	sor.u32 s24, s2;
	v4 =	vadd.f32 v6, v4  }
0x11a: {  	v31 =	vmul.f32 v63, v24;
	v29 =	vld [tilespmem:s9+$0x0];
	v3 =	vadd.f32 v26, v3  }
0x11b: {  	v1 =	vbroadcast v1, $0xF;
	v32 =	vmul.f32 v20, v28;
	v30 =	vld [tilespmem:s9+$0x10];
	v4 =	vadd.f32 v27, v4  }
0x11c: {  	s20 =	sor.u32 s17, s2;
	v33 =	vld [tilespmem:s11+$0x0];
	v35 =	vmul.f32 v21, v28;
	v3 =	vadd.f32 v31, v3  }
0x11d: {  	v39 =	vld [tilespmem:s20+$0x10];
	v36 =	vmul.f32 v23, v1;
	v37 =	vbroadcast v2, $0x0;
	v4 =	vadd.f32 v32, v4  }
0x11e: {  	s31 =	sor.u32 s12, s2;
	v1 =	vmul.f32 v25, v1;
	v38 =	vld [tilespmem:s20+$0x0];
	v3 =	vadd.f32 v35, v3  }
0x11f: {  	v42 =	vld [tilespmem:s31+$0x0];
	s11 =	sor.u32 s4, s2;
	v41 =	vbroadcast v2, $0x1;
	v40 =	vmul.f32 v29, v37;
	v4 =	vadd.f32 v36, v4  }
0x120: {  	v52 =	vld [tilespmem:s11+$0x0];
	v44 =	vmul.f32 v30, v37;
	v1 =	vadd.f32 v1, v3  }
0x121: {  	v43 =	vld [tilespmem:s31+$0x10];
	s9 =	sor.u32 s5, s2;
	v46 =	vbroadcast v2, $0x2;
	v45 =	vmul.f32 v33, v41;
	v4 =	vadd.f32 v40, v4  }
0x122: {  	v47 =	vld [tilespmem:s9+$0x0];
	v49 =	vmul.f32 v34, v41;
	v1 =	vadd.f32 v44, v1  }
0x123: {  	v48 =	vld [tilespmem:s9+$0x10];
	v51 =	vbroadcast v2, $0x3;
	v50 =	vmul.f32 v38, v46;
	v4 =	vadd.f32 v45, v4  }
0x124: {  	v53 =	vld [tilespmem:s11+$0x10];
	s11 =	sor.u32 s13, s2;
	v54 =	vmul.f32 v39, v46;
	v1 =	vadd.f32 v49, v1  }
0x125: {  	s20 =	sor.u32 s6, s2;
	v24 =	vld [tilespmem:s11+$0x0];
	v56 =	vbroadcast v2, $0x4;
	v55 =	vmul.f32 v42, v51;
	v4 =	vadd.f32 v50, v4  }
0x126: {  	v57 =	vld [tilespmem:s20+$0x0];
	v59 =	vmul.f32 v43, v51;
	v1 =	vadd.f32 v54, v1  }
0x127: {  	v58 =	vld [tilespmem:s20+$0x10];
	s31 =	sor.u32 s7, s2;
	v61 =	vbroadcast v2, $0x5;
	v60 =	vmul.f32 v47, v56;
	v4 =	vadd.f32 v55, v4  }
0x128: {  	v62 =	vld [tilespmem:s31+$0x0];
	v16 =	vmul.f32 v48, v56;
	v1 =	vadd.f32 v59, v1  }
0x129: {  	v63 =	vld [tilespmem:s31+$0x10];
	s9 =	sor.u32 s10, s2;
	v18 =	vbroadcast v2, $0x6;
	v17 =	vmul.f32 v52, v61;
	v4 =	vadd.f32 v60, v4  }
0x12a: {  	v19 =	vld [tilespmem:s9+$0x0];
	v21 =	vmul.f32 v53, v61;
	v1 =	vadd.f32 v16, v1  }
0x12b: {  	v20 =	vld [tilespmem:s9+$0x10];
	v23 =	vbroadcast v2, $0x7;
	v22 =	vmul.f32 v57, v18;
	v4 =	vadd.f32 v17, v4  }
0x12c: {  	v25 =	vld [tilespmem:s11+$0x10];
	s20 =	sor.u32 s14, s2;
	v26 =	vmul.f32 v58, v18;
	v1 =	vadd.f32 v21, v1  }
0x12d: {  	v28 =	vbroadcast v2, $0x8;
	v27 =	vmul.f32 v62, v23;
	v29 =	vld [tilespmem:s20+$0x0];
	v4 =	vadd.f32 v22, v4  }
0x12e: {  	s31 =	sor.u32 s15, s2;
	v30 =	vld [tilespmem:s20+$0x10];
	v31 =	vmul.f32 v63, v23;
	v1 =	vadd.f32 v26, v1  }
0x12f: {  	s9 =	sor.u32 s16, s2;
	v33 =	vbroadcast v2, $0x9;
	v34 =	vld [tilespmem:s31+$0x0];
	v32 =	vmul.f32 v19, v28;
	v4 =	vadd.f32 v27, v4  }
0x130: {  	v39 =	vld [tilespmem:s9+$0x0];
	v36 =	vmul.f32 v20, v28;
	v1 =	vadd.f32 v31, v1  }
0x131: {  	v38 =	vbroadcast v2, $0xA;
	v35 =	vld [tilespmem:s31+$0x10];
	v37 =	vmul.f32 v24, v33;
	v4 =	vadd.f32 v32, v4  }
0x132: {  	v53 =	vld [tilespmem:s3+$0x0];
	v41 =	vmul.f32 v25, v33;
	v1 =	vadd.f32 v36, v1  }
0x133: {  	s11 =	sor.u32 s19, s2;
	v43 =	vbroadcast v2, $0xB;
	v40 =	vld [tilespmem:s9+$0x10];
	v42 =	vmul.f32 v29, v38;
	v4 =	vadd.f32 v37, v4  }
0x134: {  	v44 =	vld [tilespmem:s11+$0x0];
	v46 =	vmul.f32 v30, v38;
	v1 =	vadd.f32 v41, v1  }
0x135: {  	s20 =	sor.u32 s21, s2;
	v48 =	vbroadcast v2, $0xC;
	s31 =	sshll.u32 s8, $0x7;
	v47 =	vmul.f32 v34, v43;
	v45 =	vld [tilespmem:s11+$0x10];
	v4 =	vadd.f32 v42, v4  }
0x136: {  	s2 =	sand.u32 $0x3FFFFF00, s31;
	v6 =	vmul.f32 v35, v43;
	v49 =	vld [tilespmem:s20+$0x0];
	v3 =	vadd.f32 v46, v1  }
0x137: {  	v52 =	vbroadcast v2, $0xD;
	s8 =	sor.u32 s25, s2;
	v51 =	vmul.f32 v39, v48;
	v50 =	vld [tilespmem:s20+$0x10];
	v4 =	vadd.f32 v47, v4  }
0x138: {  	v54 =	vmul.f32 v40, v48;
	v1 =	vld [tilespmem:s8+$0x800];
	v3 =	vadd.f32 v6, v3  }
0x139: {  	v56 =	vbroadcast v2, $0xE;
	v57 =	vld [tilespmem:s3+$0x10];
	s9 =	sor.u32 s24, s29;
	v55 =	vmul.f32 v44, v52;
	v4 =	vadd.f32 v51, v4  }
0x13a: {  	v59 =	vld [tilespmem:s9+$0x0];
	v58 =	vmul.f32 v45, v52;
	v3 =	vadd.f32 v54, v3  }
0x13b: {  	v2 =	vbroadcast v2, $0xF;
	v61 =	vld [tilespmem:s9+$0x10];
	s11 =	sor.u32 s30, s29;
	v60 =	vmul.f32 v49, v56;
	v4 =	vadd.f32 v55, v4  }
0x13c: {  	v63 =	vld [tilespmem:s11+$0x0];
	v62 =	vmul.f32 v50, v56;
	v3 =	vadd.f32 v58, v3  }
0x13d: {  	v18 =	vld [tilespmem:s11+$0x10];
	s20 =	sor.u32 s17, s29;
	v16 =	vmul.f32 v53, v2;
	v17 =	vbroadcast v1, $0x0;
	v4 =	vadd.f32 v60, v4  }
0x13e: {  	v19 =	vld [tilespmem:s20+$0x0];
	v2 =	vmul.f32 v57, v2;
	v3 =	vadd.f32 v62, v3  }
0x13f: {  	s31 =	sor.u32 s12, s29;
	v22 =	vld [tilespmem:s20+$0x10];
	v21 =	vbroadcast v1, $0x1;
	v20 =	vmul.f32 v59, v17;
	v4 =	vadd.f32 v16, v4  }
0x140: {  	v24 =	vld [tilespmem:s31+$0x0];
	v23 =	vmul.f32 v61, v17;
	v2 =	vadd.f32 v2, v3  }
0x141: {  	s2 =	sor.u32 s5, s29;
	v27 =	vld [tilespmem:s31+$0x10];
	v26 =	vbroadcast v1, $0x2;
	v25 =	vmul.f32 v63, v21;
	v4 =	vadd.f32 v20, v4  }
0x142: {  	v29 =	vld [tilespmem:s2+$0x0];
	v28 =	vmul.f32 v18, v21;
	v2 =	vadd.f32 v23, v2  }
0x143: {  	s3 =	sor.u32 s4, s29;
	v32 =	vld [tilespmem:s2+$0x10];
	v31 =	vbroadcast v1, $0x3;
	v30 =	vmul.f32 v19, v26;
	v4 =	vadd.f32 v25, v4  }
0x144: {  	v34 =	vld [tilespmem:s3+$0x0];
	v33 =	vmul.f32 v22, v26;
	v2 =	vadd.f32 v28, v2  }
0x145: {  	v37 =	vld [tilespmem:s3+$0x10];
	s8 =	sor.u32 s6, s29;
	v36 =	vbroadcast v1, $0x4;
	v35 =	vmul.f32 v24, v31;
	v4 =	vadd.f32 v30, v4  }
0x146: {  	v39 =	vld [tilespmem:s8+$0x0];
	v38 =	vmul.f32 v27, v31;
	v2 =	vadd.f32 v33, v2  }
0x147: {  	s9 =	sor.u32 s7, s29;
	v42 =	vld [tilespmem:s8+$0x10];
	v41 =	vbroadcast v1, $0x5;
	v40 =	vmul.f32 v29, v36;
	v4 =	vadd.f32 v35, v4  }
0x148: {  	v44 =	vld [tilespmem:s9+$0x0];
	v43 =	vmul.f32 v32, v36;
	v2 =	vadd.f32 v38, v2  }
0x149: {  	s11 =	sor.u32 s10, s29;
	v47 =	vld [tilespmem:s9+$0x10];
	v46 =	vbroadcast v1, $0x6;
	v45 =	vmul.f32 v34, v41;
	v4 =	vadd.f32 v40, v4  }
0x14a: {  	v49 =	vld [tilespmem:s11+$0x0];
	v48 =	vmul.f32 v37, v41;
	v2 =	vadd.f32 v43, v2  }
0x14b: {  	v52 =	vld [tilespmem:s11+$0x10];
	s20 =	sor.u32 s13, s29;
	v51 =	vbroadcast v1, $0x7;
	v50 =	vmul.f32 v39, v46;
	v4 =	vadd.f32 v45, v4  }
0x14c: {  	v54 =	vld [tilespmem:s20+$0x0];
	v53 =	vmul.f32 v42, v46;
	v2 =	vadd.f32 v48, v2  }
0x14d: {  	v57 =	vld [tilespmem:s20+$0x10];
	s31 =	sor.u32 s14, s29;
	v56 =	vbroadcast v1, $0x8;
	v55 =	vmul.f32 v44, v51;
	v4 =	vadd.f32 v50, v4  }
0x14e: {  	v58 =	vmul.f32 v47, v51;
	v59 =	vld [tilespmem:s31+$0x0];
	v2 =	vadd.f32 v53, v2  }
0x14f: {  	s2 =	sor.u32 s15, s29;
	v61 =	vbroadcast v1, $0x9;
	v60 =	vmul.f32 v49, v56;
	v62 =	vld [tilespmem:s31+$0x10];
	v4 =	vadd.f32 v55, v4  }
0x150: {  	v13 =	vld [tilespmem:s2+$0x0];
	v63 =	vmul.f32 v52, v56;
	v2 =	vadd.f32 v58, v2  }
0x151: {  	s3 =	sor.u32 s16, s29;
	v15 =	vbroadcast v1, $0xA;
	v14 =	vmul.f32 v54, v61;
	v16 =	vld [tilespmem:s2+$0x10];
	v4 =	vadd.f32 v60, v4  }
0x152: {  	v18 =	vld [tilespmem:s3+$0x0];
	v17 =	vmul.f32 v57, v61;
	v2 =	vadd.f32 v63, v2  }
0x153: {  	s8 =	sor.u32 s19, s29;
	v21 =	vld [tilespmem:s3+$0x10];
	v19 =	vmul.f32 v59, v15;
	v20 =	vbroadcast v1, $0xB;
	v4 =	vadd.f32 v14, v4  }
0x154: {  	s9 =	sshllo.u32 s26, $0x2;
	v23 =	vld [tilespmem:s8+$0x0];
	v22 =	vmul.f32 v62, v15;
	v2 =	vadd.f32 v17, v2  }
0x155: {  	s11 =	sor.u32 s21, s29;
	s20 =	sshll.u32 s9, $0x7;
	v26 =	vld [tilespmem:s8+$0x10];
	v24 =	vmul.f32 v13, v20;
	v25 =	vbroadcast v1, $0xC;
	v4 =	vadd.f32 v19, v4  }
0x156: {  	v27 =	vld [tilespmem:s11+$0x0];
	s3 =	sand.u32 $0x3FFFFF80, s20;
	s2 =	sshll.u32 s9, $0xE;
	v6 =	vmul.f32 v16, v20;
	v3 =	vadd.f32 v22, v2  }
0x157: {  	s26 =	sor.u32 s25, s3;
	s2 =	sshra.s32 s2, $0x2;
	v28 =	vld [tilespmem:s11+$0x10];
	v29 =	vmul.f32 v18, v25;
	v30 =	vbroadcast v1, $0xD;
	v4 =	vadd.f32 v24, v4  }
0x158: {  	s29 =	sadd.s32 $0x1000, s2;
	v31 =	vmul.f32 v21, v25;
	v2 =	vld [tilespmem:s26+$0x800];
	v3 =	vadd.f32 v6, v3  }
0x159: {  	v32 =	vld [tilespmem:s28+$0x10];
	v34 =	vbroadcast v1, $0xE;
	s2 =	sor.u32 s24, s29;
	v33 =	vmul.f32 v23, v30;
	v4 =	vadd.f32 v29, v4  }
0x15a: {  	v36 =	vld [tilespmem:s2+$0x0];
	v35 =	vmul.f32 v26, v30;
	v3 =	vadd.f32 v31, v3  }
0x15b: {  	s30 =	sor.u32 s30, s29;
	v37 =	vld [tilespmem:s2+$0x10];
	v1 =	vbroadcast v1, $0xF;
	v38 =	vmul.f32 v27, v34;
	v4 =	vadd.f32 v33, v4  }
0x15c: {  	v39 =	vmul.f32 v28, v34;
	v40 =	vld [tilespmem:s30+$0x0];
	v3 =	vadd.f32 v35, v3  }
0x15d: {  	s31 =	sor.u32 s17, s29;
	v41 =	vld [tilespmem:s30+$0x10];
	v0 =	vmul.f32 v0, v1;
	v42 =	vbroadcast v2, $0x0;
	v4 =	vadd.f32 v38, v4  }
0x15e: {  	v1 =	vmul.f32 v32, v1;
	v43 =	vld [tilespmem:s31+$0x0];
	v3 =	vadd.f32 v39, v3  }
0x15f: {  	s3 =	sor.u32 s12, s29;
	v44 =	vld [tilespmem:s31+$0x10];
	v46 =	vbroadcast v2, $0x1;
	v45 =	vmul.f32 v36, v42;
	v0 =	vadd.f32 v0, v4  }
0x160: {  	v48 =	vld [tilespmem:s3+$0x0];
	v47 =	vmul.f32 v37, v42;
	v1 =	vadd.f32 v1, v3  }
0x161: {  	s5 =	sor.u32 s5, s29;
	v49 =	vld [tilespmem:s3+$0x10];
	v51 =	vbroadcast v2, $0x2;
	v50 =	vmul.f32 v40, v46;
	v0 =	vadd.f32 v45, v0  }
0x162: {  	v53 =	vld [tilespmem:s5+$0x0];
	v52 =	vmul.f32 v41, v46;
	v1 =	vadd.f32 v47, v1  }
0x163: {  	s8 =	sor.u32 s4, s29;
	v54 =	vld [tilespmem:s5+$0x10];
	v56 =	vbroadcast v2, $0x3;
	v55 =	vmul.f32 v43, v51;
	v0 =	vadd.f32 v50, v0  }
0x164: {  	v58 =	vld [tilespmem:s8+$0x0];
	v57 =	vmul.f32 v44, v51;
	v1 =	vadd.f32 v52, v1  }
0x165: {  	s9 =	sor.u32 s6, s29;
	v59 =	vld [tilespmem:s8+$0x10];
	v61 =	vbroadcast v2, $0x4;
	v60 =	vmul.f32 v48, v56;
	v0 =	vadd.f32 v55, v0  }
0x166: {  	v63 =	vld [tilespmem:s9+$0x0];
	v62 =	vmul.f32 v49, v56;
	v1 =	vadd.f32 v57, v1  }
0x167: {  	v12 =	vld [tilespmem:s9+$0x10];
	s11 =	sor.u32 s7, s29;
	v14 =	vbroadcast v2, $0x5;
	v13 =	vmul.f32 v53, v61;
	v0 =	vadd.f32 v60, v0  }
0x168: {  	v16 =	vld [tilespmem:s11+$0x0];
	v15 =	vmul.f32 v54, v61;
	v1 =	vadd.f32 v62, v1  }
0x169: {  	s12 =	sor.u32 s10, s29;
	v17 =	vld [tilespmem:s11+$0x10];
	v19 =	vbroadcast v2, $0x6;
	v18 =	vmul.f32 v58, v14;
	v0 =	vadd.f32 v13, v0  }
0x16a: {  	v21 =	vld [tilespmem:s12+$0x0];
	v20 =	vmul.f32 v59, v14;
	v1 =	vadd.f32 v15, v1  }
0x16b: {  	s13 =	sor.u32 s13, s29;
	v22 =	vld [tilespmem:s12+$0x10];
	v24 =	vbroadcast v2, $0x7;
	v23 =	vmul.f32 v63, v19;
	v0 =	vadd.f32 v18, v0  }
0x16c: {  	v26 =	vld [tilespmem:s13+$0x0];
	v25 =	vmul.f32 v12, v19;
	v1 =	vadd.f32 v20, v1  }
0x16d: {  	s14 =	sor.u32 s14, s29;
	v27 =	vld [tilespmem:s13+$0x10];
	v29 =	vbroadcast v2, $0x8;
	v28 =	vmul.f32 v16, v24;
	v0 =	vadd.f32 v23, v0  }
0x16e: {  	v31 =	vld [tilespmem:s14+$0x0];
	v30 =	vmul.f32 v17, v24;
	v1 =	vadd.f32 v25, v1  }
0x16f: {  	s15 =	sor.u32 s15, s29;
	v32 =	vld [tilespmem:s14+$0x10];
	v34 =	vbroadcast v2, $0x9;
	v33 =	vmul.f32 v21, v29;
	v0 =	vadd.f32 v28, v0  }
0x170: {  	v35 =	vmul.f32 v22, v29;
	v36 =	vld [tilespmem:s15+$0x0];
	v1 =	vadd.f32 v30, v1  }
0x171: {  	s17 =	sor.u32 s16, s29;
	v37 =	vld [tilespmem:s15+$0x10];
	v38 =	vmul.f32 v26, v34;
	v39 =	vbroadcast v2, $0xA;
	v0 =	vadd.f32 v33, v0  }
0x172: {  	v40 =	vmul.f32 v27, v34;
	v41 =	vld [tilespmem:s17+$0x0];
	v1 =	vadd.f32 v35, v1  }
0x173: {  	s20 =	sor.u32 s19, s29;
	v42 =	vld [tilespmem:s17+$0x10];
	v44 =	vbroadcast v2, $0xB;
	v43 =	vmul.f32 v31, v39;
	v0 =	vadd.f32 v38, v0  }
0x174: {  	v46 =	vld [tilespmem:s20+$0x0];
	v45 =	vmul.f32 v32, v39;
	v1 =	vadd.f32 v40, v1  }
0x175: {  	s24 =	sor.u32 s21, s29;
	v49 =	vbroadcast v2, $0xC;
	v47 =	vld [tilespmem:s20+$0x10];
	v48 =	vmul.f32 v36, v44;
	v0 =	vadd.f32 v43, v0  }
0x176: {  	v51 =	vld [tilespmem:s24+$0x0];
	v50 =	vmul.f32 v37, v44;
	v1 =	vadd.f32 v45, v1  }
0x177: {  	s1 =	sor.u32 s23, s29;
	v54 =	vbroadcast v2, $0xD;
	v53 =	vmul.f32 v41, v49;
	v52 =	vld [tilespmem:s24+$0x10];
	v0 =	vadd.f32 v48, v0  }
0x178: {  	v56 =	vld [tilespmem:s1+$0x0];
	v55 =	vmul.f32 v42, v49;
	v1 =	vadd.f32 v50, v1  }
0x179: {  	v59 =	vbroadcast v2, $0xE;
	v58 =	vmul.f32 v46, v54;
	v57 =	vld [tilespmem:s1+$0x10];
	v0 =	vadd.f32 v53, v0  }
0x17a: {  	v60 =	vmul.f32 v47, v54;
	v1 =	vadd.f32 v55, v1  }
0x17b: {  	v2 =	vbroadcast v2, $0xF;
	v61 =	vmul.f32 v51, v59;
	v0 =	vadd.f32 v58, v0  }
0x17c: {  	v62 =	vmul.f32 v52, v59;
	v1 =	vadd.f32 v60, v1  }
0x17d: {  	v63 =	vmul.f32 v56, v2;
	v0 =	vadd.f32 v61, v0  }
0x17e: {  	s25 =	sshll.u32 s22, $0x5;
	v2 =	vmul.f32 v57, v2;
	v1 =	vadd.f32 v62, v1  }
0x17f: {  	s0 =	sshll.u32 s0, $0x5;
	s28 =	rddreg [dreg:$0x5];
	s1 =	sand.u32 $0x3FFFFF00, s25;
	v0 =	vadd.f32 v63, v0  }
0x180: {  	s26 =	rddreg [dreg:$0xa];
	s0 =	sor.u32 s0, s1;
	v1 =	vadd.f32 v2, v1  }
0x181: {  	s29 =	simm.s32 $0x0;
	s1 =	sshll.u32 s26, $0x5;
	[tilespmem:s0+$0x11000] =	vst v0;
	s0 =	sadd.s32 $0x11000, s0  }
0x182: {  	s2 =	simm.s32 $0x2;
	s30 =	simm.s32 $0x11000;
	[tilespmem:s0+$0x10] =	vst v1;
	s0 =	sadd.s32 s28, s1  }
0x183: {  	[hbm4b:s0+s29] =	stream.linear.scatter [tilespmem:s30], [sflag:$0x2], $0x400, $0x38;
	[tilespmem:$0x11400] =	vst v63  }
0x184: {  	_ =	swait.ge [sflag:s2], $0x400  }
0x185: {  	s31 =	rddreg [dreg:$0x9]  }
0x186: {  	s0 =	sadd.s32 $0x1, s31  }
0x187: {  	p0 =	sne.s32 s0, $0xAA  }
.Ltmp1:
0x188: {  	_ = 	snop;
	(pc) =	sbr.rel @p0 .LBB2_2-.Ltmp1, $3  }
0x189: {  	_ =	sdelay $0x1  }
0x18a: {  	[sflag:s2] =	ssyncset.done $0x0  }
0x18b: {  	[sflag:s2] =	ssyncadd.s32 $0xFFFFFC00  }
0x18c: {  	s1 =	rddreg [dreg:$0x8]  }
0x18d: {  	s0 =	rddreg [dreg:$0x7];
	s1 =	sadd.s32 $0x1, s1  }
0x18e: {  	p0 =	sne.s32 s1, s0  }
.Ltmp2:
0x18f: {  	_ = 	snop;
	(pc) =	sbr.rel @p0 .LBB2_1-.Ltmp2, $1  }
0x190: {  	_ =	sdelay $0x3  }
0x191: {  	_ =	sfence.sel $0x180000  }
0x192: {  	[bflag:$0x0] =	sbarrier.arrive $0xFFFF  }
0x193: {  	_ =	strace $0x9000004D  }
0x194: {  	s0 =	stileid.u32;
	[bflag:$0x2] =	sbarrier.arrive $0xFFFF  }
0x195: {  	p0 =	sne.s32 s0, $0x0;
	s0 =	rddreg [dreg:$0x2]  }
0x196: {  	s0 =	sadd.s32 @!p0 $0x100000, s0  }
0x197: {  	[sflag:s0] =	ssyncadd.tile.s32 @!p0 $0x1;
	_ =	shalt  }
.Lfunc_end2:
_tile_overlayer_lowered:
.L_overlay_start_2:
0x198: {  	(tag) =	ssettag $0x2  }
0x199: {  	s0 =	rddreg [dreg:$0x0];
	s2 =	stileid.u32  }
0x19a: {  	s1 =	rddreg [dreg:$0x1];
	p0 =	sne.s32 s2, $0x0  }
0x19b: {  	s3 =	rddreg [dreg:$0x2];
	[bflag:$0x3] =	sbarrier.arrive $0xFFFF;
	s2 =	simm.s32 @!p0 $0x1C02  }
0x19c: {  	[timem:s3], [sflag:s2] =	dma.local @!p0 [hbm:s0], s1  }
0x19d: {  	s0 =	simm.s32 @!p0 $0x2  }
0x19e: {  	_ =	swait.ge @!p0 [sflag:s0], s1  }
0x19f: {  	s1 =	ssub.s32 @!p0 $0x0, s1;
	[sflag:s0] =	ssyncset.done @!p0 $0x0  }
0x1a0: {  	[sflag:s0] =	ssyncadd.s32 @!p0 s1  }
0x1a1: {  	[bflag:$0x3] =	sbarrier.arrive $0xFFFF  }
0x1a2: {  	_ =	shalt  }

// kernel: sparse-core-data-format-call.1.cloned.1.call-start
scs
called_computation.1_lowered:
.L_overlay_start_0:
0x0: {  	s1 =	sld [smem:$0x3FD9]  }
0x1: {  	s2 =	sld [smem:$0x3FFE];
	_ =	sdelay $0x1  }
0x2: {  	s3 =	srdreg.scid  }
0x3: {  	s0 =	sand.u32 $0x1, s3  }
0x4: {  	s17 =	sshll.u32 s0, $0xA;
	s1 =	sadd.s32 s2, s1  }
0x5: {  	s1 =	sadd.s32 s1, s17  }
0x6: {  	[smem:$0x3FBD] =	sst s1  }
0x7: {  	_ = 	snop  }
0x8: {  	(tm) =	ssettm $0x1  }
0x9: {  	s18 =	sld [smem:$0x3FFB];
	_ =	sdelay $0x3  }
0xa: {  	_ =	strace s18  }
0xb: {  	s1 =	sld [smem:$0x3FFC];
	_ =	sdelay $0x3  }
0xc: {  	_ =	strace s1  }
0xd: {  	s1 =	sld [smem:$0x3FFD];
	_ =	sdelay $0x3  }
0xe: {  	_ =	strace s1  }
0xf: {  	_ =	strace $0x8FFFFFFF  }
0x10: {  	s19 =	sld [smem:$0x3FDB];
	_ =	sdelay $0x1  }
0x11: {  	s20 =	simm.s32 $_scs_section_size  }
0x12: {  	s4 =	simm.s32 $_size__tile_overlayer_lowered;
	s5 =	simm.s32 $_tile_overlayer_lowered  }
0x13: {  	s23 =	simm.s32 $0x1BFF;
	s22 =	sshll.u32 s5, $0x1;
	s1 =	sadd.s32 s20, s19  }
0x14: {  	s6 =	simm.s32 $0x0;
	s21 =	sshll.u32 s4, $0x1;
	s4 =	sadd.s32 s22, s1  }
0x15: {  	[timem:s6], [sflag:s23] =	dma.local [hbm:s4], s21  }
0x16: {  	_ =	swait.ge [sflag:s23], s21  }
0x17: {  	s2 =	ssub.s32 $0x0, s21;
	[sflag:s23] =	ssyncset.done $0x0  }
0x18: {  	[sflag:s23] =	ssyncadd.s32 s2;
	_ =	sdelay $0x1  }
0x19: {  	s24 =	simm.s32 $0x1B8B  }
0x1a: {  	_ =	swait.ge [sflag:s24], $0x1  }
0x1b: {  	[sflag:s24] =	ssyncset.done $0x0  }
0x1c: {  	s26 =	simm.s32 $0x1B8E;
	s25 =	sld [smem:$0x3FFE];
	[sflag:s24] =	ssyncadd.s32 $0xFFFFFFFF  }
0x1d: {  	s27 =	simm.s32 $execute0_lowered;
	[smem:$0x3FD2] =	sst s26  }
0x1e: {  	s4 =	sshll.u32 s27, $0x1;
	_ =	strace $0x80000046;
	[dreg:$0x1] =	wrdreg $0xFFFFFFFF  }
0x1f: {  	s28 =	simm.s32 $_size_execute0_lowered;
	s1 =	sadd.s32 s1, s4;
	[dreg:$0x0] =	wrdreg $0x0  }
0x20: {  	s4 =	sshll.u32 s28, $0x1;
	[dreg:$0x2] =	wrdreg s1  }
0x21: {  	[dreg:$0x3] =	wrdreg s4  }
0x22: {  	[dreg:$0x4] =	wrdreg $0xC0  }
0x23: {  	_ =	task [dreg:s6], $0x5FFFF  }
0x24: {  	[dreg:$0x1] =	wrdreg $0xFFFFFFFF  }
0x25: {  	[dreg:$0x0] =	wrdreg $0x60  }
0x26: {  	[dreg:$0x2] =	wrdreg s25  }
0x27: {  	[dreg:$0x3] =	wrdreg $0xA  }
0x28: {  	_ =	task.clear_ibuf [dreg:s6], $0x4FFFF;
	_ =	strace $0x90000046  }
0x29: {  	s29 =	simm.s32 $0xA;
	_ =	strace $0x80000048  }
0x2a: {  	_ =	swait.ge [sflag:s29], $0x1  }
0x2b: {  	[sflag:s29] =	ssyncadd.s32 $0xFFFFFFFF  }
0x2c: {  	_ =	strace $0x90000048  }
0x2d: {  	_ =	sfence  }
0x2e: {  	s30 =	sld [smem:$0x0];
	_ =	sdelay $0x2  }
0x2f: {  	s31 =	sshll.u32 s3, $0xD;
	s3 =	sshrl.u32 s3, $0x2  }
0x30: {  	s2 =	sand.u32 $0x4000, s31;
	s1 =	sadd.s32 s3, s30  }
0x31: {  	s0 =	sor.u32 s2, s0;
	s1 =	sshll.u32 s1, $0x11  }
0x32: {  	s0 =	sor.u32 s1, s0  }
0x33: {  	s0 =	sadd.s32 $0x8F2B, s0  }
0x34: {  	[sflag:s0] =	ssyncadd.remote.s32 $0x1  }
0x35: {  	_ =	sfence.sel $0xFFFF  }
0x36: {  	[dreg:$0x0] =	wrdreg $0xFFFFFFFF;
	(pc) =	sbr.abs _section_cstart, $3  }
0x37: {  	[dreg:$0x1] =	wrdreg $0xFFFFFFFF  }
0x38: {  	_ =	task.clear_ibuf [dreg:s6], $0x2FFFF;
	_ =	strace $0x9FFFFFFF  }
0x39: {  	(tm) =	ssettm $0x7FFFFFFF  }
tec
execute0_lowered:
.L_overlay_start_1:
0x0: {  	(tag) =	ssettag $0x1  }
0x1: {  	s0 =	srdreg.scid  }
0x2: {  	s1 =	sshll.u32 s0, $0x4  }
0x3: {  	s4 =	rddreg [dreg:$0x0];
	s0 =	stileid.u32;
	s1 =	sand.u32 $0x10, s1  }
0x4: {  	s7 =	simm.s32 $0x1;
	s8 =	simm.s32 $0x2;
	s1 =	sor.u32 s0, s1  }
0x5: {  	s9 =	simm.s32 $0x0;
	s12 =	simm.s32 $0x0;
	s2 =	sshll.u32 s1, $0x2  }
0x6: {  	s11 =	simm.s32 $0x0;
	s3 =	sadd.s32 $0x57200, s4;
	s6 =	ssub.s32 $0xAA0, s2  }
.Ltmp0:
0x7: {  	s4 =	sadd.s32 $0x2FF200, s4;
	s5 =	sand.u32 $0x7C, s6;
	(pc) =	sbr.rel .LBB1_1-.Ltmp0, $4  }
0x8: {  	s1 =	rddreg [dreg:$0x1];
	_ =	strace $0x80000047;
	p0 =	sne.s32 s5, $0x0  }
0x9: {  	s6 =	sshrl.u32 s6, $0x7;
	s5 =	simm.s32 $0x1;
	s7 =	simm.s32 @!p0 $0x0  }
0xa: {  	s10 =	smov.u32 s2;
	[sflag:s5] =	ssyncpa.u1 $0x0;
	s6 =	sadd.s32 s7, s6  }
0xb: {  	[sflag:s8] =	ssyncpa.u1 $0x0;
	s8 =	simm.s32 $0x0;
	s7 =	sadd.s32 $0x1, s6  }
.LBB1_9:
0xc: {  	s14 =	sadd.s32 $0x80, s10  }
0xd: {  	p1 =	sgt.s32 s14, $0xA9F  }
0xe: {  	s14 =	smov.u32 @p1 s2;
	p1 =	sne.s32 s11, s7  }
.Ltmp1:
0xf: {  	p0 =	slt.u32 s11, $0x2;
	(pc) =	sbr.rel @!p1 .LBB1_10-.Ltmp1, $4  }
0x10: {  	s13 =	simm.s32 @!p0 $0x2  }
0x11: {  	s15 =	sadd.s32 $0x1, s11;
	_ =	swait.ge @!p0 [sflag:s13], $0x4000  }
0x12: {  	s12 =	smov.u32 s10;
	s9 =	sadd.s32 $0x4000, s9;
	[sflag:s13] =	ssyncset.done @!p0 $0x0  }
0x13: {  	s11 =	smov.u32 s15;
	s10 =	smov.u32 s14;
	[sflag:s13] =	ssyncadd.s32 @!p0 $0xFFFFC000  }
.LBB1_1:
0x14: {  	p0 =	sge.u32 s11, s6  }
0x15: {  	s13 =	sxor.u32 @!p0 $0xFFFFFFFF, s11  }
0x16: {  	s31 =	sadd.s32 $0xFFFFFFFF, s11;
	s14 =	sshll.u32 @!p0 s10, $0x9;
	s13 =	sshll.u32 @!p0 s13, $0xE  }
0x17: {  	s15 =	simm.s32 @!p0 $0x0;
	s14 =	sadd.s32 @!p0 s3, s14;
	s13 =	sand.u32 @!p0 $0x4000, s13  }
0x18: {  	[tilespmem:s13], [sflag:$0x1] =	stream.linear.gather @!p0 [hbm4b:s14+s15], $0x4000, $0x38;
	[tilespmem:$0x10000] =	vst v63  }
0x19: {  	p0 =	sge.u32 s31, s6  }
.Ltmp2:
0x1a: {  	_ = 	snop;
	(pc) =	sbr.rel @p0 .LBB1_9-.Ltmp2, $1  }
0x1b: {  	_ =	sdelay $0x3  }
0x1c: {  	s14 =	sand.u32 $0x4000, s9  }
0x1d: {  	_ =	swait.ge [sflag:s5], $0x4000;
	s15 =	sshll.u32 s11, $0xE;
	s16 =	simm.s32 $0x0  }
0x1e: {  	s13 =	sor.u32 $0x40, s14;
	[sflag:s5] =	ssyncset.done $0x0;
	s15 =	sand.u32 $0x4000, s15  }
0x1f: {  	s14 =	sor.u32 $0x8040, s14;
	[sflag:s5] =	ssyncadd.s32 $0xFFFFC000;
	s15 =	sor.u32 $0x8000, s15  }
.LBB1_3:
0x20: {  	s17 =	smov.u32 s14;
	s18 =	smov.u32 s13;
	s19 =	simm.s32 $0x0  }
.LBB1_4:
0x21: {  	v0 =	vmov s17;
	v2 =	vld [tilespmem:s18+$0x30]  }
0x22: {  	v4 =	vld [tilespmem:s18+$0xFFFFFFD0]  }
0x23: {  	v6 =	vld [tilespmem:s18+$0xFFFFFFE0]  }
0x24: {  	v7 =	vld [tilespmem:s18+$0xFFFFFFF0]  }
0x25: {  	s20 =	simm.s32 $0x0;
	v1 =	vld [tilespmem:s18+$0x0]  }
0x26: {  	v3 =	vld [tilespmem:s18+$0x10];
	[tilespmem:v0+s20+$0x30 ss:$0x1] =	vst.idx.msk $0xffff, v2  }
0x27: {  	v5 =	vld [tilespmem:s18+$0x20];
	[tilespmem:v0+s20+$0xFFFFFFD0 ss:$0x1] =	vst.idx.msk $0xffff, v4  }
0x28: {  	s21 =	sadd.s32 $0x80, s18;
	v2 =	vld [tilespmem:s18+$0xFFFFFFC0];
	[tilespmem:v0+s20+$0xFFFFFFE0 ss:$0x1] =	vst.idx.msk $0xffff, v6  }
0x29: {  	s22 =	simm.s32 $0x800;
	s23 =	simm.s32 $0x1000;
	v4 =	vld [tilespmem:s21+$0x30];
	[tilespmem:v0+s20+$0xFFFFFFF0 ss:$0x1] =	vst.idx.msk $0xffff, v7  }
.LBB1_5:
0x2a: {  	p0 =	sne.s32 s23, $0x3800;
	v6 =	vld [tilespmem:s21+$0xFFFFFFD0];
	[tilespmem:v0+s20+$0x0 ss:$0x1] =	vst.idx.msk $0xffff, v1  }
0x2b: {  	v7 =	vld [tilespmem:s21+$0xFFFFFFE0];
	[tilespmem:v0+s20+$0x10 ss:$0x1] =	vst.idx.msk $0xffff, v3  }
0x2c: {  	v8 =	vld [tilespmem:s21+$0xFFFFFFF0];
	[tilespmem:v0+s20+$0x20 ss:$0x1] =	vst.idx.msk $0xffff, v5  }
.Ltmp3:
0x2d: {  	v1 =	vld [tilespmem:s21+$0x0];
	[tilespmem:v0+s20+$0xFFFFFFC0 ss:$0x1] =	vst.idx.msk $0xffff, v2;
	s20 =	sshra.s32 s22, $0x2;
	s22 =	smov.u32 s23;
	(pc) =	sbr.rel @p0 .LBB1_5-.Ltmp3, $4  }
0x2e: {  	v3 =	vld [tilespmem:s21+$0x10];
	[tilespmem:v0+s20+$0x30 ss:$0x1] =	vst.idx.msk $0xffff, v4  }
0x2f: {  	[tilespmem:v0+s20+$0xFFFFFFD0 ss:$0x1] =	vst.idx.msk $0xffff, v6;
	v5 =	vld [tilespmem:s21+$0x20]  }
0x30: {  	v2 =	vld [tilespmem:s21+$0xFFFFFFC0];
	[tilespmem:v0+s20+$0xFFFFFFE0 ss:$0x1] =	vst.idx.msk $0xffff, v7;
	s21 =	sadd.s32 $0x80, s21  }
0x31: {  	s23 =	sadd.s32 $0x800, s23;
	v4 =	vld [tilespmem:s21+$0x30];
	[tilespmem:v0+s20+$0xFFFFFFF0 ss:$0x1] =	vst.idx.msk $0xffff, v8  }
0x32: {  	_ =	sdelay $0x3  }
0x33: {  	v6 =	vld [tilespmem:s21+$0xFFFFFFD0];
	[tilespmem:v0+s20+$0x0 ss:$0x1] =	vst.idx.msk $0xffff, v1  }
0x34: {  	v58 =	vld [tilespmem:s21+$0xFFFFFFE0];
	[tilespmem:v0+s20+$0x10 ss:$0x1] =	vst.idx.msk $0xffff, v3  }
0x35: {  	v59 =	vld [tilespmem:s21+$0xFFFFFFF0];
	[tilespmem:v0+s20+$0x20 ss:$0x1] =	vst.idx.msk $0xffff, v5  }
0x36: {  	s22 =	sshra.s32 s22, $0x2;
	v60 =	vld [tilespmem:s21+$0x0];
	[tilespmem:v0+s20+$0xFFFFFFC0 ss:$0x1] =	vst.idx.msk $0xffff, v2  }
0x37: {  	v61 =	vld [tilespmem:s21+$0x10];
	[tilespmem:v0+s22+$0x30 ss:$0x1] =	vst.idx.msk $0xffff, v4  }
0x38: {  	v62 =	vld [tilespmem:s21+$0x20];
	s19 =	sadd.s32 $0x1, s19;
	[tilespmem:v0+s22+$0xFFFFFFD0 ss:$0x1] =	vst.idx.msk $0xffff, v6  }
0x39: {  	v63 =	vld [tilespmem:s21+$0xFFFFFFC0];
	p0 =	sne.s32 s19, $0x4;
	[tilespmem:v0+s22+$0xFFFFFFE0 ss:$0x1] =	vst.idx.msk $0xffff, v58  }
.Ltmp4:
0x3a: {  	[tilespmem:v0+s22+$0xFFFFFFF0 ss:$0x1] =	vst.idx.msk $0xffff, v59;
	(pc) =	sbr.rel @p0 .LBB1_4-.Ltmp4, $4  }
0x3b: {  	[tilespmem:v0+s22+$0x0 ss:$0x1] =	vst.idx.msk $0xffff, v60  }
0x3c: {  	[tilespmem:v0+s22+$0x10 ss:$0x1] =	vst.idx.msk $0xffff, v61  }
0x3d: {  	[tilespmem:v0+s22+$0x20 ss:$0x1] =	vst.idx.msk $0xffff, v62  }
0x3e: {  	s18 =	sadd.s32 $0x400, s18;
	s17 =	sadd.s32 $0x80, s17;
	[tilespmem:v0+s22+$0xFFFFFFC0 ss:$0x1] =	vst.idx.msk $0xffff, v63  }
0x3f: {  	s16 =	sadd.s32 $0x1, s16  }
0x40: {  	p0 =	sne.s32 s16, $0x4  }
.Ltmp5:
0x41: {  	_ = 	snop;
	(pc) =	sbr.rel @p0 .LBB1_3-.Ltmp5, $2  }
0x42: {  	_ =	sdelay $0x2  }
0x43: {  	s13 =	sadd.s32 $0x1000, s13;
	s14 =	sadd.s32 $0x1000, s14  }
.Ltmp6:
0x44: {  	(pc) =	sbr.rel .LBB1_9-.Ltmp6, $4  }
0x45: {  	_ = 	snop  }
0x46: {  	s12 =	sshll.u32 s12, $0x9  }
0x47: {  	s12 =	sadd.s32 s4, s12  }
0x48: {  	[hbm4b:s12+s8] =	stream.linear.scatter [tilespmem:s15], [sflag:$0x2], $0x4000, $0x38;
	[tilespmem:$0x10000] =	vst v63  }
.LBB1_10:
0x49: {  	_ =	sfence.sel $0x180000  }
0x4a: {  	s2 =	simm.s32 $0x1;
	[bflag:$0x0] =	sbarrier.arrive $0xFFFF  }
0x4b: {  	s31 =	simm.s32 $0x2;
	[sflag:s2] =	ssyncpa.u1 $0x1  }
0x4c: {  	[sflag:s31] =	ssyncpa.u1 $0x1  }
0x4d: {  	p0 =	sne.s32 s0, $0x0;
	_ =	strace $0x90000047  }
0x4e: {  	s0 =	sadd.s32 @!p0 $0x100000, s1;
	[bflag:$0x2] =	sbarrier.arrive $0xFFFF  }
0x4f: {  	[sflag:s0] =	ssyncadd.tile.s32 @!p0 $0x1;
	_ =	shalt  }
.Lfunc_end1:
_tile_overlayer_lowered:
.L_overlay_start_2:
0x50: {  	(tag) =	ssettag $0x2  }
0x51: {  	s0 =	rddreg [dreg:$0x0];
	s2 =	stileid.u32  }
0x52: {  	s1 =	rddreg [dreg:$0x1];
	p0 =	sne.s32 s2, $0x0  }
0x53: {  	s3 =	rddreg [dreg:$0x2];
	[bflag:$0x3] =	sbarrier.arrive $0xFFFF;
	s2 =	simm.s32 @!p0 $0x1C01  }
0x54: {  	[timem:s3], [sflag:s2] =	dma.local @!p0 [hbm:s0], s1  }
0x55: {  	s0 =	simm.s32 @!p0 $0x1  }
0x56: {  	_ =	swait.ge @!p0 [sflag:s0], s1  }
0x57: {  	s1 =	ssub.s32 @!p0 $0x0, s1;
	[sflag:s0] =	ssyncset.done @!p0 $0x0  }
0x58: {  	[sflag:s0] =	ssyncadd.s32 @!p0 s1  }
0x59: {  	[bflag:$0x3] =	sbarrier.arrive $0xFFFF  }
0x5a: {  	_ =	shalt  }

// kernel: sparse-core-data-format-call.cloned.1.call-start
scs
called_computation_lowered:
.L_overlay_start_0:
0x0: {  	s2 =	sld [smem:$0x3FD9]  }
0x1: {  	s3 =	sld [smem:$0x3FFE];
	_ =	sdelay $0x1  }
0x2: {  	s1 =	srdreg.scid  }
0x3: {  	s0 =	sand.u32 $0x1, s1  }
0x4: {  	s18 =	sshll.u32 s0, $0xA;
	s2 =	sadd.s32 s3, s2  }
0x5: {  	s2 =	sadd.s32 s2, s18  }
0x6: {  	[smem:$0x3FBD] =	sst s2  }
0x7: {  	_ = 	snop  }
0x8: {  	(tm) =	ssettm $0x1  }
0x9: {  	s19 =	sld [smem:$0x3FFB];
	_ =	sdelay $0x3  }
0xa: {  	_ =	strace s19  }
0xb: {  	s2 =	sld [smem:$0x3FFC];
	_ =	sdelay $0x3  }
0xc: {  	_ =	strace s2  }
0xd: {  	s2 =	sld [smem:$0x3FFD];
	_ =	sdelay $0x3  }
0xe: {  	_ =	strace s2  }
0xf: {  	_ =	strace $0x8FFFFFFF  }
0x10: {  	s20 =	sld [smem:$0x3FDB];
	_ =	sdelay $0x1  }
0x11: {  	s21 =	simm.s32 $_scs_section_size  }
0x12: {  	s4 =	simm.s32 $_size__tile_overlayer_lowered;
	s5 =	simm.s32 $_tile_overlayer_lowered  }
0x13: {  	s6 =	simm.s32 $0x1BFF;
	s22 =	sshll.u32 s5, $0x1;
	s3 =	sadd.s32 s21, s20  }
0x14: {  	s23 =	simm.s32 $0x0;
	s4 =	sshll.u32 s4, $0x1;
	s5 =	sadd.s32 s22, s3  }
0x15: {  	[timem:s23], [sflag:s6] =	dma.local [hbm:s5], s4  }
0x16: {  	_ =	swait.ge [sflag:s6], s4  }
0x17: {  	s4 =	ssub.s32 $0x0, s4;
	[sflag:s6] =	ssyncset.done $0x0  }
0x18: {  	[sflag:s6] =	ssyncadd.s32 s4;
	_ =	sdelay $0x1  }
0x19: {  	s24 =	simm.s32 $0x1B8B  }
0x1a: {  	_ =	swait.ge [sflag:s24], $0x1  }
0x1b: {  	[sflag:s24] =	ssyncset.done $0x0  }
0x1c: {  	[sflag:s24] =	ssyncadd.s32 $0xFFFFFFFF  }
0x1d: {  	s4 =	sld [smem:$0x0]  }
0x1e: {  	s5 =	sand.u32 $0xFFFFFFFE, s1  }
0x1f: {  	p0 =	sne.s32 s1, s5  }
0x20: {  	s5 =	sshll.u32 @p0 s5, $0xE  }
0x21: {  	s5 =	sadd.s32 @p0 $0x11B8D, s5;
	s6 =	sshll.u32 @p0 s4, $0x11  }
0x22: {  	s5 =	sor.u32 @p0 s6, s5  }
0x23: {  	[sflag:s5] =	ssyncadd.remote.s32 @p0 $0x1;
	_ =	sdelay $0x1  }
0x24: {  	s5 =	simm.s32 @p0 $0x1B8D  }
0x25: {  	_ =	swait.eq @p0 [sflag:s5], $0x1  }
0x26: {  	[sflag:s5] =	ssyncadd.s32 @p0 $0xFFFFFFFF  }
0x27: {  	s6 =	sshll.u32 @!p0 s1, $0xE  }
0x28: {  	s6 =	sor.u32 @!p0 $0x4000, s6;
	s5 =	simm.s32 @!p0 $0x1B8D  }
0x29: {  	s4 =	sshll.u32 @!p0 s4, $0x11;
	s6 =	sadd.s32 @!p0 $0x11B8D, s6;
	_ =	swait.eq @!p0 [sflag:s5], $0x1  }
0x2a: {  	s4 =	sor.u32 @!p0 s4, s6;
	[sflag:s5] =	ssyncadd.s32 @!p0 $0xFFFFFFFF  }
0x2b: {  	s26 =	simm.s32 $0x1B8E;
	s25 =	sld [smem:$0x3FFE];
	[sflag:s4] =	ssyncadd.remote.s32 @!p0 $0x1  }
0x2c: {  	s27 =	simm.s32 $execute0_lowered;
	[smem:$0x3FD2] =	sst s26  }
0x2d: {  	s5 =	sshll.u32 s27, $0x1;
	_ =	strace $0x80000049;
	[dreg:$0x1] =	wrdreg $0xFFFFFFFF  }
0x2e: {  	s28 =	simm.s32 $_size_execute0_lowered;
	s3 =	sadd.s32 s3, s5;
	[dreg:$0x0] =	wrdreg $0x0  }
0x2f: {  	s5 =	sshll.u32 s28, $0x1;
	[dreg:$0x2] =	wrdreg s3  }
0x30: {  	[dreg:$0x3] =	wrdreg s5  }
0x31: {  	[dreg:$0x4] =	wrdreg $0xC0  }
0x32: {  	_ =	task [dreg:s23], $0x5FFFF  }
0x33: {  	[dreg:$0x1] =	wrdreg $0xFFFFFFFF  }
0x34: {  	[dreg:$0x0] =	wrdreg $0x60  }
0x35: {  	[dreg:$0x2] =	wrdreg s25  }
0x36: {  	[dreg:$0x3] =	wrdreg $0x9  }
0x37: {  	_ =	task.clear_ibuf [dreg:s23], $0x4FFFF;
	_ =	strace $0x90000049  }
0x38: {  	s29 =	simm.s32 $0x9;
	_ =	strace $0x8000004B  }
0x39: {  	_ =	swait.ge [sflag:s29], $0x1  }
0x3a: {  	[sflag:s29] =	ssyncadd.s32 $0xFFFFFFFF  }
0x3b: {  	_ =	strace $0x9000004B  }
0x3c: {  	_ =	sfence  }
0x3d: {  	s30 =	sld [smem:$0x0];
	_ =	sdelay $0x2  }
0x3e: {  	s31 =	sshll.u32 s1, $0xD;
	s1 =	sshrl.u32 s1, $0x2  }
0x3f: {  	s4 =	sand.u32 $0x4000, s31;
	s1 =	sadd.s32 s1, s30  }
0x40: {  	s0 =	sor.u32 s4, s0;
	s1 =	sshll.u32 s1, $0x11  }
0x41: {  	s0 =	sor.u32 s1, s0  }
0x42: {  	s0 =	sadd.s32 $0x8F2B, s0  }
0x43: {  	[sflag:s0] =	ssyncadd.remote.s32 $0x1  }
0x44: {  	_ =	sfence.sel $0xFFFF  }
0x45: {  	[dreg:$0x0] =	wrdreg $0xFFFFFFFF;
	(pc) =	sbr.abs _section_cstart, $3  }
0x46: {  	[dreg:$0x1] =	wrdreg $0xFFFFFFFF  }
0x47: {  	_ =	task.clear_ibuf [dreg:s23], $0x2FFFF;
	_ =	strace $0x9FFFFFFF  }
0x48: {  	(tm) =	ssettm $0x7FFFFFFF  }
0x49: {  	_ =	shalt  }
tec
execute0_lowered:
.L_overlay_start_1:
0x0: {  	(tag) =	ssettag $0x1  }
0x1: {  	s0 =	srdreg.scid  }
0x2: {  	s1 =	sshll.u32 s0, $0x4  }
0x3: {  	s4 =	rddreg [dreg:$0x0];
	s0 =	stileid.u32;
	s1 =	sand.u32 $0x10, s1  }
0x4: {  	s7 =	simm.s32 $0x1;
	s8 =	simm.s32 $0x2;
	s2 =	sor.u32 s0, s1  }
0x5: {  	s9 =	simm.s32 $0x0;
	s12 =	simm.s32 $0x0;
	s2 =	sshll.u32 s2, $0x2  }
0x6: {  	s11 =	simm.s32 $0x0;
	s3 =	sadd.s32 $0x1AB200, s4;
	s6 =	ssub.s32 $0xAA0, s2  }
.Ltmp0:
0x7: {  	s4 =	sadd.s32 $0x453200, s4;
	s5 =	sand.u32 $0x7C, s6;
	(pc) =	sbr.rel .LBB1_1-.Ltmp0, $4  }
0x8: {  	s1 =	rddreg [dreg:$0x1];
	_ =	strace $0x8000004A;
	p0 =	sne.s32 s5, $0x0  }
0x9: {  	s6 =	sshrl.u32 s6, $0x7;
	s5 =	simm.s32 $0x1;
	s7 =	simm.s32 @!p0 $0x0  }
0xa: {  	s10 =	smov.u32 s2;
	[sflag:s5] =	ssyncpa.u1 $0x0;
	s6 =	sadd.s32 s7, s6  }
0xb: {  	[sflag:s8] =	ssyncpa.u1 $0x0;
	s8 =	simm.s32 $0x0;
	s7 =	sadd.s32 $0x1, s6  }
.LBB1_9:
0xc: {  	s14 =	sadd.s32 $0x80, s10  }
0xd: {  	p1 =	sgt.s32 s14, $0xA9F  }
0xe: {  	s14 =	smov.u32 @p1 s2;
	p1 =	sne.s32 s11, s7  }
.Ltmp1:
0xf: {  	p0 =	slt.u32 s11, $0x2;
	(pc) =	sbr.rel @!p1 .LBB1_10-.Ltmp1, $4  }
0x10: {  	s13 =	simm.s32 @!p0 $0x2  }
0x11: {  	s15 =	sadd.s32 $0x1, s11;
	_ =	swait.ge @!p0 [sflag:s13], $0x4000  }
0x12: {  	s12 =	smov.u32 s10;
	s9 =	sadd.s32 $0x4000, s9;
	[sflag:s13] =	ssyncset.done @!p0 $0x0  }
0x13: {  	s11 =	smov.u32 s15;
	s10 =	smov.u32 s14;
	[sflag:s13] =	ssyncadd.s32 @!p0 $0xFFFFC000  }
.LBB1_1:
0x14: {  	p0 =	sge.u32 s11, s6  }
0x15: {  	s13 =	sxor.u32 @!p0 $0xFFFFFFFF, s11  }
0x16: {  	s31 =	sadd.s32 $0xFFFFFFFF, s11;
	s14 =	sshll.u32 @!p0 s10, $0x9;
	s13 =	sshll.u32 @!p0 s13, $0xE  }
0x17: {  	s15 =	simm.s32 @!p0 $0x0;
	s14 =	sadd.s32 @!p0 s3, s14;
	s13 =	sand.u32 @!p0 $0x4000, s13  }
0x18: {  	[tilespmem:s13], [sflag:$0x1] =	stream.linear.gather @!p0 [hbm4b:s14+s15], $0x4000, $0x38;
	[tilespmem:$0x10000] =	vst v63  }
0x19: {  	p0 =	sge.u32 s31, s6  }
.Ltmp2:
0x1a: {  	_ = 	snop;
	(pc) =	sbr.rel @p0 .LBB1_9-.Ltmp2, $1  }
0x1b: {  	_ =	sdelay $0x3  }
0x1c: {  	s14 =	sand.u32 $0x4000, s9  }
0x1d: {  	_ =	swait.ge [sflag:s5], $0x4000;
	s15 =	sshll.u32 s11, $0xE;
	s16 =	simm.s32 $0x0  }
0x1e: {  	s13 =	sor.u32 $0x40, s14;
	[sflag:s5] =	ssyncset.done $0x0;
	s15 =	sand.u32 $0x4000, s15  }
0x1f: {  	s14 =	sor.u32 $0x8040, s14;
	[sflag:s5] =	ssyncadd.s32 $0xFFFFC000;
	s15 =	sor.u32 $0x8000, s15  }
.LBB1_3:
0x20: {  	s17 =	smov.u32 s14;
	s18 =	smov.u32 s13;
	s19 =	simm.s32 $0x0  }
.LBB1_4:
0x21: {  	v0 =	vmov s17;
	v2 =	vld [tilespmem:s18+$0x30]  }
0x22: {  	v4 =	vld [tilespmem:s18+$0xFFFFFFD0]  }
0x23: {  	v6 =	vld [tilespmem:s18+$0xFFFFFFE0]  }
0x24: {  	v7 =	vld [tilespmem:s18+$0xFFFFFFF0]  }
0x25: {  	s20 =	simm.s32 $0x0;
	v1 =	vld [tilespmem:s18+$0x0]  }
0x26: {  	v3 =	vld [tilespmem:s18+$0x10];
	[tilespmem:v0+s20+$0x30 ss:$0x1] =	vst.idx.msk $0xffff, v2  }
0x27: {  	v5 =	vld [tilespmem:s18+$0x20];
	[tilespmem:v0+s20+$0xFFFFFFD0 ss:$0x1] =	vst.idx.msk $0xffff, v4  }
0x28: {  	s21 =	sadd.s32 $0x80, s18;
	v2 =	vld [tilespmem:s18+$0xFFFFFFC0];
	[tilespmem:v0+s20+$0xFFFFFFE0 ss:$0x1] =	vst.idx.msk $0xffff, v6  }
0x29: {  	s22 =	simm.s32 $0x800;
	s23 =	simm.s32 $0x1000;
	v4 =	vld [tilespmem:s21+$0x30];
	[tilespmem:v0+s20+$0xFFFFFFF0 ss:$0x1] =	vst.idx.msk $0xffff, v7  }
.LBB1_5:
0x2a: {  	p0 =	sne.s32 s23, $0x3800;
	v6 =	vld [tilespmem:s21+$0xFFFFFFD0];
	[tilespmem:v0+s20+$0x0 ss:$0x1] =	vst.idx.msk $0xffff, v1  }
0x2b: {  	v7 =	vld [tilespmem:s21+$0xFFFFFFE0];
	[tilespmem:v0+s20+$0x10 ss:$0x1] =	vst.idx.msk $0xffff, v3  }
0x2c: {  	v8 =	vld [tilespmem:s21+$0xFFFFFFF0];
	[tilespmem:v0+s20+$0x20 ss:$0x1] =	vst.idx.msk $0xffff, v5  }
.Ltmp3:
0x2d: {  	v1 =	vld [tilespmem:s21+$0x0];
	[tilespmem:v0+s20+$0xFFFFFFC0 ss:$0x1] =	vst.idx.msk $0xffff, v2;
	s20 =	sshra.s32 s22, $0x2;
	s22 =	smov.u32 s23;
	(pc) =	sbr.rel @p0 .LBB1_5-.Ltmp3, $4  }
0x2e: {  	v3 =	vld [tilespmem:s21+$0x10];
	[tilespmem:v0+s20+$0x30 ss:$0x1] =	vst.idx.msk $0xffff, v4  }
0x2f: {  	[tilespmem:v0+s20+$0xFFFFFFD0 ss:$0x1] =	vst.idx.msk $0xffff, v6;
	v5 =	vld [tilespmem:s21+$0x20]  }
0x30: {  	v2 =	vld [tilespmem:s21+$0xFFFFFFC0];
	[tilespmem:v0+s20+$0xFFFFFFE0 ss:$0x1] =	vst.idx.msk $0xffff, v7;
	s21 =	sadd.s32 $0x80, s21  }
0x31: {  	s23 =	sadd.s32 $0x800, s23;
	v4 =	vld [tilespmem:s21+$0x30];
	[tilespmem:v0+s20+$0xFFFFFFF0 ss:$0x1] =	vst.idx.msk $0xffff, v8  }
0x32: {  	_ =	sdelay $0x3  }
0x33: {  	v6 =	vld [tilespmem:s21+$0xFFFFFFD0];
	[tilespmem:v0+s20+$0x0 ss:$0x1] =	vst.idx.msk $0xffff, v1  }
0x34: {  	v58 =	vld [tilespmem:s21+$0xFFFFFFE0];
	[tilespmem:v0+s20+$0x10 ss:$0x1] =	vst.idx.msk $0xffff, v3  }
0x35: {  	v59 =	vld [tilespmem:s21+$0xFFFFFFF0];
	[tilespmem:v0+s20+$0x20 ss:$0x1] =	vst.idx.msk $0xffff, v5  }
0x36: {  	s22 =	sshra.s32 s22, $0x2;
	v60 =	vld [tilespmem:s21+$0x0];
	[tilespmem:v0+s20+$0xFFFFFFC0 ss:$0x1] =	vst.idx.msk $0xffff, v2  }
0x37: {  	v61 =	vld [tilespmem:s21+$0x10];
	[tilespmem:v0+s22+$0x30 ss:$0x1] =	vst.idx.msk $0xffff, v4  }
0x38: {  	v62 =	vld [tilespmem:s21+$0x20];
	s19 =	sadd.s32 $0x1, s19;
	[tilespmem:v0+s22+$0xFFFFFFD0 ss:$0x1] =	vst.idx.msk $0xffff, v6  }
0x39: {  	v63 =	vld [tilespmem:s21+$0xFFFFFFC0];
	p0 =	sne.s32 s19, $0x4;
	[tilespmem:v0+s22+$0xFFFFFFE0 ss:$0x1] =	vst.idx.msk $0xffff, v58  }
.Ltmp4:
0x3a: {  	[tilespmem:v0+s22+$0xFFFFFFF0 ss:$0x1] =	vst.idx.msk $0xffff, v59;
	(pc) =	sbr.rel @p0 .LBB1_4-.Ltmp4, $4  }
0x3b: {  	[tilespmem:v0+s22+$0x0 ss:$0x1] =	vst.idx.msk $0xffff, v60  }
0x3c: {  	[tilespmem:v0+s22+$0x10 ss:$0x1] =	vst.idx.msk $0xffff, v61  }
0x3d: {  	[tilespmem:v0+s22+$0x20 ss:$0x1] =	vst.idx.msk $0xffff, v62  }
0x3e: {  	s18 =	sadd.s32 $0x400, s18;
	s17 =	sadd.s32 $0x80, s17;
	[tilespmem:v0+s22+$0xFFFFFFC0 ss:$0x1] =	vst.idx.msk $0xffff, v63  }
0x3f: {  	s16 =	sadd.s32 $0x1, s16  }
0x40: {  	p0 =	sne.s32 s16, $0x4  }
.Ltmp5:
0x41: {  	_ = 	snop;
	(pc) =	sbr.rel @p0 .LBB1_3-.Ltmp5, $2  }
0x42: {  	_ =	sdelay $0x2  }
0x43: {  	s13 =	sadd.s32 $0x1000, s13;
	s14 =	sadd.s32 $0x1000, s14  }
.Ltmp6:
0x44: {  	(pc) =	sbr.rel .LBB1_9-.Ltmp6, $4  }
0x45: {  	_ = 	snop  }
0x46: {  	s12 =	sshll.u32 s12, $0x9  }
0x47: {  	s12 =	sadd.s32 s4, s12  }
0x48: {  	[hbm4b:s12+s8] =	stream.linear.scatter [tilespmem:s15], [sflag:$0x2], $0x4000, $0x38;
	[tilespmem:$0x10000] =	vst v63  }
.LBB1_10:
0x49: {  	_ =	sfence.sel $0x180000  }
0x4a: {  	s2 =	simm.s32 $0x1;
	[bflag:$0x0] =	sbarrier.arrive $0xFFFF  }
0x4b: {  	s31 =	simm.s32 $0x2;
	[sflag:s2] =	ssyncpa.u1 $0x1  }
0x4c: {  	[sflag:s31] =	ssyncpa.u1 $0x1  }
0x4d: {  	p0 =	sne.s32 s0, $0x0;
	_ =	strace $0x9000004A  }
0x4e: {  	s0 =	sadd.s32 @!p0 $0x100000, s1;
	[bflag:$0x2] =	sbarrier.arrive $0xFFFF  }
0x4f: {  	[sflag:s0] =	ssyncadd.tile.s32 @!p0 $0x1;
	_ =	shalt  }
.Lfunc_end1:
_tile_overlayer_lowered:
.L_overlay_start_2:
0x50: {  	(tag) =	ssettag $0x2  }
0x51: {  	s0 =	rddreg [dreg:$0x0];
	s2 =	stileid.u32  }
0x52: {  	s1 =	rddreg [dreg:$0x1];
	p0 =	sne.s32 s2, $0x0  }
0x53: {  	s3 =	rddreg [dreg:$0x2];
	[bflag:$0x3] =	sbarrier.arrive $0xFFFF;
	s2 =	simm.s32 @!p0 $0x1C01  }
0x54: {  	[timem:s3], [sflag:s2] =	dma.local @!p0 [hbm:s0], s1  }
0x55: {  	s0 =	simm.s32 @!p0 $0x1  }
0x56: {  	_ =	swait.ge @!p0 [sflag:s0], s1  }
0x57: {  	s1 =	ssub.s32 @!p0 $0x0, s1;
	[sflag:s0] =	ssyncset.done @!p0 $0x0  }
0x58: {  	[sflag:s0] =	ssyncadd.s32 @!p0 s1  }
0x59: {  	[bflag:$0x3] =	sbarrier.arrive $0xFFFF  }
0x5a: {  	_ =	shalt  }

</sc_bundles>
